<compile_context>
chip_gen: v7x
topology: tpu7x:2x2x1
jax: 0.10.2.dev20260603
libtpu: 0.0.44.dev20260713+nightly
codegen_flags: <defaults>
</compile_context>

<pallas_src>
import jax
import jax.numpy as jnp
from jax import lax
from jax.experimental import pallas as pl
from jax.experimental.pallas import tpu as pltpu
from jax.experimental.pallas import tpu_sc as plsc

N = 10000
E = 320000
F_IN = 128
C = 40

NC = 2
NS = 16
NW = NC * NS
L = 16

D = 48
RPT = N // NS
N_PAD = 10240
RPD = N_PAD // NS

EW = E // NW
SUB = 80
NB = 5
NSUB = EW // SUB
NG = NSUB // NB



def _sc_mesh():
  return plsc.VectorSubcoreMesh(core_axis_name="c", subcore_axis_name="s")


def _deg_body(ei_hbm, deg_out, idx_v, deg_local, res_v, deg_sh, tmp_v):
  c = lax.axis_index("c")
  s = lax.axis_index("s")
  wid = c * NS + s

  zeros16 = jnp.zeros((L,), jnp.float32)
  @pl.loop(0, N_PAD // L)
  def _(i):
    deg_local[pl.ds(i * L, L)] = zeros16

  pltpu.sync_copy(ei_hbm.at[pl.ds(E + wid * EW, EW)], idx_v)
  ones16 = jnp.ones((L,), jnp.float32)
  @pl.loop(0, EW // L)
  def _(i):
    idx = idx_v[pl.ds(i * L, L)]
    plsc.addupdate_scatter(deg_local, [idx], ones16)

  pltpu.sync_copy(deg_local, deg_sh.at[s])
  plsc.subcore_barrier()
  rs = s * RPD
  for t in range(NS):
    pltpu.sync_copy(deg_sh.at[t, pl.ds(rs, RPD)], tmp_v.at[t])
  @pl.loop(0, RPD // L)
  def _(i):
    acc = tmp_v[0, pl.ds(i * L, L)]
    for t in range(1, NS):
      acc = acc + tmp_v[t, pl.ds(i * L, L)]
    res_v[pl.ds(i * L, L)] = acc
  pltpu.sync_copy(res_v, deg_out.at[c, pl.ds(rs, RPD)])


def _sc_degree(edge_index):
  return pl.kernel(
      _deg_body,
      out_type=jax.ShapeDtypeStruct((NC, N_PAD), jnp.float32),
      mesh=_sc_mesh(),
      compiler_params=pltpu.CompilerParams(needs_layout_passes=False),
      scratch_types=[
          pltpu.VMEM((EW,), jnp.int32),
          pltpu.VMEM((N_PAD,), jnp.float32),
          pltpu.VMEM((RPD,), jnp.float32),
          pltpu.VMEM_SHARED((NS, N_PAD), jnp.float32),
          pltpu.VMEM((NS, RPD), jnp.float32),
      ],
  )(edge_index)


def _prop_body(z_hbm, ei_hbm, zero_hbm, out_hbm,
               srcidx_v, dstidx_v, rows_v, obuf, z_sh, acc_sh, gsem, ssem):
  c = lax.axis_index("c")
  s = lax.axis_index("s")
  wid = c * NS + s
  rs = s * RPT

  pltpu.sync_copy(ei_hbm.at[pl.ds(wid * EW, EW)], srcidx_v)
  pltpu.sync_copy(ei_hbm.at[pl.ds(E + wid * EW, EW)], dstidx_v)

  pltpu.sync_copy(z_hbm.at[pl.ds(rs, RPT)], obuf)
  pltpu.sync_copy(obuf, z_sh.at[pl.ds(rs, RPT)])
  @pl.when(c == 1)
  def _():
    pltpu.sync_copy(zero_hbm, obuf)
  pltpu.sync_copy(obuf, acc_sh.at[pl.ds(rs, RPT)])
  plsc.subcore_barrier()

  @pl.loop(0, NSUB)
  def _(j):
    eo = j * SUB
    pltpu.async_copy(
        z_sh.at[srcidx_v.at[pl.ds(eo, SUB)]], rows_v, gsem).wait()
    pltpu.async_copy(
        rows_v, acc_sh.at[dstidx_v.at[pl.ds(eo, SUB)]], ssem, add=True
    ).wait()

  plsc.subcore_barrier()
  pltpu.sync_copy(acc_sh.at[pl.ds(rs, RPT)], obuf)
  pltpu.sync_copy(obuf, out_hbm.at[c, pl.ds(rs, RPT)])


def _sc_prop(z, edge_index, zero_rows):
  return pl.kernel(
      _prop_body,
      out_type=jax.ShapeDtypeStruct((NC, N, D), jnp.float32),
      mesh=_sc_mesh(),
      compiler_params=pltpu.CompilerParams(use_tc_tiling_on_sc=False),
      scratch_types=[
          pltpu.VMEM((EW,), jnp.int32),
          pltpu.VMEM((EW,), jnp.int32),
          pltpu.VMEM((SUB, D), jnp.float32),
          pltpu.VMEM((RPT, D), jnp.float32),
          pltpu.VMEM_SHARED((N, D), jnp.float32),
          pltpu.VMEM_SHARED((N, D), jnp.float32),
          pltpu.SemaphoreType.DMA,
          pltpu.SemaphoreType.DMA,
      ],
  )(z, edge_index, zero_rows)



BN = 400


def _tc_project_body(x_ref, wt_ref, o_ref):
  o_ref[:] = jnp.dot(x_ref[:], wt_ref[:], preferred_element_type=jnp.float32)


def _tc_project(x, wt_pad):
  return pl.pallas_call(
      _tc_project_body,
      grid=(N // BN,),
      in_specs=[
          pl.BlockSpec((BN, F_IN), lambda i: (i, 0)),
          pl.BlockSpec((F_IN, D), lambda i: (0, 0)),
      ],
      out_specs=pl.BlockSpec((BN, D), lambda i: (i, 0)),
      out_shape=jax.ShapeDtypeStruct((N, D), jnp.float32),
  )(x, wt_pad)


def _tc_scale0_body(deg_ref, y_ref, z_ref, dinv_ref):
  d = deg_ref[:, 0:1] + deg_ref[:, 1:2] + 1.0
  dv = lax.rsqrt(d)
  dinv_ref[:] = dv
  z_ref[:] = y_ref[:] * dv


def _tc_scale0(deg_t, y):
  return pl.pallas_call(
      _tc_scale0_body,
      grid=(N // BN,),
      in_specs=[
          pl.BlockSpec((BN, NC), lambda i: (i, 0)),
          pl.BlockSpec((BN, D), lambda i: (i, 0)),
      ],
      out_specs=[
          pl.BlockSpec((BN, D), lambda i: (i, 0)),
          pl.BlockSpec((BN, 1), lambda i: (i, 0)),
      ],
      out_shape=[
          jax.ShapeDtypeStruct((N, D), jnp.float32),
          jax.ShapeDtypeStruct((N, 1), jnp.float32),
      ],
  )(deg_t, y)


def _tc_mid_body(p_ref, dinv_ref, z_ref):
  dv = dinv_ref[:]
  z_ref[:] = (p_ref[0] + p_ref[1]) * (dv * dv)


def _tc_mid(parts, dinv):
  return pl.pallas_call(
      _tc_mid_body,
      grid=(N // BN,),
      in_specs=[
          pl.BlockSpec((NC, BN, D), lambda i: (0, i, 0)),
          pl.BlockSpec((BN, 1), lambda i: (i, 0)),
      ],
      out_specs=pl.BlockSpec((BN, D), lambda i: (i, 0)),
      out_shape=jax.ShapeDtypeStruct((N, D), jnp.float32),
  )(parts, dinv)


def _tc_final_body(q_ref, dinv_ref, b_ref, o_ref):
  h = (q_ref[0] + q_ref[1]) * dinv_ref[:]
  logits = h[:, :C] + b_ref[:]
  m = jnp.max(logits, axis=1, keepdims=True)
  e = jnp.exp(logits - m)
  lse = jnp.log(jnp.sum(e, axis=1, keepdims=True)) + m
  o_ref[:] = logits - lse


def _tc_final(parts, dinv, b_row):
  return pl.pallas_call(
      _tc_final_body,
      grid=(N // BN,),
      in_specs=[
          pl.BlockSpec((NC, BN, D), lambda i: (0, i, 0)),
          pl.BlockSpec((BN, 1), lambda i: (i, 0)),
          pl.BlockSpec((1, C), lambda i: (0, 0)),
      ],
      out_specs=pl.BlockSpec((BN, C), lambda i: (i, 0)),
      out_shape=jax.ShapeDtypeStruct((N, C), jnp.float32),
  )(parts, dinv, b_row)



@jax.jit
def kernel(x, edge_index, W, b):
  ei = edge_index.astype(jnp.int32).reshape(2 * E)
  wt_pad = jnp.pad(W.T, ((0, 0), (0, D - C)))
  b_row = b.reshape(1, C)
  zero_rows = jnp.zeros((RPT, D), jnp.float32)

  y = _tc_project(x, wt_pad)
  deg_parts = _sc_degree(ei)
  z0, dinv = _tc_scale0(deg_parts.T[:N], y)
  s1 = _sc_prop(z0, ei, zero_rows)
  z1 = _tc_mid(s1, dinv)
  s2 = _sc_prop(z1, ei, zero_rows)
  return _tc_final(s2, dinv, b_row)

# --- scband reference (transcript-rebuilt; emitter-appended) ---
"""Pipeline reference for scband-sgc-net-78030965834313 (READ-ONLY COPY).

The authoritative reference and input builder live on the scoring server;
editing this copy changes nothing except your own understanding.
"""

import jax, jax.numpy as jnp
import numpy as np

N = 10000
E = 320000
F_IN = 128
C = 40
K = 2


def setup_inputs(seed: int = 0) -> dict:
    key = jax.random.key(seed)
    k1, k2, k3 = jax.random.split(key, 3)
    x = jax.random.normal(k1, (N, F_IN), dtype=jnp.float32)
    edge_index = jax.random.randint(k2, (2, E), 0, N, dtype=jnp.int32)
    # SGConv linear layer params (applied after K propagation steps)
    W = jax.random.normal(k3, (C, F_IN), dtype=jnp.float32) * (1.0 / np.sqrt(F_IN))
    b = jnp.zeros((C,), dtype=jnp.float32)
    return {"x": x, "edge_index": edge_index, "W": W, "b": b}


def reference(x, edge_index, W, b):
    # SGConv with K=2, add_self_loops=True, symmetric GCN normalization
    src = edge_index[0]
    dst = edge_index[1]
    loop = jnp.arange(N, dtype=src.dtype)
    src = jnp.concatenate([src, loop])
    dst = jnp.concatenate([dst, loop])
    ones = jnp.ones(src.shape[0], dtype=x.dtype)
    deg = jax.ops.segment_sum(ones, dst, num_segments=N)
    dinv = jnp.where(deg > 0, jax.lax.rsqrt(deg), 0.0)
    norm = dinv[src] * dinv[dst]
    h = x
    for _ in range(K):
        msgs = h[src] * norm[:, None]
        h = jax.ops.segment_sum(msgs, dst, num_segments=N)
    out = h @ W.T + b
    return jax.nn.log_softmax(out, axis=1)

if __name__ == "__main__":
    import jax
    _d = setup_inputs()
    print(jax.jit(kernel)(*tuple(_d.values())))

</pallas_src>

<mosaic_0001>
#map = affine_map<(d0, d1) -> (0, 0)>
#map1 = affine_map<(d0, d1) -> (0)>
#map2 = affine_map<(d0, d1) -> (0, 0, 0)>
module attributes {stable_mosaic.version = 14 : i64} {
  func.func @_prop_body(%arg0: i32, %arg1: i32, %arg2: memref<10000x48xf32, #tpu.memory_space<hbm>>, %arg3: memref<640000xi32, #tpu.memory_space<hbm>>, %arg4: memref<625x48xf32, #tpu.memory_space<hbm>>, %arg5: memref<2x10000x48xf32, #tpu.memory_space<hbm>>, %arg6: memref<10000xi32, #tpu.memory_space<vmem>>, %arg7: memref<10000xi32, #tpu.memory_space<vmem>>, %arg8: memref<80x48xf32, #tpu.memory_space<vmem>>, %arg9: memref<625x48xf32, #tpu.memory_space<vmem>>, %arg10: memref<10000x48xf32, #tpu.memory_space<vmem_shared>>, %arg11: memref<10000x48xf32, #tpu.memory_space<vmem_shared>>, %arg12: memref<!tpu.dma_semaphore, #tpu.memory_space<semaphore_mem>>, %arg13: memref<!tpu.dma_semaphore, #tpu.memory_space<semaphore_mem>>) attributes {dimension_semantics = [#tpu.dimension_semantics<core_parallel>, #tpu.dimension_semantics<subcore_parallel>], iteration_bounds = array<i64: 2, 16>, scalar_prefetch = 0 : i64, scratch_operands = 8 : i64, tpu.core_type = #tpu.core_type<sc_vector_subcore>, window_params = [{transform_indices = #map}, {transform_indices = #map1}, {transform_indices = #map}, {transform_indices = #map2}]} {
    %mul3A = arith.constant 16 : i32
    %mul3A_0 = arith.muli %arg0, %mul3A : i32
    %add3A = arith.addi %mul3A_0, %arg1 : i32
    %mul3A_1 = arith.constant 625 : i32
    %mul3A_2 = arith.muli %arg1, %mul3A_1 : i32
    %mul3A_3 = arith.constant 10000 : i32
    %mul3A_4 = arith.muli %add3A, %mul3A_3 : i32
    "tpu.region"() ({
      %run_scoped3A = tpu.sem_alloc : memref<!tpu.dma_semaphore, #tpu.memory_space<semaphore_mem>>
      %dma_start3A = tpu.memref_slice %arg3[%mul3A_4] : memref<640000xi32, #tpu.memory_space<hbm>> -> memref<10000xi32, #tpu.memory_space<hbm>>
      %dma_start3A_16 = tpu.memref_slice %arg3[%mul3A_4] : memref<640000xi32, #tpu.memory_space<hbm>> -> memref<10000xi32, #tpu.memory_space<hbm>>
      tpu.enqueue_dma source(%dma_start3A_16 : memref<10000xi32, #tpu.memory_space<hbm>>) target(%arg6 : memref<10000xi32, #tpu.memory_space<vmem>>) target_semaphore(%run_scoped3A : memref<!tpu.dma_semaphore, #tpu.memory_space<semaphore_mem>>)
      %dma_wait3A = tpu.memref_slice %arg3[%mul3A_4] : memref<640000xi32, #tpu.memory_space<hbm>> -> memref<10000xi32, #tpu.memory_space<hbm>>
      %dma_wait3A_17 = tpu.memref_slice %arg3[%mul3A_4] : memref<640000xi32, #tpu.memory_space<hbm>> -> memref<10000xi32, #tpu.memory_space<hbm>>
      tpu.wait_dma2 semaphore(%run_scoped3A : memref<!tpu.dma_semaphore, #tpu.memory_space<semaphore_mem>>) src(%dma_wait3A_17 : memref<10000xi32, #tpu.memory_space<hbm>>) dst(%arg6 : memref<10000xi32, #tpu.memory_space<vmem>>)
      tpu.yield
    }) : () -> ()
    %mul3A_5 = arith.constant 10000 : i32
    %mul3A_6 = arith.muli %add3A, %mul3A_5 : i32
    %add3A_7 = arith.constant 320000 : i32
    %add3A_8 = arith.addi %add3A_7, %mul3A_6 : i32
    "tpu.region"() ({
      %run_scoped3A = tpu.sem_alloc : memref<!tpu.dma_semaphore, #tpu.memory_space<semaphore_mem>>
      %dma_start3A = tpu.memref_slice %arg3[%add3A_8] : memref<640000xi32, #tpu.memory_space<hbm>> -> memref<10000xi32, #tpu.memory_space<hbm>>
      %dma_start3A_16 = tpu.memref_slice %arg3[%add3A_8] : memref<640000xi32, #tpu.memory_space<hbm>> -> memref<10000xi32, #tpu.memory_space<hbm>>
      tpu.enqueue_dma source(%dma_start3A_16 : memref<10000xi32, #tpu.memory_space<hbm>>) target(%arg7 : memref<10000xi32, #tpu.memory_space<vmem>>) target_semaphore(%run_scoped3A : memref<!tpu.dma_semaphore, #tpu.memory_space<semaphore_mem>>)
      %dma_wait3A = tpu.memref_slice %arg3[%add3A_8] : memref<640000xi32, #tpu.memory_space<hbm>> -> memref<10000xi32, #tpu.memory_space<hbm>>
      %dma_wait3A_17 = tpu.memref_slice %arg3[%add3A_8] : memref<640000xi32, #tpu.memory_space<hbm>> -> memref<10000xi32, #tpu.memory_space<hbm>>
      tpu.wait_dma2 semaphore(%run_scoped3A : memref<!tpu.dma_semaphore, #tpu.memory_space<semaphore_mem>>) src(%dma_wait3A_17 : memref<10000xi32, #tpu.memory_space<hbm>>) dst(%arg7 : memref<10000xi32, #tpu.memory_space<vmem>>)
      tpu.yield
    }) : () -> ()
    "tpu.region"() ({
      %run_scoped3A = tpu.sem_alloc : memref<!tpu.dma_semaphore, #tpu.memory_space<semaphore_mem>>
      %dma_start3A = arith.constant 0 : i32
      %dma_start3A_16 = tpu.memref_slice %arg2[%mul3A_2, %dma_start3A] : memref<10000x48xf32, #tpu.memory_space<hbm>> -> memref<625x48xf32, #tpu.memory_space<hbm>>
      %dma_start3A_17 = arith.constant 0 : i32
      %dma_start3A_18 = tpu.memref_slice %arg2[%mul3A_2, %dma_start3A_17] : memref<10000x48xf32, #tpu.memory_space<hbm>> -> memref<625x48xf32, #tpu.memory_space<hbm>>
      tpu.enqueue_dma source(%dma_start3A_18 : memref<625x48xf32, #tpu.memory_space<hbm>>) target(%arg9 : memref<625x48xf32, #tpu.memory_space<vmem>>) target_semaphore(%run_scoped3A : memref<!tpu.dma_semaphore, #tpu.memory_space<semaphore_mem>>)
      %dma_wait3A = arith.constant 0 : i32
      %dma_wait3A_19 = tpu.memref_slice %arg2[%mul3A_2, %dma_wait3A] : memref<10000x48xf32, #tpu.memory_space<hbm>> -> memref<625x48xf32, #tpu.memory_space<hbm>>
      %dma_wait3A_20 = arith.constant 0 : i32
      %dma_wait3A_21 = tpu.memref_slice %arg2[%mul3A_2, %dma_wait3A_20] : memref<10000x48xf32, #tpu.memory_space<hbm>> -> memref<625x48xf32, #tpu.memory_space<hbm>>
      tpu.wait_dma2 semaphore(%run_scoped3A : memref<!tpu.dma_semaphore, #tpu.memory_space<semaphore_mem>>) src(%dma_wait3A_21 : memref<625x48xf32, #tpu.memory_space<hbm>>) dst(%arg9 : memref<625x48xf32, #tpu.memory_space<vmem>>)
      tpu.yield
    }) : () -> ()
    "tpu.region"() ({
      %run_scoped3A = tpu.sem_alloc : memref<!tpu.dma_semaphore, #tpu.memory_space<semaphore_mem>>
      %dma_start3A = arith.constant 0 : i32
      %dma_start3A_16 = tpu.memref_slice %arg10[%mul3A_2, %dma_start3A] : memref<10000x48xf32, #tpu.memory_space<vmem_shared>> -> memref<625x48xf32, #tpu.memory_space<vmem_shared>>
      %dma_start3A_17 = arith.constant 0 : i32
      %dma_start3A_18 = tpu.memref_slice %arg10[%mul3A_2, %dma_start3A_17] : memref<10000x48xf32, #tpu.memory_space<vmem_shared>> -> memref<625x48xf32, #tpu.memory_space<vmem_shared>>
      tpu.enqueue_dma source(%arg9 : memref<625x48xf32, #tpu.memory_space<vmem>>) target(%dma_start3A_18 : memref<625x48xf32, #tpu.memory_space<vmem_shared>>) target_semaphore(%run_scoped3A : memref<!tpu.dma_semaphore, #tpu.memory_space<semaphore_mem>>)
      %dma_wait3A = arith.constant 0 : i32
      %dma_wait3A_19 = tpu.memref_slice %arg10[%mul3A_2, %dma_wait3A] : memref<10000x48xf32, #tpu.memory_space<vmem_shared>> -> memref<625x48xf32, #tpu.memory_space<vmem_shared>>
      %dma_wait3A_20 = arith.constant 0 : i32
      %dma_wait3A_21 = tpu.memref_slice %arg10[%mul3A_2, %dma_wait3A_20] : memref<10000x48xf32, #tpu.memory_space<vmem_shared>> -> memref<625x48xf32, #tpu.memory_space<vmem_shared>>
      tpu.wait_dma2 semaphore(%run_scoped3A : memref<!tpu.dma_semaphore, #tpu.memory_space<semaphore_mem>>) src(%arg9 : memref<625x48xf32, #tpu.memory_space<vmem>>) dst(%dma_wait3A_21 : memref<625x48xf32, #tpu.memory_space<vmem_shared>>)
      tpu.yield
    }) : () -> ()
    %eq3A = arith.constant 1 : i32
    %eq3A_9 = arith.cmpi eq, %arg0, %eq3A : i32
    %convert_element_type3A = arith.extui %eq3A_9 : i1 to i32
    %cond3A = arith.constant 0 : i32
    %cond3A_10 = arith.cmpi ne, %convert_element_type3A, %cond3A : i32
    scf.if %cond3A_10 {
      "tpu.region"() ({
        %run_scoped3A = tpu.sem_alloc : memref<!tpu.dma_semaphore, #tpu.memory_space<semaphore_mem>>
        tpu.enqueue_dma source(%arg4 : memref<625x48xf32, #tpu.memory_space<hbm>>) target(%arg9 : memref<625x48xf32, #tpu.memory_space<vmem>>) target_semaphore(%run_scoped3A : memref<!tpu.dma_semaphore, #tpu.memory_space<semaphore_mem>>)
        tpu.wait_dma2 semaphore(%run_scoped3A : memref<!tpu.dma_semaphore, #tpu.memory_space<semaphore_mem>>) src(%arg4 : memref<625x48xf32, #tpu.memory_space<hbm>>) dst(%arg9 : memref<625x48xf32, #tpu.memory_space<vmem>>)
        tpu.yield
      }) : () -> ()
    } else {
    }
    "tpu.region"() ({
      %run_scoped3A = tpu.sem_alloc : memref<!tpu.dma_semaphore, #tpu.memory_space<semaphore_mem>>
      %dma_start3A = arith.constant 0 : i32
      %dma_start3A_16 = tpu.memref_slice %arg11[%mul3A_2, %dma_start3A] : memref<10000x48xf32, #tpu.memory_space<vmem_shared>> -> memref<625x48xf32, #tpu.memory_space<vmem_shared>>
      %dma_start3A_17 = arith.constant 0 : i32
      %dma_start3A_18 = tpu.memref_slice %arg11[%mul3A_2, %dma_start3A_17] : memref<10000x48xf32, #tpu.memory_space<vmem_shared>> -> memref<625x48xf32, #tpu.memory_space<vmem_shared>>
      tpu.enqueue_dma source(%arg9 : memref<625x48xf32, #tpu.memory_space<vmem>>) target(%dma_start3A_18 : memref<625x48xf32, #tpu.memory_space<vmem_shared>>) target_semaphore(%run_scoped3A : memref<!tpu.dma_semaphore, #tpu.memory_space<semaphore_mem>>)
      %dma_wait3A = arith.constant 0 : i32
      %dma_wait3A_19 = tpu.memref_slice %arg11[%mul3A_2, %dma_wait3A] : memref<10000x48xf32, #tpu.memory_space<vmem_shared>> -> memref<625x48xf32, #tpu.memory_space<vmem_shared>>
      %dma_wait3A_20 = arith.constant 0 : i32
      %dma_wait3A_21 = tpu.memref_slice %arg11[%mul3A_2, %dma_wait3A_20] : memref<10000x48xf32, #tpu.memory_space<vmem_shared>> -> memref<625x48xf32, #tpu.memory_space<vmem_shared>>
      tpu.wait_dma2 semaphore(%run_scoped3A : memref<!tpu.dma_semaphore, #tpu.memory_space<semaphore_mem>>) src(%arg9 : memref<625x48xf32, #tpu.memory_space<vmem>>) dst(%dma_wait3A_21 : memref<625x48xf32, #tpu.memory_space<vmem_shared>>)
      tpu.yield
    }) : () -> ()
    %barrier3A = arith.constant 0 : index
    tpu.barrier barrier_id(%barrier3A)
    %scan3A = arith.constant 0 : i32
    %scan3A_11 = arith.constant 125 : i32
    %scan3A_12 = arith.addi %scan3A, %scan3A_11 : i32
    %scan3A_13 = arith.constant 1 : i32
    scf.for %scan3A_16 = %scan3A to %scan3A_12 step %scan3A_13  : i32 {
      %mul3A_17 = arith.constant 1 : i32
      %mul3A_18 = arith.muli %scan3A_16, %mul3A_17 : i32
      %add3A_19 = arith.constant 0 : i32
      %add3A_20 = arith.addi %add3A_19, %mul3A_18 : i32
      %mul3A_21 = arith.constant 80 : i32
      %mul3A_22 = arith.muli %add3A_20, %mul3A_21 : i32
      %dma_start3A = tpu.memref_slice %arg6[%mul3A_22] : memref<10000xi32, #tpu.memory_space<vmem>> -> memref<80xi32, #tpu.memory_space<vmem>>
      %dma_start3A_23 = arith.constant 0 : i32
      %dma_start3A_24 = arith.constant 0 : i32
      %dma_start3A_25 = tpu.memref_slice %arg10[%dma_start3A_23, %dma_start3A_24] : memref<10000x48xf32, #tpu.memory_space<vmem_shared>> -> memref<10000x48xf32, #tpu.memory_space<vmem_shared>>
      tpu.enqueue_indirect_dma source(%dma_start3A_25 : memref<10000x48xf32, #tpu.memory_space<vmem_shared>>) target(%arg8 : memref<80x48xf32, #tpu.memory_space<vmem>>) offsets(%dma_start3A : memref<80xi32, #tpu.memory_space<vmem>>) semaphore(%arg12 : memref<!tpu.dma_semaphore, #tpu.memory_space<semaphore_mem>>)
      %dma_wait3A = tpu.memref_slice %arg6[%mul3A_22] : memref<10000xi32, #tpu.memory_space<vmem>> -> memref<80xi32, #tpu.memory_space<vmem>>
      %dma_wait3A_26 = arith.constant 0 : i32
      %dma_wait3A_27 = arith.constant 0 : i32
      %dma_wait3A_28 = tpu.memref_slice %arg10[%dma_wait3A_26, %dma_wait3A_27] : memref<10000x48xf32, #tpu.memory_space<vmem_shared>> -> memref<10000x48xf32, #tpu.memory_space<vmem_shared>>
      tpu.wait_indirect_dma semaphore(%arg12 : memref<!tpu.dma_semaphore, #tpu.memory_space<semaphore_mem>>) src(%dma_wait3A_28 : memref<10000x48xf32, #tpu.memory_space<vmem_shared>>) dst(%arg8 : memref<80x48xf32, #tpu.memory_space<vmem>>)
      %dma_start3A_29 = tpu.memref_slice %arg7[%mul3A_22] : memref<10000xi32, #tpu.memory_space<vmem>> -> memref<80xi32, #tpu.memory_space<vmem>>
      %dma_start3A_30 = arith.constant 0 : i32
      %dma_start3A_31 = arith.constant 0 : i32
      %dma_start3A_32 = tpu.memref_slice %arg11[%dma_start3A_30, %dma_start3A_31] : memref<10000x48xf32, #tpu.memory_space<vmem_shared>> -> memref<10000x48xf32, #tpu.memory_space<vmem_shared>>
      tpu.enqueue_indirect_dma source(%arg8 : memref<80x48xf32, #tpu.memory_space<vmem>>) target(%dma_start3A_32 : memref<10000x48xf32, #tpu.memory_space<vmem_shared>>) offsets(%dma_start3A_29 : memref<80xi32, #tpu.memory_space<vmem>>) semaphore(%arg13 : memref<!tpu.dma_semaphore, #tpu.memory_space<semaphore_mem>>) {add = true}
      %dma_wait3A_33 = tpu.memref_slice %arg7[%mul3A_22] : memref<10000xi32, #tpu.memory_space<vmem>> -> memref<80xi32, #tpu.memory_space<vmem>>
      %dma_wait3A_34 = arith.constant 0 : i32
      %dma_wait3A_35 = arith.constant 0 : i32
      %dma_wait3A_36 = tpu.memref_slice %arg11[%dma_wait3A_34, %dma_wait3A_35] : memref<10000x48xf32, #tpu.memory_space<vmem_shared>> -> memref<10000x48xf32, #tpu.memory_space<vmem_shared>>
      tpu.wait_indirect_dma semaphore(%arg13 : memref<!tpu.dma_semaphore, #tpu.memory_space<semaphore_mem>>) src(%arg8 : memref<80x48xf32, #tpu.memory_space<vmem>>) dst(%dma_wait3A_36 : memref<10000x48xf32, #tpu.memory_space<vmem_shared>>)
    }
    %scan3A_14 = arith.constant 125 : i32
    %barrier3A_15 = arith.constant 0 : index
    tpu.barrier barrier_id(%barrier3A_15)
    "tpu.region"() ({
      %run_scoped3A = tpu.sem_alloc : memref<!tpu.dma_semaphore, #tpu.memory_space<semaphore_mem>>
      %dma_start3A = arith.constant 0 : i32
      %dma_start3A_16 = tpu.memref_slice %arg11[%mul3A_2, %dma_start3A] : memref<10000x48xf32, #tpu.memory_space<vmem_shared>> -> memref<625x48xf32, #tpu.memory_space<vmem_shared>>
      %dma_start3A_17 = arith.constant 0 : i32
      %dma_start3A_18 = tpu.memref_slice %arg11[%mul3A_2, %dma_start3A_17] : memref<10000x48xf32, #tpu.memory_space<vmem_shared>> -> memref<625x48xf32, #tpu.memory_space<vmem_shared>>
      tpu.enqueue_dma source(%dma_start3A_18 : memref<625x48xf32, #tpu.memory_space<vmem_shared>>) target(%arg9 : memref<625x48xf32, #tpu.memory_space<vmem>>) target_semaphore(%run_scoped3A : memref<!tpu.dma_semaphore, #tpu.memory_space<semaphore_mem>>)
      %dma_wait3A = arith.constant 0 : i32
      %dma_wait3A_19 = tpu.memref_slice %arg11[%mul3A_2, %dma_wait3A] : memref<10000x48xf32, #tpu.memory_space<vmem_shared>> -> memref<625x48xf32, #tpu.memory_space<vmem_shared>>
      %dma_wait3A_20 = arith.constant 0 : i32
      %dma_wait3A_21 = tpu.memref_slice %arg11[%mul3A_2, %dma_wait3A_20] : memref<10000x48xf32, #tpu.memory_space<vmem_shared>> -> memref<625x48xf32, #tpu.memory_space<vmem_shared>>
      tpu.wait_dma2 semaphore(%run_scoped3A : memref<!tpu.dma_semaphore, #tpu.memory_space<semaphore_mem>>) src(%dma_wait3A_21 : memref<625x48xf32, #tpu.memory_space<vmem_shared>>) dst(%arg9 : memref<625x48xf32, #tpu.memory_space<vmem>>)
      tpu.yield
    }) : () -> ()
    "tpu.region"() ({
      %run_scoped3A = tpu.sem_alloc : memref<!tpu.dma_semaphore, #tpu.memory_space<semaphore_mem>>
      %dma_start3A = arith.constant 0 : i32
      %dma_start3A_16 = tpu.memref_slice %arg5[%arg0, %mul3A_2, %dma_start3A] : memref<2x10000x48xf32, #tpu.memory_space<hbm>> -> memref<1x625x48xf32, #tpu.memory_space<hbm>>
      %dma_start3A_17 = tpu.memref_squeeze %dma_start3A_16 : memref<1x625x48xf32, #tpu.memory_space<hbm>> -> memref<625x48xf32, #tpu.memory_space<hbm>>
      %dma_start3A_18 = arith.constant 0 : i32
      %dma_start3A_19 = tpu.memref_slice %arg5[%arg0, %mul3A_2, %dma_start3A_18] : memref<2x10000x48xf32, #tpu.memory_space<hbm>> -> memref<1x625x48xf32, #tpu.memory_space<hbm>>
      %dma_start3A_20 = tpu.memref_squeeze %dma_start3A_19 : memref<1x625x48xf32, #tpu.memory_space<hbm>> -> memref<625x48xf32, #tpu.memory_space<hbm>>
      tpu.enqueue_dma source(%arg9 : memref<625x48xf32, #tpu.memory_space<vmem>>) target(%dma_start3A_20 : memref<625x48xf32, #tpu.memory_space<hbm>>) target_semaphore(%run_scoped3A : memref<!tpu.dma_semaphore, #tpu.memory_space<semaphore_mem>>)
      %dma_wait3A = arith.constant 0 : i32
      %dma_wait3A_21 = tpu.memref_slice %arg5[%arg0, %mul3A_2, %dma_wait3A] : memref<2x10000x48xf32, #tpu.memory_space<hbm>> -> memref<1x625x48xf32, #tpu.memory_space<hbm>>
      %dma_wait3A_22 = tpu.memref_squeeze %dma_wait3A_21 : memref<1x625x48xf32, #tpu.memory_space<hbm>> -> memref<625x48xf32, #tpu.memory_space<hbm>>
      %dma_wait3A_23 = arith.constant 0 : i32
      %dma_wait3A_24 = tpu.memref_slice %arg5[%arg0, %mul3A_2, %dma_wait3A_23] : memref<2x10000x48xf32, #tpu.memory_space<hbm>> -> memref<1x625x48xf32, #tpu.memory_space<hbm>>
      %dma_wait3A_25 = tpu.memref_squeeze %dma_wait3A_24 : memref<1x625x48xf32, #tpu.memory_space<hbm>> -> memref<625x48xf32, #tpu.memory_space<hbm>>
      tpu.wait_dma2 semaphore(%run_scoped3A : memref<!tpu.dma_semaphore, #tpu.memory_space<semaphore_mem>>) src(%arg9 : memref<625x48xf32, #tpu.memory_space<vmem>>) dst(%dma_wait3A_25 : memref<625x48xf32, #tpu.memory_space<hbm>>)
      tpu.yield
    }) : () -> ()
    return
  }
}

#map = affine_map<(d0, d1) -> (0)>
#map1 = affine_map<(d0, d1) -> (0, 0)>
module attributes {stable_mosaic.version = 14 : i64} {
  func.func @_deg_body(%arg0: i32, %arg1: i32, %arg2: memref<640000xi32, #tpu.memory_space<hbm>>, %arg3: memref<2x10240xf32, #tpu.memory_space<hbm>>, %arg4: memref<10000xi32, #tpu.memory_space<vmem>>, %arg5: memref<10240xf32, #tpu.memory_space<vmem>>, %arg6: memref<640xf32, #tpu.memory_space<vmem>>, %arg7: memref<16x10240xf32, #tpu.memory_space<vmem_shared>>, %arg8: memref<16x640xf32, #tpu.memory_space<vmem>>) attributes {dimension_semantics = [#tpu.dimension_semantics<core_parallel>, #tpu.dimension_semantics<subcore_parallel>], iteration_bounds = array<i64: 2, 16>, scalar_prefetch = 0 : i64, scratch_operands = 5 : i64, tpu.core_type = #tpu.core_type<sc_vector_subcore>, window_params = [{transform_indices = #map}, {transform_indices = #map1}]} {
    %mul3A = arith.constant 16 : i32
    %mul3A_0 = arith.muli %arg0, %mul3A : i32
    %add3A = arith.addi %mul3A_0, %arg1 : i32
    %broadcast_in_dim3A = arith.constant 0.000000e+00 : f32
    %broadcast_in_dim3A_1 = vector.broadcast %broadcast_in_dim3A : f32 to vector<16xf32>
    %scan3A = arith.constant 0 : i32
    %scan3A_2 = arith.constant 640 : i32
    %scan3A_3 = arith.addi %scan3A, %scan3A_2 : i32
    %scan3A_4 = arith.constant 1 : i32
    scf.for %scan3A_55 = %scan3A to %scan3A_3 step %scan3A_4  : i32 {
      %mul3A_56 = arith.constant 1 : i32
      %mul3A_57 = arith.muli %scan3A_55, %mul3A_56 : i32
      %add3A_58 = arith.constant 0 : i32
      %add3A_59 = arith.addi %add3A_58, %mul3A_57 : i32
      %mul3A_60 = arith.constant 16 : i32
      %mul3A_61 = arith.muli %add3A_59, %mul3A_60 : i32
      %swap3A = arith.index_cast %mul3A_61 : i32 to index
      %swap3A_62 = tpu.vector_load %arg5[%swap3A] {strides = array<i32>} : memref<10240xf32, #tpu.memory_space<vmem>>, vector<16xf32>,
      tpu.vector_store %arg5[%swap3A], %broadcast_in_dim3A_1 {strides = array<i32>} : memref<10240xf32, #tpu.memory_space<vmem>>, vector<16xf32>,
    }
    %scan3A_5 = arith.constant 640 : i32
    %mul3A_6 = arith.constant 10000 : i32
    %mul3A_7 = arith.muli %add3A, %mul3A_6 : i32
    %add3A_8 = arith.constant 320000 : i32
    %add3A_9 = arith.addi %add3A_8, %mul3A_7 : i32
    "tpu.region"() ({
      %run_scoped3A_55 = tpu.sem_alloc : memref<!tpu.dma_semaphore, #tpu.memory_space<semaphore_mem>>
      %dma_start3A = tpu.memref_slice %arg2[%add3A_9] : memref<640000xi32, #tpu.memory_space<hbm>> -> memref<10000xi32, #tpu.memory_space<hbm>>
      %dma_start3A_56 = tpu.memref_slice %arg2[%add3A_9] : memref<640000xi32, #tpu.memory_space<hbm>> -> memref<10000xi32, #tpu.memory_space<hbm>>
      tpu.enqueue_dma source(%dma_start3A_56 : memref<10000xi32, #tpu.memory_space<hbm>>) target(%arg4 : memref<10000xi32, #tpu.memory_space<vmem>>) target_semaphore(%run_scoped3A_55 : memref<!tpu.dma_semaphore, #tpu.memory_space<semaphore_mem>>)
      %dma_wait3A = tpu.memref_slice %arg2[%add3A_9] : memref<640000xi32, #tpu.memory_space<hbm>> -> memref<10000xi32, #tpu.memory_space<hbm>>
      %dma_wait3A_57 = tpu.memref_slice %arg2[%add3A_9] : memref<640000xi32, #tpu.memory_space<hbm>> -> memref<10000xi32, #tpu.memory_space<hbm>>
      tpu.wait_dma2 semaphore(%run_scoped3A_55 : memref<!tpu.dma_semaphore, #tpu.memory_space<semaphore_mem>>) src(%dma_wait3A_57 : memref<10000xi32, #tpu.memory_space<hbm>>) dst(%arg4 : memref<10000xi32, #tpu.memory_space<vmem>>)
      tpu.yield
    }) : () -> ()
    %broadcast_in_dim3A_10 = arith.constant 1.000000e+00 : f32
    %broadcast_in_dim3A_11 = vector.broadcast %broadcast_in_dim3A_10 : f32 to vector<16xf32>
    %scan3A_12 = arith.constant 0 : i32
    %scan3A_13 = arith.constant 625 : i32
    %scan3A_14 = arith.addi %scan3A_12, %scan3A_13 : i32
    %scan3A_15 = arith.constant 1 : i32
    scf.for %scan3A_55 = %scan3A_12 to %scan3A_14 step %scan3A_15  : i32 {
      %mul3A_56 = arith.constant 1 : i32
      %mul3A_57 = arith.muli %scan3A_55, %mul3A_56 : i32
      %add3A_58 = arith.constant 0 : i32
      %add3A_59 = arith.addi %add3A_58, %mul3A_57 : i32
      %mul3A_60 = arith.constant 16 : i32
      %mul3A_61 = arith.muli %add3A_59, %mul3A_60 : i32
      %get3A = arith.index_cast %mul3A_61 : i32 to index
      %get3A_62 = tpu.vector_load %arg4[%get3A] {strides = array<i32>} : memref<10000xi32, #tpu.memory_space<vmem>>, vector<16xi32>,
      tpu.vector_store_idx %arg5[%get3A_62], %broadcast_in_dim3A_11 {add = true} : memref<10240xf32, #tpu.memory_space<vmem>>[vector<16xi32>], vector<16xf32>,
    }
    %scan3A_16 = arith.constant 625 : i32
    "tpu.region"() ({
      %run_scoped3A_55 = tpu.sem_alloc : memref<!tpu.dma_semaphore, #tpu.memory_space<semaphore_mem>>
      %dma_start3A = arith.constant 0 : i32
      %dma_start3A_56 = tpu.memref_slice %arg7[%arg1, %dma_start3A] : memref<16x10240xf32, #tpu.memory_space<vmem_shared>> -> memref<1x10240xf32, #tpu.memory_space<vmem_shared>>
      %dma_start3A_57 = tpu.memref_squeeze %dma_start3A_56 : memref<1x10240xf32, #tpu.memory_space<vmem_shared>> -> memref<10240xf32, #tpu.memory_space<vmem_shared>>
      %dma_start3A_58 = arith.constant 0 : i32
      %dma_start3A_59 = tpu.memref_slice %arg7[%arg1, %dma_start3A_58] : memref<16x10240xf32, #tpu.memory_space<vmem_shared>> -> memref<1x10240xf32, #tpu.memory_space<vmem_shared>>
      %dma_start3A_60 = tpu.memref_squeeze %dma_start3A_59 : memref<1x10240xf32, #tpu.memory_space<vmem_shared>> -> memref<10240xf32, #tpu.memory_space<vmem_shared>>
      tpu.enqueue_dma source(%arg5 : memref<10240xf32, #tpu.memory_space<vmem>>) target(%dma_start3A_60 : memref<10240xf32, #tpu.memory_space<vmem_shared>>) target_semaphore(%run_scoped3A_55 : memref<!tpu.dma_semaphore, #tpu.memory_space<semaphore_mem>>)
      %dma_wait3A = arith.constant 0 : i32
      %dma_wait3A_61 = tpu.memref_slice %arg7[%arg1, %dma_wait3A] : memref<16x10240xf32, #tpu.memory_space<vmem_shared>> -> memref<1x10240xf32, #tpu.memory_space<vmem_shared>>
      %dma_wait3A_62 = tpu.memref_squeeze %dma_wait3A_61 : memref<1x10240xf32, #tpu.memory_space<vmem_shared>> -> memref<10240xf32, #tpu.memory_space<vmem_shared>>
      %dma_wait3A_63 = arith.constant 0 : i32
      %dma_wait3A_64 = tpu.memref_slice %arg7[%arg1, %dma_wait3A_63] : memref<16x10240xf32, #tpu.memory_space<vmem_shared>> -> memref<1x10240xf32, #tpu.memory_space<vmem_shared>>
      %dma_wait3A_65 = tpu.memref_squeeze %dma_wait3A_64 : memref<1x10240xf32, #tpu.memory_space<vmem_shared>> -> memref<10240xf32, #tpu.memory_space<vmem_shared>>
      tpu.wait_dma2 semaphore(%run_scoped3A_55 : memref<!tpu.dma_semaphore, #tpu.memory_space<semaphore_mem>>) src(%arg5 : memref<10240xf32, #tpu.memory_space<vmem>>) dst(%dma_wait3A_65 : memref<10240xf32, #tpu.memory_space<vmem_shared>>)
      tpu.yield
    }) : () -> ()
    %barrier3A = arith.constant 0 : index
    tpu.barrier barrier_id(%barrier3A)
    %mul3A_17 = arith.constant 640 : i32
    %mul3A_18 = arith.muli %arg1, %mul3A_17 : i32
    %run_scoped3A = arith.constant 0 : i32
    %run_scoped3A_19 = arith.constant 0 : i32
    "tpu.region"() ({
      %run_scoped3A_55 = tpu.sem_alloc : memref<!tpu.dma_semaphore, #tpu.memory_space<semaphore_mem>>
      %dma_start3A = arith.constant 0 : i32
      %dma_start3A_56 = tpu.memref_slice %arg8[%run_scoped3A_19, %dma_start3A] : memref<16x640xf32, #tpu.memory_space<vmem>> -> memref<1x640xf32, #tpu.memory_space<vmem>>
      %dma_start3A_57 = tpu.memref_squeeze %dma_start3A_56 : memref<1x640xf32, #tpu.memory_space<vmem>> -> memref<640xf32, #tpu.memory_space<vmem>>
      %dma_start3A_58 = tpu.memref_slice %arg7[%run_scoped3A, %mul3A_18] : memref<16x10240xf32, #tpu.memory_space<vmem_shared>> -> memref<1x640xf32, #tpu.memory_space<vmem_shared>>
      %dma_start3A_59 = tpu.memref_squeeze %dma_start3A_58 : memref<1x640xf32, #tpu.memory_space<vmem_shared>> -> memref<640xf32, #tpu.memory_space<vmem_shared>>
      %dma_start3A_60 = arith.constant 0 : i32
      %dma_start3A_61 = tpu.memref_slice %arg8[%run_scoped3A_19, %dma_start3A_60] : memref<16x640xf32, #tpu.memory_space<vmem>> -> memref<1x640xf32, #tpu.memory_space<vmem>>
      %dma_start3A_62 = tpu.memref_squeeze %dma_start3A_61 : memref<1x640xf32, #tpu.memory_space<vmem>> -> memref<640xf32, #tpu.memory_space<vmem>>
      %dma_start3A_63 = tpu.memref_slice %arg7[%run_scoped3A, %mul3A_18] : memref<16x10240xf32, #tpu.memory_space<vmem_shared>> -> memref<1x640xf32, #tpu.memory_space<vmem_shared>>
      %dma_start3A_64 = tpu.memref_squeeze %dma_start3A_63 : memref<1x640xf32, #tpu.memory_space<vmem_shared>> -> memref<640xf32, #tpu.memory_space<vmem_shared>>
      tpu.enqueue_dma source(%dma_start3A_64 : memref<640xf32, #tpu.memory_space<vmem_shared>>) target(%dma_start3A_62 : memref<640xf32, #tpu.memory_space<vmem>>) target_semaphore(%run_scoped3A_55 : memref<!tpu.dma_semaphore, #tpu.memory_space<semaphore_mem>>)
      %dma_wait3A = arith.constant 0 : i32
      %dma_wait3A_65 = tpu.memref_slice %arg8[%run_scoped3A_19, %dma_wait3A] : memref<16x640xf32, #tpu.memory_space<vmem>> -> memref<1x640xf32, #tpu.memory_space<vmem>>
      %dma_wait3A_66 = tpu.memref_squeeze %dma_wait3A_65 : memref<1x640xf32, #tpu.memory_space<vmem>> -> memref<640xf32, #tpu.memory_space<vmem>>
      %dma_wait3A_67 = tpu.memref_slice %arg7[%run_scoped3A, %mul3A_18] : memref<16x10240xf32, #tpu.memory_space<vmem_shared>> -> memref<1x640xf32, #tpu.memory_space<vmem_shared>>
      %dma_wait3A_68 = tpu.memref_squeeze %dma_wait3A_67 : memref<1x640xf32, #tpu.memory_space<vmem_shared>> -> memref<640xf32, #tpu.memory_space<vmem_shared>>
      %dma_wait3A_69 = arith.constant 0 : i32
      %dma_wait3A_70 = tpu.memref_slice %arg8[%run_scoped3A_19, %dma_wait3A_69] : memref<16x640xf32, #tpu.memory_space<vmem>> -> memref<1x640xf32, #tpu.memory_space<vmem>>
      %dma_wait3A_71 = tpu.memref_squeeze %dma_wait3A_70 : memref<1x640xf32, #tpu.memory_space<vmem>> -> memref<640xf32, #tpu.memory_space<vmem>>
      %dma_wait3A_72 = tpu.memref_slice %arg7[%run_scoped3A, %mul3A_18] : memref<16x10240xf32, #tpu.memory_space<vmem_shared>> -> memref<1x640xf32, #tpu.memory_space<vmem_shared>>
      %dma_wait3A_73 = tpu.memref_squeeze %dma_wait3A_72 : memref<1x640xf32, #tpu.memory_space<vmem_shared>> -> memref<640xf32, #tpu.memory_space<vmem_shared>>
      tpu.wait_dma2 semaphore(%run_scoped3A_55 : memref<!tpu.dma_semaphore, #tpu.memory_space<semaphore_mem>>) src(%dma_wait3A_73 : memref<640xf32, #tpu.memory_space<vmem_shared>>) dst(%dma_wait3A_71 : memref<640xf32, #tpu.memory_space<vmem>>)
      tpu.yield
    }) : () -> ()
    %run_scoped3A_20 = arith.constant 1 : i32
    %run_scoped3A_21 = arith.constant 1 : i32
    "tpu.region"() ({
      %run_scoped3A_55 = tpu.sem_alloc : memref<!tpu.dma_semaphore, #tpu.memory_space<semaphore_mem>>
      %dma_start3A = arith.constant 0 : i32
      %dma_start3A_56 = tpu.memref_slice %arg8[%run_scoped3A_21, %dma_start3A] : memref<16x640xf32, #tpu.memory_space<vmem>> -> memref<1x640xf32, #tpu.memory_space<vmem>>
      %dma_start3A_57 = tpu.memref_squeeze %dma_start3A_56 : memref<1x640xf32, #tpu.memory_space<vmem>> -> memref<640xf32, #tpu.memory_space<vmem>>
      %dma_start3A_58 = tpu.memref_slice %arg7[%run_scoped3A_20, %mul3A_18] : memref<16x10240xf32, #tpu.memory_space<vmem_shared>> -> memref<1x640xf32, #tpu.memory_space<vmem_shared>>
      %dma_start3A_59 = tpu.memref_squeeze %dma_start3A_58 : memref<1x640xf32, #tpu.memory_space<vmem_shared>> -> memref<640xf32, #tpu.memory_space<vmem_shared>>
      %dma_start3A_60 = arith.constant 0 : i32
      %dma_start3A_61 = tpu.memref_slice %arg8[%run_scoped3A_21, %dma_start3A_60] : memref<16x640xf32, #tpu.memory_space<vmem>> -> memref<1x640xf32, #tpu.memory_space<vmem>>
      %dma_start3A_62 = tpu.memref_squeeze %dma_start3A_61 : memref<1x640xf32, #tpu.memory_space<vmem>> -> memref<640xf32, #tpu.memory_space<vmem>>
      %dma_start3A_63 = tpu.memref_slice %arg7[%run_scoped3A_20, %mul3A_18] : memref<16x10240xf32, #tpu.memory_space<vmem_shared>> -> memref<1x640xf32, #tpu.memory_space<vmem_shared>>
      %dma_start3A_64 = tpu.memref_squeeze %dma_start3A_63 : memref<1x640xf32, #tpu.memory_space<vmem_shared>> -> memref<640xf32, #tpu.memory_space<vmem_shared>>
      tpu.enqueue_dma source(%dma_start3A_64 : memref<640xf32, #tpu.memory_space<vmem_shared>>) target(%dma_start3A_62 : memref<640xf32, #tpu.memory_space<vmem>>) target_semaphore(%run_scoped3A_55 : memref<!tpu.dma_semaphore, #tpu.memory_space<semaphore_mem>>)
      %dma_wait3A = arith.constant 0 : i32
      %dma_wait3A_65 = tpu.memref_slice %arg8[%run_scoped3A_21, %dma_wait3A] : memref<16x640xf32, #tpu.memory_space<vmem>> -> memref<1x640xf32, #tpu.memory_space<vmem>>
      %dma_wait3A_66 = tpu.memref_squeeze %dma_wait3A_65 : memref<1x640xf32, #tpu.memory_space<vmem>> -> memref<640xf32, #tpu.memory_space<vmem>>
      %dma_wait3A_67 = tpu.memref_slice %arg7[%run_scoped3A_20, %mul3A_18] : memref<16x10240xf32, #tpu.memory_space<vmem_shared>> -> memref<1x640xf32, #tpu.memory_space<vmem_shared>>
      %dma_wait3A_68 = tpu.memref_squeeze %dma_wait3A_67 : memref<1x640xf32, #tpu.memory_space<vmem_shared>> -> memref<640xf32, #tpu.memory_space<vmem_shared>>
      %dma_wait3A_69 = arith.constant 0 : i32
      %dma_wait3A_70 = tpu.memref_slice %arg8[%run_scoped3A_21, %dma_wait3A_69] : memref<16x640xf32, #tpu.memory_space<vmem>> -> memref<1x640xf32, #tpu.memory_space<vmem>>
      %dma_wait3A_71 = tpu.memref_squeeze %dma_wait3A_70 : memref<1x640xf32, #tpu.memory_space<vmem>> -> memref<640xf32, #tpu.memory_space<vmem>>
      %dma_wait3A_72 = tpu.memref_slice %arg7[%run_scoped3A_20, %mul3A_18] : memref<16x10240xf32, #tpu.memory_space<vmem_shared>> -> memref<1x640xf32, #tpu.memory_space<vmem_shared>>
      %dma_wait3A_73 = tpu.memref_squeeze %dma_wait3A_72 : memref<1x640xf32, #tpu.memory_space<vmem_shared>> -> memref<640xf32, #tpu.memory_space<vmem_shared>>
      tpu.wait_dma2 semaphore(%run_scoped3A_55 : memref<!tpu.dma_semaphore, #tpu.memory_space<semaphore_mem>>) src(%dma_wait3A_73 : memref<640xf32, #tpu.memory_space<vmem_shared>>) dst(%dma_wait3A_71 : memref<640xf32, #tpu.memory_space<vmem>>)
      tpu.yield
    }) : () -> ()
    %run_scoped3A_22 = arith.constant 2 : i32
    %run_scoped3A_23 = arith.constant 2 : i32
    "tpu.region"() ({
      %run_scoped3A_55 = tpu.sem_alloc : memref<!tpu.dma_semaphore, #tpu.memory_space<semaphore_mem>>
      %dma_start3A = arith.constant 0 : i32
      %dma_start3A_56 = tpu.memref_slice %arg8[%run_scoped3A_23, %dma_start3A] : memref<16x640xf32, #tpu.memory_space<vmem>> -> memref<1x640xf32, #tpu.memory_space<vmem>>
      %dma_start3A_57 = tpu.memref_squeeze %dma_start3A_56 : memref<1x640xf32, #tpu.memory_space<vmem>> -> memref<640xf32, #tpu.memory_space<vmem>>
      %dma_start3A_58 = tpu.memref_slice %arg7[%run_scoped3A_22, %mul3A_18] : memref<16x10240xf32, #tpu.memory_space<vmem_shared>> -> memref<1x640xf32, #tpu.memory_space<vmem_shared>>
      %dma_start3A_59 = tpu.memref_squeeze %dma_start3A_58 : memref<1x640xf32, #tpu.memory_space<vmem_shared>> -> memref<640xf32, #tpu.memory_space<vmem_shared>>
      %dma_start3A_60 = arith.constant 0 : i32
      %dma_start3A_61 = tpu.memref_slice %arg8[%run_scoped3A_23, %dma_start3A_60] : memref<16x640xf32, #tpu.memory_space<vmem>> -> memref<1x640xf32, #tpu.memory_space<vmem>>
      %dma_start3A_62 = tpu.memref_squeeze %dma_start3A_61 : memref<1x640xf32, #tpu.memory_space<vmem>> -> memref<640xf32, #tpu.memory_space<vmem>>
      %dma_start3A_63 = tpu.memref_slice %arg7[%run_scoped3A_22, %mul3A_18] : memref<16x10240xf32, #tpu.memory_space<vmem_shared>> -> memref<1x640xf32, #tpu.memory_space<vmem_shared>>
      %dma_start3A_64 = tpu.memref_squeeze %dma_start3A_63 : memref<1x640xf32, #tpu.memory_space<vmem_shared>> -> memref<640xf32, #tpu.memory_space<vmem_shared>>
      tpu.enqueue_dma source(%dma_start3A_64 : memref<640xf32, #tpu.memory_space<vmem_shared>>) target(%dma_start3A_62 : memref<640xf32, #tpu.memory_space<vmem>>) target_semaphore(%run_scoped3A_55 : memref<!tpu.dma_semaphore, #tpu.memory_space<semaphore_mem>>)
      %dma_wait3A = arith.constant 0 : i32
      %dma_wait3A_65 = tpu.memref_slice %arg8[%run_scoped3A_23, %dma_wait3A] : memref<16x640xf32, #tpu.memory_space<vmem>> -> memref<1x640xf32, #tpu.memory_space<vmem>>
      %dma_wait3A_66 = tpu.memref_squeeze %dma_wait3A_65 : memref<1x640xf32, #tpu.memory_space<vmem>> -> memref<640xf32, #tpu.memory_space<vmem>>
      %dma_wait3A_67 = tpu.memref_slice %arg7[%run_scoped3A_22, %mul3A_18] : memref<16x10240xf32, #tpu.memory_space<vmem_shared>> -> memref<1x640xf32, #tpu.memory_space<vmem_shared>>
      %dma_wait3A_68 = tpu.memref_squeeze %dma_wait3A_67 : memref<1x640xf32, #tpu.memory_space<vmem_shared>> -> memref<640xf32, #tpu.memory_space<vmem_shared>>
      %dma_wait3A_69 = arith.constant 0 : i32
      %dma_wait3A_70 = tpu.memref_slice %arg8[%run_scoped3A_23, %dma_wait3A_69] : memref<16x640xf32, #tpu.memory_space<vmem>> -> memref<1x640xf32, #tpu.memory_space<vmem>>
      %dma_wait3A_71 = tpu.memref_squeeze %dma_wait3A_70 : memref<1x640xf32, #tpu.memory_space<vmem>> -> memref<640xf32, #tpu.memory_space<vmem>>
      %dma_wait3A_72 = tpu.memref_slice %arg7[%run_scoped3A_22, %mul3A_18] : memref<16x10240xf32, #tpu.memory_space<vmem_shared>> -> memref<1x640xf32, #tpu.memory_space<vmem_shared>>
      %dma_wait3A_73 = tpu.memref_squeeze %dma_wait3A_72 : memref<1x640xf32, #tpu.memory_space<vmem_shared>> -> memref<640xf32, #tpu.memory_space<vmem_shared>>
      tpu.wait_dma2 semaphore(%run_scoped3A_55 : memref<!tpu.dma_semaphore, #tpu.memory_space<semaphore_mem>>) src(%dma_wait3A_73 : memref<640xf32, #tpu.memory_space<vmem_shared>>) dst(%dma_wait3A_71 : memref<640xf32, #tpu.memory_space<vmem>>)
      tpu.yield
    }) : () -> ()
    %run_scoped3A_24 = arith.constant 3 : i32
    %run_scoped3A_25 = arith.constant 3 : i32
    "tpu.region"() ({
      %run_scoped3A_55 = tpu.sem_alloc : memref<!tpu.dma_semaphore, #tpu.memory_space<semaphore_mem>>
      %dma_start3A = arith.constant 0 : i32
      %dma_start3A_56 = tpu.memref_slice %arg8[%run_scoped3A_25, %dma_start3A] : memref<16x640xf32, #tpu.memory_space<vmem>> -> memref<1x640xf32, #tpu.memory_space<vmem>>
      %dma_start3A_57 = tpu.memref_squeeze %dma_start3A_56 : memref<1x640xf32, #tpu.memory_space<vmem>> -> memref<640xf32, #tpu.memory_space<vmem>>
      %dma_start3A_58 = tpu.memref_slice %arg7[%run_scoped3A_24, %mul3A_18] : memref<16x10240xf32, #tpu.memory_space<vmem_shared>> -> memref<1x640xf32, #tpu.memory_space<vmem_shared>>
      %dma_start3A_59 = tpu.memref_squeeze %dma_start3A_58 : memref<1x640xf32, #tpu.memory_space<vmem_shared>> -> memref<640xf32, #tpu.memory_space<vmem_shared>>
      %dma_start3A_60 = arith.constant 0 : i32
      %dma_start3A_61 = tpu.memref_slice %arg8[%run_scoped3A_25, %dma_start3A_60] : memref<16x640xf32, #tpu.memory_space<vmem>> -> memref<1x640xf32, #tpu.memory_space<vmem>>
      %dma_start3A_62 = tpu.memref_squeeze %dma_start3A_61 : memref<1x640xf32, #tpu.memory_space<vmem>> -> memref<640xf32, #tpu.memory_space<vmem>>
      %dma_start3A_63 = tpu.memref_slice %arg7[%run_scoped3A_24, %mul3A_18] : memref<16x10240xf32, #tpu.memory_space<vmem_shared>> -> memref<1x640xf32, #tpu.memory_space<vmem_shared>>
      %dma_start3A_64 = tpu.memref_squeeze %dma_start3A_63 : memref<1x640xf32, #tpu.memory_space<vmem_shared>> -> memref<640xf32, #tpu.memory_space<vmem_shared>>
      tpu.enqueue_dma source(%dma_start3A_64 : memref<640xf32, #tpu.memory_space<vmem_shared>>) target(%dma_start3A_62 : memref<640xf32, #tpu.memory_space<vmem>>) target_semaphore(%run_scoped3A_55 : memref<!tpu.dma_semaphore, #tpu.memory_space<semaphore_mem>>)
      %dma_wait3A = arith.constant 0 : i32
      %dma_wait3A_65 = tpu.memref_slice %arg8[%run_scoped3A_25, %dma_wait3A] : memref<16x640xf32, #tpu.memory_space<vmem>> -> memref<1x640xf32, #tpu.memory_space<vmem>>
      %dma_wait3A_66 = tpu.memref_squeeze %dma_wait3A_65 : memref<1x640xf32, #tpu.memory_space<vmem>> -> memref<640xf32, #tpu.memory_space<vmem>>
      %dma_wait3A_67 = tpu.memref_slice %arg7[%run_scoped3A_24, %mul3A_18] : memref<16x10240xf32, #tpu.memory_space<vmem_shared>> -> memref<1x640xf32, #tpu.memory_space<vmem_shared>>
      %dma_wait3A_68 = tpu.memref_squeeze %dma_wait3A_67 : memref<1x640xf32, #tpu.memory_space<vmem_shared>> -> memref<640xf32, #tpu.memory_space<vmem_shared>>
      %dma_wait3A_69 = arith.constant 0 : i32
      %dma_wait3A_70 = tpu.memref_slice %arg8[%run_scoped3A_25, %dma_wait3A_69] : memref<16x640xf32, #tpu.memory_space<vmem>> -> memref<1x640xf32, #tpu.memory_space<vmem>>
      %dma_wait3A_71 = tpu.memref_squeeze %dma_wait3A_70 : memref<1x640xf32, #tpu.memory_space<vmem>> -> memref<640xf32, #tpu.memory_space<vmem>>
      %dma_wait3A_72 = tpu.memref_slice %arg7[%run_scoped3A_24, %mul3A_18] : memref<16x10240xf32, #tpu.memory_space<vmem_shared>> -> memref<1x640xf32, #tpu.memory_space<vmem_shared>>
      %dma_wait3A_73 = tpu.memref_squeeze %dma_wait3A_72 : memref<1x640xf32, #tpu.memory_space<vmem_shared>> -> memref<640xf32, #tpu.memory_space<vmem_shared>>
      tpu.wait_dma2 semaphore(%run_scoped3A_55 : memref<!tpu.dma_semaphore, #tpu.memory_space<semaphore_mem>>) src(%dma_wait3A_73 : memref<640xf32, #tpu.memory_space<vmem_shared>>) dst(%dma_wait3A_71 : memref<640xf32, #tpu.memory_space<vmem>>)
      tpu.yield
    }) : () -> ()
    %run_scoped3A_26 = arith.constant 4 : i32
    %run_scoped3A_27 = arith.constant 4 : i32
    "tpu.region"() ({
      %run_scoped3A_55 = tpu.sem_alloc : memref<!tpu.dma_semaphore, #tpu.memory_space<semaphore_mem>>
      %dma_start3A = arith.constant 0 : i32
      %dma_start3A_56 = tpu.memref_slice %arg8[%run_scoped3A_27, %dma_start3A] : memref<16x640xf32, #tpu.memory_space<vmem>> -> memref<1x640xf32, #tpu.memory_space<vmem>>
      %dma_start3A_57 = tpu.memref_squeeze %dma_start3A_56 : memref<1x640xf32, #tpu.memory_space<vmem>> -> memref<640xf32, #tpu.memory_space<vmem>>
      %dma_start3A_58 = tpu.memref_slice %arg7[%run_scoped3A_26, %mul3A_18] : memref<16x10240xf32, #tpu.memory_space<vmem_shared>> -> memref<1x640xf32, #tpu.memory_space<vmem_shared>>
      %dma_start3A_59 = tpu.memref_squeeze %dma_start3A_58 : memref<1x640xf32, #tpu.memory_space<vmem_shared>> -> memref<640xf32, #tpu.memory_space<vmem_shared>>
      %dma_start3A_60 = arith.constant 0 : i32
      %dma_start3A_61 = tpu.memref_slice %arg8[%run_scoped3A_27, %dma_start3A_60] : memref<16x640xf32, #tpu.memory_space<vmem>> -> memref<1x640xf32, #tpu.memory_space<vmem>>
      %dma_start3A_62 = tpu.memref_squeeze %dma_start3A_61 : memref<1x640xf32, #tpu.memory_space<vmem>> -> memref<640xf32, #tpu.memory_space<vmem>>
      %dma_start3A_63 = tpu.memref_slice %arg7[%run_scoped3A_26, %mul3A_18] : memref<16x10240xf32, #tpu.memory_space<vmem_shared>> -> memref<1x640xf32, #tpu.memory_space<vmem_shared>>
      %dma_start3A_64 = tpu.memref_squeeze %dma_start3A_63 : memref<1x640xf32, #tpu.memory_space<vmem_shared>> -> memref<640xf32, #tpu.memory_space<vmem_shared>>
      tpu.enqueue_dma source(%dma_start3A_64 : memref<640xf32, #tpu.memory_space<vmem_shared>>) target(%dma_start3A_62 : memref<640xf32, #tpu.memory_space<vmem>>) target_semaphore(%run_scoped3A_55 : memref<!tpu.dma_semaphore, #tpu.memory_space<semaphore_mem>>)
      %dma_wait3A = arith.constant 0 : i32
      %dma_wait3A_65 = tpu.memref_slice %arg8[%run_scoped3A_27, %dma_wait3A] : memref<16x640xf32, #tpu.memory_space<vmem>> -> memref<1x640xf32, #tpu.memory_space<vmem>>
      %dma_wait3A_66 = tpu.memref_squeeze %dma_wait3A_65 : memref<1x640xf32, #tpu.memory_space<vmem>> -> memref<640xf32, #tpu.memory_space<vmem>>
      %dma_wait3A_67 = tpu.memref_slice %arg7[%run_scoped3A_26, %mul3A_18] : memref<16x10240xf32, #tpu.memory_space<vmem_shared>> -> memref<1x640xf32, #tpu.memory_space<vmem_shared>>
      %dma_wait3A_68 = tpu.memref_squeeze %dma_wait3A_67 : memref<1x640xf32, #tpu.memory_space<vmem_shared>> -> memref<640xf32, #tpu.memory_space<vmem_shared>>
      %dma_wait3A_69 = arith.constant 0 : i32
      %dma_wait3A_70 = tpu.memref_slice %arg8[%run_scoped3A_27, %dma_wait3A_69] : memref<16x640xf32, #tpu.memory_space<vmem>> -> memref<1x640xf32, #tpu.memory_space<vmem>>
      %dma_wait3A_71 = tpu.memref_squeeze %dma_wait3A_70 : memref<1x640xf32, #tpu.memory_space<vmem>> -> memref<640xf32, #tpu.memory_space<vmem>>
      %dma_wait3A_72 = tpu.memref_slice %arg7[%run_scoped3A_26, %mul3A_18] : memref<16x10240xf32, #tpu.memory_space<vmem_shared>> -> memref<1x640xf32, #tpu.memory_space<vmem_shared>>
      %dma_wait3A_73 = tpu.memref_squeeze %dma_wait3A_72 : memref<1x640xf32, #tpu.memory_space<vmem_shared>> -> memref<640xf32, #tpu.memory_space<vmem_shared>>
      tpu.wait_dma2 semaphore(%run_scoped3A_55 : memref<!tpu.dma_semaphore, #tpu.memory_space<semaphore_mem>>) src(%dma_wait3A_73 : memref<640xf32, #tpu.memory_space<vmem_shared>>) dst(%dma_wait3A_71 : memref<640xf32, #tpu.memory_space<vmem>>)
      tpu.yield
    }) : () -> ()
    %run_scoped3A_28 = arith.constant 5 : i32
    %run_scoped3A_29 = arith.constant 5 : i32
    "tpu.region"() ({
      %run_scoped3A_55 = tpu.sem_alloc : memref<!tpu.dma_semaphore, #tpu.memory_space<semaphore_mem>>
      %dma_start3A = arith.constant 0 : i32
      %dma_start3A_56 = tpu.memref_slice %arg8[%run_scoped3A_29, %dma_start3A] : memref<16x640xf32, #tpu.memory_space<vmem>> -> memref<1x640xf32, #tpu.memory_space<vmem>>
      %dma_start3A_57 = tpu.memref_squeeze %dma_start3A_56 : memref<1x640xf32, #tpu.memory_space<vmem>> -> memref<640xf32, #tpu.memory_space<vmem>>
      %dma_start3A_58 = tpu.memref_slice %arg7[%run_scoped3A_28, %mul3A_18] : memref<16x10240xf32, #tpu.memory_space<vmem_shared>> -> memref<1x640xf32, #tpu.memory_space<vmem_shared>>
      %dma_start3A_59 = tpu.memref_squeeze %dma_start3A_58 : memref<1x640xf32, #tpu.memory_space<vmem_shared>> -> memref<640xf32, #tpu.memory_space<vmem_shared>>
      %dma_start3A_60 = arith.constant 0 : i32
      %dma_start3A_61 = tpu.memref_slice %arg8[%run_scoped3A_29, %dma_start3A_60] : memref<16x640xf32, #tpu.memory_space<vmem>> -> memref<1x640xf32, #tpu.memory_space<vmem>>
      %dma_start3A_62 = tpu.memref_squeeze %dma_start3A_61 : memref<1x640xf32, #tpu.memory_space<vmem>> -> memref<640xf32, #tpu.memory_space<vmem>>
      %dma_start3A_63 = tpu.memref_slice %arg7[%run_scoped3A_28, %mul3A_18] : memref<16x10240xf32, #tpu.memory_space<vmem_shared>> -> memref<1x640xf32, #tpu.memory_space<vmem_shared>>
      %dma_start3A_64 = tpu.memref_squeeze %dma_start3A_63 : memref<1x640xf32, #tpu.memory_space<vmem_shared>> -> memref<640xf32, #tpu.memory_space<vmem_shared>>
      tpu.enqueue_dma source(%dma_start3A_64 : memref<640xf32, #tpu.memory_space<vmem_shared>>) target(%dma_start3A_62 : memref<640xf32, #tpu.memory_space<vmem>>) target_semaphore(%run_scoped3A_55 : memref<!tpu.dma_semaphore, #tpu.memory_space<semaphore_mem>>)
      %dma_wait3A = arith.constant 0 : i32
      %dma_wait3A_65 = tpu.memref_slice %arg8[%run_scoped3A_29, %dma_wait3A] : memref<16x640xf32, #tpu.memory_space<vmem>> -> memref<1x640xf32, #tpu.memory_space<vmem>>
      %dma_wait3A_66 = tpu.memref_squeeze %dma_wait3A_65 : memref<1x640xf32, #tpu.memory_space<vmem>> -> memref<640xf32, #tpu.memory_space<vmem>>
      %dma_wait3A_67 = tpu.memref_slice %arg7[%run_scoped3A_28, %mul3A_18] : memref<16x10240xf32, #tpu.memory_space<vmem_shared>> -> memref<1x640xf32, #tpu.memory_space<vmem_shared>>
      %dma_wait3A_68 = tpu.memref_squeeze %dma_wait3A_67 : memref<1x640xf32, #tpu.memory_space<vmem_shared>> -> memref<640xf32, #tpu.memory_space<vmem_shared>>
      %dma_wait3A_69 = arith.constant 0 : i32
      %dma_wait3A_70 = tpu.memref_slice %arg8[%run_scoped3A_29, %dma_wait3A_69] : memref<16x640xf32, #tpu.memory_space<vmem>> -> memref<1x640xf32, #tpu.memory_space<vmem>>
      %dma_wait3A_71 = tpu.memref_squeeze %dma_wait3A_70 : memref<1x640xf32, #tpu.memory_space<vmem>> -> memref<640xf32, #tpu.memory_space<vmem>>
      %dma_wait3A_72 = tpu.memref_slice %arg7[%run_scoped3A_28, %mul3A_18] : memref<16x10240xf32, #tpu.memory_space<vmem_shared>> -> memref<1x640xf32, #tpu.memory_space<vmem_shared>>
      %dma_wait3A_73 = tpu.memref_squeeze %dma_wait3A_72 : memref<1x640xf32, #tpu.memory_space<vmem_shared>> -> memref<640xf32, #tpu.memory_space<vmem_shared>>
      tpu.wait_dma2 semaphore(%run_scoped3A_55 : memref<!tpu.dma_semaphore, #tpu.memory_space<semaphore_mem>>) src(%dma_wait3A_73 : memref<640xf32, #tpu.memory_space<vmem_shared>>) dst(%dma_wait3A_71 : memref<640xf32, #tpu.memory_space<vmem>>)
      tpu.yield
    }) : () -> ()
    %run_scoped3A_30 = arith.constant 6 : i32
    %run_scoped3A_31 = arith.constant 6 : i32
    "tpu.region"() ({
      %run_scoped3A_55 = tpu.sem_alloc : memref<!tpu.dma_semaphore, #tpu.memory_space<semaphore_mem>>
      %dma_start3A = arith.constant 0 : i32
      %dma_start3A_56 = tpu.memref_slice %arg8[%run_scoped3A_31, %dma_start3A] : memref<16x640xf32, #tpu.memory_space<vmem>> -> memref<1x640xf32, #tpu.memory_space<vmem>>
      %dma_start3A_57 = tpu.memref_squeeze %dma_start3A_56 : memref<1x640xf32, #tpu.memory_space<vmem>> -> memref<640xf32, #tpu.memory_space<vmem>>
      %dma_start3A_58 = tpu.memref_slice %arg7[%run_scoped3A_30, %mul3A_18] : memref<16x10240xf32, #tpu.memory_space<vmem_shared>> -> memref<1x640xf32, #tpu.memory_space<vmem_shared>>
      %dma_start3A_59 = tpu.memref_squeeze %dma_start3A_58 : memref<1x640xf32, #tpu.memory_space<vmem_shared>> -> memref<640xf32, #tpu.memory_space<vmem_shared>>
      %dma_start3A_60 = arith.constant 0 : i32
      %dma_start3A_61 = tpu.memref_slice %arg8[%run_scoped3A_31, %dma_start3A_60] : memref<16x640xf32, #tpu.memory_space<vmem>> -> memref<1x640xf32, #tpu.memory_space<vmem>>
      %dma_start3A_62 = tpu.memref_squeeze %dma_start3A_61 : memref<1x640xf32, #tpu.memory_space<vmem>> -> memref<640xf32, #tpu.memory_space<vmem>>
      %dma_start3A_63 = tpu.memref_slice %arg7[%run_scoped3A_30, %mul3A_18] : memref<16x10240xf32, #tpu.memory_space<vmem_shared>> -> memref<1x640xf32, #tpu.memory_space<vmem_shared>>
      %dma_start3A_64 = tpu.memref_squeeze %dma_start3A_63 : memref<1x640xf32, #tpu.memory_space<vmem_shared>> -> memref<640xf32, #tpu.memory_space<vmem_shared>>
      tpu.enqueue_dma source(%dma_start3A_64 : memref<640xf32, #tpu.memory_space<vmem_shared>>) target(%dma_start3A_62 : memref<640xf32, #tpu.memory_space<vmem>>) target_semaphore(%run_scoped3A_55 : memref<!tpu.dma_semaphore, #tpu.memory_space<semaphore_mem>>)
      %dma_wait3A = arith.constant 0 : i32
      %dma_wait3A_65 = tpu.memref_slice %arg8[%run_scoped3A_31, %dma_wait3A] : memref<16x640xf32, #tpu.memory_space<vmem>> -> memref<1x640xf32, #tpu.memory_space<vmem>>
      %dma_wait3A_66 = tpu.memref_squeeze %dma_wait3A_65 : memref<1x640xf32, #tpu.memory_space<vmem>> -> memref<640xf32, #tpu.memory_space<vmem>>
      %dma_wait3A_67 = tpu.memref_slice %arg7[%run_scoped3A_30, %mul3A_18] : memref<16x10240xf32, #tpu.memory_space<vmem_shared>> -> memref<1x640xf32, #tpu.memory_space<vmem_shared>>
      %dma_wait3A_68 = tpu.memref_squeeze %dma_wait3A_67 : memref<1x640xf32, #tpu.memory_space<vmem_shared>> -> memref<640xf32, #tpu.memory_space<vmem_shared>>
      %dma_wait3A_69 = arith.constant 0 : i32
      %dma_wait3A_70 = tpu.memref_slice %arg8[%run_scoped3A_31, %dma_wait3A_69] : memref<16x640xf32, #tpu.memory_space<vmem>> -> memref<1x640xf32, #tpu.memory_space<vmem>>
      %dma_wait3A_71 = tpu.memref_squeeze %dma_wait3A_70 : memref<1x640xf32, #tpu.memory_space<vmem>> -> memref<640xf32, #tpu.memory_space<vmem>>
      %dma_wait3A_72 = tpu.memref_slice %arg7[%run_scoped3A_30, %mul3A_18] : memref<16x10240xf32, #tpu.memory_space<vmem_shared>> -> memref<1x640xf32, #tpu.memory_space<vmem_shared>>
      %dma_wait3A_73 = tpu.memref_squeeze %dma_wait3A_72 : memref<1x640xf32, #tpu.memory_space<vmem_shared>> -> memref<640xf32, #tpu.memory_space<vmem_shared>>
      tpu.wait_dma2 semaphore(%run_scoped3A_55 : memref<!tpu.dma_semaphore, #tpu.memory_space<semaphore_mem>>) src(%dma_wait3A_73 : memref<640xf32, #tpu.memory_space<vmem_shared>>) dst(%dma_wait3A_71 : memref<640xf32, #tpu.memory_space<vmem>>)
      tpu.yield
    }) : () -> ()
    %run_scoped3A_32 = arith.constant 7 : i32
    %run_scoped3A_33 = arith.constant 7 : i32
    "tpu.region"() ({
      %run_scoped3A_55 = tpu.sem_alloc : memref<!tpu.dma_semaphore, #tpu.memory_space<semaphore_mem>>
      %dma_start3A = arith.constant 0 : i32
      %dma_start3A_56 = tpu.memref_slice %arg8[%run_scoped3A_33, %dma_start3A] : memref<16x640xf32, #tpu.memory_space<vmem>> -> memref<1x640xf32, #tpu.memory_space<vmem>>
      %dma_start3A_57 = tpu.memref_squeeze %dma_start3A_56 : memref<1x640xf32, #tpu.memory_space<vmem>> -> memref<640xf32, #tpu.memory_space<vmem>>
      %dma_start3A_58 = tpu.memref_slice %arg7[%run_scoped3A_32, %mul3A_18] : memref<16x10240xf32, #tpu.memory_space<vmem_shared>> -> memref<1x640xf32, #tpu.memory_space<vmem_shared>>
      %dma_start3A_59 = tpu.memref_squeeze %dma_start3A_58 : memref<1x640xf32, #tpu.memory_space<vmem_shared>> -> memref<640xf32, #tpu.memory_space<vmem_shared>>
      %dma_start3A_60 = arith.constant 0 : i32
      %dma_start3A_61 = tpu.memref_slice %arg8[%run_scoped3A_33, %dma_start3A_60] : memref<16x640xf32, #tpu.memory_space<vmem>> -> memref<1x640xf32, #tpu.memory_space<vmem>>
      %dma_start3A_62 = tpu.memref_squeeze %dma_start3A_61 : memref<1x640xf32, #tpu.memory_space<vmem>> -> memref<640xf32, #tpu.memory_space<vmem>>
      %dma_start3A_63 = tpu.memref_slice %arg7[%run_scoped3A_32, %mul3A_18] : memref<16x10240xf32, #tpu.memory_space<vmem_shared>> -> memref<1x640xf32, #tpu.memory_space<vmem_shared>>
      %dma_start3A_64 = tpu.memref_squeeze %dma_start3A_63 : memref<1x640xf32, #tpu.memory_space<vmem_shared>> -> memref<640xf32, #tpu.memory_space<vmem_shared>>
      tpu.enqueue_dma source(%dma_start3A_64 : memref<640xf32, #tpu.memory_space<vmem_shared>>) target(%dma_start3A_62 : memref<640xf32, #tpu.memory_space<vmem>>) target_semaphore(%run_scoped3A_55 : memref<!tpu.dma_semaphore, #tpu.memory_space<semaphore_mem>>)
      %dma_wait3A = arith.constant 0 : i32
      %dma_wait3A_65 = tpu.memref_slice %arg8[%run_scoped3A_33, %dma_wait3A] : memref<16x640xf32, #tpu.memory_space<vmem>> -> memref<1x640xf32, #tpu.memory_space<vmem>>
      %dma_wait3A_66 = tpu.memref_squeeze %dma_wait3A_65 : memref<1x640xf32, #tpu.memory_space<vmem>> -> memref<640xf32, #tpu.memory_space<vmem>>
      %dma_wait3A_67 = tpu.memref_slice %arg7[%run_scoped3A_32, %mul3A_18] : memref<16x10240xf32, #tpu.memory_space<vmem_shared>> -> memref<1x640xf32, #tpu.memory_space<vmem_shared>>
      %dma_wait3A_68 = tpu.memref_squeeze %dma_wait3A_67 : memref<1x640xf32, #tpu.memory_space<vmem_shared>> -> memref<640xf32, #tpu.memory_space<vmem_shared>>
      %dma_wait3A_69 = arith.constant 0 : i32
      %dma_wait3A_70 = tpu.memref_slice %arg8[%run_scoped3A_33, %dma_wait3A_69] : memref<16x640xf32, #tpu.memory_space<vmem>> -> memref<1x640xf32, #tpu.memory_space<vmem>>
      %dma_wait3A_71 = tpu.memref_squeeze %dma_wait3A_70 : memref<1x640xf32, #tpu.memory_space<vmem>> -> memref<640xf32, #tpu.memory_space<vmem>>
      %dma_wait3A_72 = tpu.memref_slice %arg7[%run_scoped3A_32, %mul3A_18] : memref<16x10240xf32, #tpu.memory_space<vmem_shared>> -> memref<1x640xf32, #tpu.memory_space<vmem_shared>>
      %dma_wait3A_73 = tpu.memref_squeeze %dma_wait3A_72 : memref<1x640xf32, #tpu.memory_space<vmem_shared>> -> memref<640xf32, #tpu.memory_space<vmem_shared>>
      tpu.wait_dma2 semaphore(%run_scoped3A_55 : memref<!tpu.dma_semaphore, #tpu.memory_space<semaphore_mem>>) src(%dma_wait3A_73 : memref<640xf32, #tpu.memory_space<vmem_shared>>) dst(%dma_wait3A_71 : memref<640xf32, #tpu.memory_space<vmem>>)
      tpu.yield
    }) : () -> ()
    %run_scoped3A_34 = arith.constant 8 : i32
    %run_scoped3A_35 = arith.constant 8 : i32
    "tpu.region"() ({
      %run_scoped3A_55 = tpu.sem_alloc : memref<!tpu.dma_semaphore, #tpu.memory_space<semaphore_mem>>
      %dma_start3A = arith.constant 0 : i32
      %dma_start3A_56 = tpu.memref_slice %arg8[%run_scoped3A_35, %dma_start3A] : memref<16x640xf32, #tpu.memory_space<vmem>> -> memref<1x640xf32, #tpu.memory_space<vmem>>
      %dma_start3A_57 = tpu.memref_squeeze %dma_start3A_56 : memref<1x640xf32, #tpu.memory_space<vmem>> -> memref<640xf32, #tpu.memory_space<vmem>>
      %dma_start3A_58 = tpu.memref_slice %arg7[%run_scoped3A_34, %mul3A_18] : memref<16x10240xf32, #tpu.memory_space<vmem_shared>> -> memref<1x640xf32, #tpu.memory_space<vmem_shared>>
      %dma_start3A_59 = tpu.memref_squeeze %dma_start3A_58 : memref<1x640xf32, #tpu.memory_space<vmem_shared>> -> memref<640xf32, #tpu.memory_space<vmem_shared>>
      %dma_start3A_60 = arith.constant 0 : i32
      %dma_start3A_61 = tpu.memref_slice %arg8[%run_scoped3A_35, %dma_start3A_60] : memref<16x640xf32, #tpu.memory_space<vmem>> -> memref<1x640xf32, #tpu.memory_space<vmem>>
      %dma_start3A_62 = tpu.memref_squeeze %dma_start3A_61 : memref<1x640xf32, #tpu.memory_space<vmem>> -> memref<640xf32, #tpu.memory_space<vmem>>
      %dma_start3A_63 = tpu.memref_slice %arg7[%run_scoped3A_34, %mul3A_18] : memref<16x10240xf32, #tpu.memory_space<vmem_shared>> -> memref<1x640xf32, #tpu.memory_space<vmem_shared>>
      %dma_start3A_64 = tpu.memref_squeeze %dma_start3A_63 : memref<1x640xf32, #tpu.memory_space<vmem_shared>> -> memref<640xf32, #tpu.memory_space<vmem_shared>>
      tpu.enqueue_dma source(%dma_start3A_64 : memref<640xf32, #tpu.memory_space<vmem_shared>>) target(%dma_start3A_62 : memref<640xf32, #tpu.memory_space<vmem>>) target_semaphore(%run_scoped3A_55 : memref<!tpu.dma_semaphore, #tpu.memory_space<semaphore_mem>>)
      %dma_wait3A = arith.constant 0 : i32
      %dma_wait3A_65 = tpu.memref_slice %arg8[%run_scoped3A_35, %dma_wait3A] : memref<16x640xf32, #tpu.memory_space<vmem>> -> memref<1x640xf32, #tpu.memory_space<vmem>>
      %dma_wait3A_66 = tpu.memref_squeeze %dma_wait3A_65 : memref<1x640xf32, #tpu.memory_space<vmem>> -> memref<640xf32, #tpu.memory_space<vmem>>
      %dma_wait3A_67 = tpu.memref_slice %arg7[%run_scoped3A_34, %mul3A_18] : memref<16x10240xf32, #tpu.memory_space<vmem_shared>> -> memref<1x640xf32, #tpu.memory_space<vmem_shared>>
      %dma_wait3A_68 = tpu.memref_squeeze %dma_wait3A_67 : memref<1x640xf32, #tpu.memory_space<vmem_shared>> -> memref<640xf32, #tpu.memory_space<vmem_shared>>
      %dma_wait3A_69 = arith.constant 0 : i32
      %dma_wait3A_70 = tpu.memref_slice %arg8[%run_scoped3A_35, %dma_wait3A_69] : memref<16x640xf32, #tpu.memory_space<vmem>> -> memref<1x640xf32, #tpu.memory_space<vmem>>
      %dma_wait3A_71 = tpu.memref_squeeze %dma_wait3A_70 : memref<1x640xf32, #tpu.memory_space<vmem>> -> memref<640xf32, #tpu.memory_space<vmem>>
      %dma_wait3A_72 = tpu.memref_slice %arg7[%run_scoped3A_34, %mul3A_18] : memref<16x10240xf32, #tpu.memory_space<vmem_shared>> -> memref<1x640xf32, #tpu.memory_space<vmem_shared>>
      %dma_wait3A_73 = tpu.memref_squeeze %dma_wait3A_72 : memref<1x640xf32, #tpu.memory_space<vmem_shared>> -> memref<640xf32, #tpu.memory_space<vmem_shared>>
      tpu.wait_dma2 semaphore(%run_scoped3A_55 : memref<!tpu.dma_semaphore, #tpu.memory_space<semaphore_mem>>) src(%dma_wait3A_73 : memref<640xf32, #tpu.memory_space<vmem_shared>>) dst(%dma_wait3A_71 : memref<640xf32, #tpu.memory_space<vmem>>)
      tpu.yield
    }) : () -> ()
    %run_scoped3A_36 = arith.constant 9 : i32
    %run_scoped3A_37 = arith.constant 9 : i32
    "tpu.region"() ({
      %run_scoped3A_55 = tpu.sem_alloc : memref<!tpu.dma_semaphore, #tpu.memory_space<semaphore_mem>>
      %dma_start3A = arith.constant 0 : i32
      %dma_start3A_56 = tpu.memref_slice %arg8[%run_scoped3A_37, %dma_start3A] : memref<16x640xf32, #tpu.memory_space<vmem>> -> memref<1x640xf32, #tpu.memory_space<vmem>>
      %dma_start3A_57 = tpu.memref_squeeze %dma_start3A_56 : memref<1x640xf32, #tpu.memory_space<vmem>> -> memref<640xf32, #tpu.memory_space<vmem>>
      %dma_start3A_58 = tpu.memref_slice %arg7[%run_scoped3A_36, %mul3A_18] : memref<16x10240xf32, #tpu.memory_space<vmem_shared>> -> memref<1x640xf32, #tpu.memory_space<vmem_shared>>
      %dma_start3A_59 = tpu.memref_squeeze %dma_start3A_58 : memref<1x640xf32, #tpu.memory_space<vmem_shared>> -> memref<640xf32, #tpu.memory_space<vmem_shared>>
      %dma_start3A_60 = arith.constant 0 : i32
      %dma_start3A_61 = tpu.memref_slice %arg8[%run_scoped3A_37, %dma_start3A_60] : memref<16x640xf32, #tpu.memory_space<vmem>> -> memref<1x640xf32, #tpu.memory_space<vmem>>
      %dma_start3A_62 = tpu.memref_squeeze %dma_start3A_61 : memref<1x640xf32, #tpu.memory_space<vmem>> -> memref<640xf32, #tpu.memory_space<vmem>>
      %dma_start3A_63 = tpu.memref_slice %arg7[%run_scoped3A_36, %mul3A_18] : memref<16x10240xf32, #tpu.memory_space<vmem_shared>> -> memref<1x640xf32, #tpu.memory_space<vmem_shared>>
      %dma_start3A_64 = tpu.memref_squeeze %dma_start3A_63 : memref<1x640xf32, #tpu.memory_space<vmem_shared>> -> memref<640xf32, #tpu.memory_space<vmem_shared>>
      tpu.enqueue_dma source(%dma_start3A_64 : memref<640xf32, #tpu.memory_space<vmem_shared>>) target(%dma_start3A_62 : memref<640xf32, #tpu.memory_space<vmem>>) target_semaphore(%run_scoped3A_55 : memref<!tpu.dma_semaphore, #tpu.memory_space<semaphore_mem>>)
      %dma_wait3A = arith.constant 0 : i32
      %dma_wait3A_65 = tpu.memref_slice %arg8[%run_scoped3A_37, %dma_wait3A] : memref<16x640xf32, #tpu.memory_space<vmem>> -> memref<1x640xf32, #tpu.memory_space<vmem>>
      %dma_wait3A_66 = tpu.memref_squeeze %dma_wait3A_65 : memref<1x640xf32, #tpu.memory_space<vmem>> -> memref<640xf32, #tpu.memory_space<vmem>>
      %dma_wait3A_67 = tpu.memref_slice %arg7[%run_scoped3A_36, %mul3A_18] : memref<16x10240xf32, #tpu.memory_space<vmem_shared>> -> memref<1x640xf32, #tpu.memory_space<vmem_shared>>
      %dma_wait3A_68 = tpu.memref_squeeze %dma_wait3A_67 : memref<1x640xf32, #tpu.memory_space<vmem_shared>> -> memref<640xf32, #tpu.memory_space<vmem_shared>>
      %dma_wait3A_69 = arith.constant 0 : i32
      %dma_wait3A_70 = tpu.memref_slice %arg8[%run_scoped3A_37, %dma_wait3A_69] : memref<16x640xf32, #tpu.memory_space<vmem>> -> memref<1x640xf32, #tpu.memory_space<vmem>>
      %dma_wait3A_71 = tpu.memref_squeeze %dma_wait3A_70 : memref<1x640xf32, #tpu.memory_space<vmem>> -> memref<640xf32, #tpu.memory_space<vmem>>
      %dma_wait3A_72 = tpu.memref_slice %arg7[%run_scoped3A_36, %mul3A_18] : memref<16x10240xf32, #tpu.memory_space<vmem_shared>> -> memref<1x640xf32, #tpu.memory_space<vmem_shared>>
      %dma_wait3A_73 = tpu.memref_squeeze %dma_wait3A_72 : memref<1x640xf32, #tpu.memory_space<vmem_shared>> -> memref<640xf32, #tpu.memory_space<vmem_shared>>
      tpu.wait_dma2 semaphore(%run_scoped3A_55 : memref<!tpu.dma_semaphore, #tpu.memory_space<semaphore_mem>>) src(%dma_wait3A_73 : memref<640xf32, #tpu.memory_space<vmem_shared>>) dst(%dma_wait3A_71 : memref<640xf32, #tpu.memory_space<vmem>>)
      tpu.yield
    }) : () -> ()
    %run_scoped3A_38 = arith.constant 10 : i32
    %run_scoped3A_39 = arith.constant 10 : i32
    "tpu.region"() ({
      %run_scoped3A_55 = tpu.sem_alloc : memref<!tpu.dma_semaphore, #tpu.memory_space<semaphore_mem>>
      %dma_start3A = arith.constant 0 : i32
      %dma_start3A_56 = tpu.memref_slice %arg8[%run_scoped3A_39, %dma_start3A] : memref<16x640xf32, #tpu.memory_space<vmem>> -> memref<1x640xf32, #tpu.memory_space<vmem>>
      %dma_start3A_57 = tpu.memref_squeeze %dma_start3A_56 : memref<1x640xf32, #tpu.memory_space<vmem>> -> memref<640xf32, #tpu.memory_space<vmem>>
      %dma_start3A_58 = tpu.memref_slice %arg7[%run_scoped3A_38, %mul3A_18] : memref<16x10240xf32, #tpu.memory_space<vmem_shared>> -> memref<1x640xf32, #tpu.memory_space<vmem_shared>>
      %dma_start3A_59 = tpu.memref_squeeze %dma_start3A_58 : memref<1x640xf32, #tpu.memory_space<vmem_shared>> -> memref<640xf32, #tpu.memory_space<vmem_shared>>
      %dma_start3A_60 = arith.constant 0 : i32
      %dma_start3A_61 = tpu.memref_slice %arg8[%run_scoped3A_39, %dma_start3A_60] : memref<16x640xf32, #tpu.memory_space<vmem>> -> memref<1x640xf32, #tpu.memory_space<vmem>>
      %dma_start3A_62 = tpu.memref_squeeze %dma_start3A_61 : memref<1x640xf32, #tpu.memory_space<vmem>> -> memref<640xf32, #tpu.memory_space<vmem>>
      %dma_start3A_63 = tpu.memref_slice %arg7[%run_scoped3A_38, %mul3A_18] : memref<16x10240xf32, #tpu.memory_space<vmem_shared>> -> memref<1x640xf32, #tpu.memory_space<vmem_shared>>
      %dma_start3A_64 = tpu.memref_squeeze %dma_start3A_63 : memref<1x640xf32, #tpu.memory_space<vmem_shared>> -> memref<640xf32, #tpu.memory_space<vmem_shared>>
      tpu.enqueue_dma source(%dma_start3A_64 : memref<640xf32, #tpu.memory_space<vmem_shared>>) target(%dma_start3A_62 : memref<640xf32, #tpu.memory_space<vmem>>) target_semaphore(%run_scoped3A_55 : memref<!tpu.dma_semaphore, #tpu.memory_space<semaphore_mem>>)
      %dma_wait3A = arith.constant 0 : i32
      %dma_wait3A_65 = tpu.memref_slice %arg8[%run_scoped3A_39, %dma_wait3A] : memref<16x640xf32, #tpu.memory_space<vmem>> -> memref<1x640xf32, #tpu.memory_space<vmem>>
      %dma_wait3A_66 = tpu.memref_squeeze %dma_wait3A_65 : memref<1x640xf32, #tpu.memory_space<vmem>> -> memref<640xf32, #tpu.memory_space<vmem>>
      %dma_wait3A_67 = tpu.memref_slice %arg7[%run_scoped3A_38, %mul3A_18] : memref<16x10240xf32, #tpu.memory_space<vmem_shared>> -> memref<1x640xf32, #tpu.memory_space<vmem_shared>>
      %dma_wait3A_68 = tpu.memref_squeeze %dma_wait3A_67 : memref<1x640xf32, #tpu.memory_space<vmem_shared>> -> memref<640xf32, #tpu.memory_space<vmem_shared>>
      %dma_wait3A_69 = arith.constant 0 : i32
      %dma_wait3A_70 = tpu.memref_slice %arg8[%run_scoped3A_39, %dma_wait3A_69] : memref<16x640xf32, #tpu.memory_space<vmem>> -> memref<1x640xf32, #tpu.memory_space<vmem>>
      %dma_wait3A_71 = tpu.memref_squeeze %dma_wait3A_70 : memref<1x640xf32, #tpu.memory_space<vmem>> -> memref<640xf32, #tpu.memory_space<vmem>>
      %dma_wait3A_72 = tpu.memref_slice %arg7[%run_scoped3A_38, %mul3A_18] : memref<16x10240xf32, #tpu.memory_space<vmem_shared>> -> memref<1x640xf32, #tpu.memory_space<vmem_shared>>
      %dma_wait3A_73 = tpu.memref_squeeze %dma_wait3A_72 : memref<1x640xf32, #tpu.memory_space<vmem_shared>> -> memref<640xf32, #tpu.memory_space<vmem_shared>>
      tpu.wait_dma2 semaphore(%run_scoped3A_55 : memref<!tpu.dma_semaphore, #tpu.memory_space<semaphore_mem>>) src(%dma_wait3A_73 : memref<640xf32, #tpu.memory_space<vmem_shared>>) dst(%dma_wait3A_71 : memref<640xf32, #tpu.memory_space<vmem>>)
      tpu.yield
    }) : () -> ()
    %run_scoped3A_40 = arith.constant 11 : i32
    %run_scoped3A_41 = arith.constant 11 : i32
    "tpu.region"() ({
      %run_scoped3A_55 = tpu.sem_alloc : memref<!tpu.dma_semaphore, #tpu.memory_space<semaphore_mem>>
      %dma_start3A = arith.constant 0 : i32
      %dma_start3A_56 = tpu.memref_slice %arg8[%run_scoped3A_41, %dma_start3A] : memref<16x640xf32, #tpu.memory_space<vmem>> -> memref<1x640xf32, #tpu.memory_space<vmem>>
      %dma_start3A_57 = tpu.memref_squeeze %dma_start3A_56 : memref<1x640xf32, #tpu.memory_space<vmem>> -> memref<640xf32, #tpu.memory_space<vmem>>
      %dma_start3A_58 = tpu.memref_slice %arg7[%run_scoped3A_40, %mul3A_18] : memref<16x10240xf32, #tpu.memory_space<vmem_shared>> -> memref<1x640xf32, #tpu.memory_space<vmem_shared>>
      %dma_start3A_59 = tpu.memref_squeeze %dma_start3A_58 : memref<1x640xf32, #tpu.memory_space<vmem_shared>> -> memref<640xf32, #tpu.memory_space<vmem_shared>>
      %dma_start3A_60 = arith.constant 0 : i32
      %dma_start3A_61 = tpu.memref_slice %arg8[%run_scoped3A_41, %dma_start3A_60] : memref<16x640xf32, #tpu.memory_space<vmem>> -> memref<1x640xf32, #tpu.memory_space<vmem>>
      %dma_start3A_62 = tpu.memref_squeeze %dma_start3A_61 : memref<1x640xf32, #tpu.memory_space<vmem>> -> memref<640xf32, #tpu.memory_space<vmem>>
      %dma_start3A_63 = tpu.memref_slice %arg7[%run_scoped3A_40, %mul3A_18] : memref<16x10240xf32, #tpu.memory_space<vmem_shared>> -> memref<1x640xf32, #tpu.memory_space<vmem_shared>>
      %dma_start3A_64 = tpu.memref_squeeze %dma_start3A_63 : memref<1x640xf32, #tpu.memory_space<vmem_shared>> -> memref<640xf32, #tpu.memory_space<vmem_shared>>
      tpu.enqueue_dma source(%dma_start3A_64 : memref<640xf32, #tpu.memory_space<vmem_shared>>) target(%dma_start3A_62 : memref<640xf32, #tpu.memory_space<vmem>>) target_semaphore(%run_scoped3A_55 : memref<!tpu.dma_semaphore, #tpu.memory_space<semaphore_mem>>)
      %dma_wait3A = arith.constant 0 : i32
      %dma_wait3A_65 = tpu.memref_slice %arg8[%run_scoped3A_41, %dma_wait3A] : memref<16x640xf32, #tpu.memory_space<vmem>> -> memref<1x640xf32, #tpu.memory_space<vmem>>
      %dma_wait3A_66 = tpu.memref_squeeze %dma_wait3A_65 : memref<1x640xf32, #tpu.memory_space<vmem>> -> memref<640xf32, #tpu.memory_space<vmem>>
      %dma_wait3A_67 = tpu.memref_slice %arg7[%run_scoped3A_40, %mul3A_18] : memref<16x10240xf32, #tpu.memory_space<vmem_shared>> -> memref<1x640xf32, #tpu.memory_space<vmem_shared>>
      %dma_wait3A_68 = tpu.memref_squeeze %dma_wait3A_67 : memref<1x640xf32, #tpu.memory_space<vmem_shared>> -> memref<640xf32, #tpu.memory_space<vmem_shared>>
      %dma_wait3A_69 = arith.constant 0 : i32
      %dma_wait3A_70 = tpu.memref_slice %arg8[%run_scoped3A_41, %dma_wait3A_69] : memref<16x640xf32, #tpu.memory_space<vmem>> -> memref<1x640xf32, #tpu.memory_space<vmem>>
      %dma_wait3A_71 = tpu.memref_squeeze %dma_wait3A_70 : memref<1x640xf32, #tpu.memory_space<vmem>> -> memref<640xf32, #tpu.memory_space<vmem>>
      %dma_wait3A_72 = tpu.memref_slice %arg7[%run_scoped3A_40, %mul3A_18] : memref<16x10240xf32, #tpu.memory_space<vmem_shared>> -> memref<1x640xf32, #tpu.memory_space<vmem_shared>>
      %dma_wait3A_73 = tpu.memref_squeeze %dma_wait3A_72 : memref<1x640xf32, #tpu.memory_space<vmem_shared>> -> memref<640xf32, #tpu.memory_space<vmem_shared>>
      tpu.wait_dma2 semaphore(%run_scoped3A_55 : memref<!tpu.dma_semaphore, #tpu.memory_space<semaphore_mem>>) src(%dma_wait3A_73 : memref<640xf32, #tpu.memory_space<vmem_shared>>) dst(%dma_wait3A_71 : memref<640xf32, #tpu.memory_space<vmem>>)
      tpu.yield
    }) : () -> ()
    %run_scoped3A_42 = arith.constant 12 : i32
    %run_scoped3A_43 = arith.constant 12 : i32
    "tpu.region"() ({
      %run_scoped3A_55 = tpu.sem_alloc : memref<!tpu.dma_semaphore, #tpu.memory_space<semaphore_mem>>
      %dma_start3A = arith.constant 0 : i32
      %dma_start3A_56 = tpu.memref_slice %arg8[%run_scoped3A_43, %dma_start3A] : memref<16x640xf32, #tpu.memory_space<vmem>> -> memref<1x640xf32, #tpu.memory_space<vmem>>
      %dma_start3A_57 = tpu.memref_squeeze %dma_start3A_56 : memref<1x640xf32, #tpu.memory_space<vmem>> -> memref<640xf32, #tpu.memory_space<vmem>>
      %dma_start3A_58 = tpu.memref_slice %arg7[%run_scoped3A_42, %mul3A_18] : memref<16x10240xf32, #tpu.memory_space<vmem_shared>> -> memref<1x640xf32, #tpu.memory_space<vmem_shared>>
      %dma_start3A_59 = tpu.memref_squeeze %dma_start3A_58 : memref<1x640xf32, #tpu.memory_space<vmem_shared>> -> memref<640xf32, #tpu.memory_space<vmem_shared>>
      %dma_start3A_60 = arith.constant 0 : i32
      %dma_start3A_61 = tpu.memref_slice %arg8[%run_scoped3A_43, %dma_start3A_60] : memref<16x640xf32, #tpu.memory_space<vmem>> -> memref<1x640xf32, #tpu.memory_space<vmem>>
      %dma_start3A_62 = tpu.memref_squeeze %dma_start3A_61 : memref<1x640xf32, #tpu.memory_space<vmem>> -> memref<640xf32, #tpu.memory_space<vmem>>
      %dma_start3A_63 = tpu.memref_slice %arg7[%run_scoped3A_42, %mul3A_18] : memref<16x10240xf32, #tpu.memory_space<vmem_shared>> -> memref<1x640xf32, #tpu.memory_space<vmem_shared>>
      %dma_start3A_64 = tpu.memref_squeeze %dma_start3A_63 : memref<1x640xf32, #tpu.memory_space<vmem_shared>> -> memref<640xf32, #tpu.memory_space<vmem_shared>>
      tpu.enqueue_dma source(%dma_start3A_64 : memref<640xf32, #tpu.memory_space<vmem_shared>>) target(%dma_start3A_62 : memref<640xf32, #tpu.memory_space<vmem>>) target_semaphore(%run_scoped3A_55 : memref<!tpu.dma_semaphore, #tpu.memory_space<semaphore_mem>>)
      %dma_wait3A = arith.constant 0 : i32
      %dma_wait3A_65 = tpu.memref_slice %arg8[%run_scoped3A_43, %dma_wait3A] : memref<16x640xf32, #tpu.memory_space<vmem>> -> memref<1x640xf32, #tpu.memory_space<vmem>>
      %dma_wait3A_66 = tpu.memref_squeeze %dma_wait3A_65 : memref<1x640xf32, #tpu.memory_space<vmem>> -> memref<640xf32, #tpu.memory_space<vmem>>
      %dma_wait3A_67 = tpu.memref_slice %arg7[%run_scoped3A_42, %mul3A_18] : memref<16x10240xf32, #tpu.memory_space<vmem_shared>> -> memref<1x640xf32, #tpu.memory_space<vmem_shared>>
      %dma_wait3A_68 = tpu.memref_squeeze %dma_wait3A_67 : memref<1x640xf32, #tpu.memory_space<vmem_shared>> -> memref<640xf32, #tpu.memory_space<vmem_shared>>
      %dma_wait3A_69 = arith.constant 0 : i32
      %dma_wait3A_70 = tpu.memref_slice %arg8[%run_scoped3A_43, %dma_wait3A_69] : memref<16x640xf32, #tpu.memory_space<vmem>> -> memref<1x640xf32, #tpu.memory_space<vmem>>
      %dma_wait3A_71 = tpu.memref_squeeze %dma_wait3A_70 : memref<1x640xf32, #tpu.memory_space<vmem>> -> memref<640xf32, #tpu.memory_space<vmem>>
      %dma_wait3A_72 = tpu.memref_slice %arg7[%run_scoped3A_42, %mul3A_18] : memref<16x10240xf32, #tpu.memory_space<vmem_shared>> -> memref<1x640xf32, #tpu.memory_space<vmem_shared>>
      %dma_wait3A_73 = tpu.memref_squeeze %dma_wait3A_72 : memref<1x640xf32, #tpu.memory_space<vmem_shared>> -> memref<640xf32, #tpu.memory_space<vmem_shared>>
      tpu.wait_dma2 semaphore(%run_scoped3A_55 : memref<!tpu.dma_semaphore, #tpu.memory_space<semaphore_mem>>) src(%dma_wait3A_73 : memref<640xf32, #tpu.memory_space<vmem_shared>>) dst(%dma_wait3A_71 : memref<640xf32, #tpu.memory_space<vmem>>)
      tpu.yield
    }) : () -> ()
    %run_scoped3A_44 = arith.constant 13 : i32
    %run_scoped3A_45 = arith.constant 13 : i32
    "tpu.region"() ({
      %run_scoped3A_55 = tpu.sem_alloc : memref<!tpu.dma_semaphore, #tpu.memory_space<semaphore_mem>>
      %dma_start3A = arith.constant 0 : i32
      %dma_start3A_56 = tpu.memref_slice %arg8[%run_scoped3A_45, %dma_start3A] : memref<16x640xf32, #tpu.memory_space<vmem>> -> memref<1x640xf32, #tpu.memory_space<vmem>>
      %dma_start3A_57 = tpu.memref_squeeze %dma_start3A_56 : memref<1x640xf32, #tpu.memory_space<vmem>> -> memref<640xf32, #tpu.memory_space<vmem>>
      %dma_start3A_58 = tpu.memref_slice %arg7[%run_scoped3A_44, %mul3A_18] : memref<16x10240xf32, #tpu.memory_space<vmem_shared>> -> memref<1x640xf32, #tpu.memory_space<vmem_shared>>
      %dma_start3A_59 = tpu.memref_squeeze %dma_start3A_58 : memref<1x640xf32, #tpu.memory_space<vmem_shared>> -> memref<640xf32, #tpu.memory_space<vmem_shared>>
      %dma_start3A_60 = arith.constant 0 : i32
      %dma_start3A_61 = tpu.memref_slice %arg8[%run_scoped3A_45, %dma_start3A_60] : memref<16x640xf32, #tpu.memory_space<vmem>> -> memref<1x640xf32, #tpu.memory_space<vmem>>
      %dma_start3A_62 = tpu.memref_squeeze %dma_start3A_61 : memref<1x640xf32, #tpu.memory_space<vmem>> -> memref<640xf32, #tpu.memory_space<vmem>>
      %dma_start3A_63 = tpu.memref_slice %arg7[%run_scoped3A_44, %mul3A_18] : memref<16x10240xf32, #tpu.memory_space<vmem_shared>> -> memref<1x640xf32, #tpu.memory_space<vmem_shared>>
      %dma_start3A_64 = tpu.memref_squeeze %dma_start3A_63 : memref<1x640xf32, #tpu.memory_space<vmem_shared>> -> memref<640xf32, #tpu.memory_space<vmem_shared>>
      tpu.enqueue_dma source(%dma_start3A_64 : memref<640xf32, #tpu.memory_space<vmem_shared>>) target(%dma_start3A_62 : memref<640xf32, #tpu.memory_space<vmem>>) target_semaphore(%run_scoped3A_55 : memref<!tpu.dma_semaphore, #tpu.memory_space<semaphore_mem>>)
      %dma_wait3A = arith.constant 0 : i32
      %dma_wait3A_65 = tpu.memref_slice %arg8[%run_scoped3A_45, %dma_wait3A] : memref<16x640xf32, #tpu.memory_space<vmem>> -> memref<1x640xf32, #tpu.memory_space<vmem>>
      %dma_wait3A_66 = tpu.memref_squeeze %dma_wait3A_65 : memref<1x640xf32, #tpu.memory_space<vmem>> -> memref<640xf32, #tpu.memory_space<vmem>>
      %dma_wait3A_67 = tpu.memref_slice %arg7[%run_scoped3A_44, %mul3A_18] : memref<16x10240xf32, #tpu.memory_space<vmem_shared>> -> memref<1x640xf32, #tpu.memory_space<vmem_shared>>
      %dma_wait3A_68 = tpu.memref_squeeze %dma_wait3A_67 : memref<1x640xf32, #tpu.memory_space<vmem_shared>> -> memref<640xf32, #tpu.memory_space<vmem_shared>>
      %dma_wait3A_69 = arith.constant 0 : i32
      %dma_wait3A_70 = tpu.memref_slice %arg8[%run_scoped3A_45, %dma_wait3A_69] : memref<16x640xf32, #tpu.memory_space<vmem>> -> memref<1x640xf32, #tpu.memory_space<vmem>>
      %dma_wait3A_71 = tpu.memref_squeeze %dma_wait3A_70 : memref<1x640xf32, #tpu.memory_space<vmem>> -> memref<640xf32, #tpu.memory_space<vmem>>
      %dma_wait3A_72 = tpu.memref_slice %arg7[%run_scoped3A_44, %mul3A_18] : memref<16x10240xf32, #tpu.memory_space<vmem_shared>> -> memref<1x640xf32, #tpu.memory_space<vmem_shared>>
      %dma_wait3A_73 = tpu.memref_squeeze %dma_wait3A_72 : memref<1x640xf32, #tpu.memory_space<vmem_shared>> -> memref<640xf32, #tpu.memory_space<vmem_shared>>
      tpu.wait_dma2 semaphore(%run_scoped3A_55 : memref<!tpu.dma_semaphore, #tpu.memory_space<semaphore_mem>>) src(%dma_wait3A_73 : memref<640xf32, #tpu.memory_space<vmem_shared>>) dst(%dma_wait3A_71 : memref<640xf32, #tpu.memory_space<vmem>>)
      tpu.yield
    }) : () -> ()
    %run_scoped3A_46 = arith.constant 14 : i32
    %run_scoped3A_47 = arith.constant 14 : i32
    "tpu.region"() ({
      %run_scoped3A_55 = tpu.sem_alloc : memref<!tpu.dma_semaphore, #tpu.memory_space<semaphore_mem>>
      %dma_start3A = arith.constant 0 : i32
      %dma_start3A_56 = tpu.memref_slice %arg8[%run_scoped3A_47, %dma_start3A] : memref<16x640xf32, #tpu.memory_space<vmem>> -> memref<1x640xf32, #tpu.memory_space<vmem>>
      %dma_start3A_57 = tpu.memref_squeeze %dma_start3A_56 : memref<1x640xf32, #tpu.memory_space<vmem>> -> memref<640xf32, #tpu.memory_space<vmem>>
      %dma_start3A_58 = tpu.memref_slice %arg7[%run_scoped3A_46, %mul3A_18] : memref<16x10240xf32, #tpu.memory_space<vmem_shared>> -> memref<1x640xf32, #tpu.memory_space<vmem_shared>>
      %dma_start3A_59 = tpu.memref_squeeze %dma_start3A_58 : memref<1x640xf32, #tpu.memory_space<vmem_shared>> -> memref<640xf32, #tpu.memory_space<vmem_shared>>
      %dma_start3A_60 = arith.constant 0 : i32
      %dma_start3A_61 = tpu.memref_slice %arg8[%run_scoped3A_47, %dma_start3A_60] : memref<16x640xf32, #tpu.memory_space<vmem>> -> memref<1x640xf32, #tpu.memory_space<vmem>>
      %dma_start3A_62 = tpu.memref_squeeze %dma_start3A_61 : memref<1x640xf32, #tpu.memory_space<vmem>> -> memref<640xf32, #tpu.memory_space<vmem>>
      %dma_start3A_63 = tpu.memref_slice %arg7[%run_scoped3A_46, %mul3A_18] : memref<16x10240xf32, #tpu.memory_space<vmem_shared>> -> memref<1x640xf32, #tpu.memory_space<vmem_shared>>
      %dma_start3A_64 = tpu.memref_squeeze %dma_start3A_63 : memref<1x640xf32, #tpu.memory_space<vmem_shared>> -> memref<640xf32, #tpu.memory_space<vmem_shared>>
      tpu.enqueue_dma source(%dma_start3A_64 : memref<640xf32, #tpu.memory_space<vmem_shared>>) target(%dma_start3A_62 : memref<640xf32, #tpu.memory_space<vmem>>) target_semaphore(%run_scoped3A_55 : memref<!tpu.dma_semaphore, #tpu.memory_space<semaphore_mem>>)
      %dma_wait3A = arith.constant 0 : i32
      %dma_wait3A_65 = tpu.memref_slice %arg8[%run_scoped3A_47, %dma_wait3A] : memref<16x640xf32, #tpu.memory_space<vmem>> -> memref<1x640xf32, #tpu.memory_space<vmem>>
      %dma_wait3A_66 = tpu.memref_squeeze %dma_wait3A_65 : memref<1x640xf32, #tpu.memory_space<vmem>> -> memref<640xf32, #tpu.memory_space<vmem>>
      %dma_wait3A_67 = tpu.memref_slice %arg7[%run_scoped3A_46, %mul3A_18] : memref<16x10240xf32, #tpu.memory_space<vmem_shared>> -> memref<1x640xf32, #tpu.memory_space<vmem_shared>>
      %dma_wait3A_68 = tpu.memref_squeeze %dma_wait3A_67 : memref<1x640xf32, #tpu.memory_space<vmem_shared>> -> memref<640xf32, #tpu.memory_space<vmem_shared>>
      %dma_wait3A_69 = arith.constant 0 : i32
      %dma_wait3A_70 = tpu.memref_slice %arg8[%run_scoped3A_47, %dma_wait3A_69] : memref<16x640xf32, #tpu.memory_space<vmem>> -> memref<1x640xf32, #tpu.memory_space<vmem>>
      %dma_wait3A_71 = tpu.memref_squeeze %dma_wait3A_70 : memref<1x640xf32, #tpu.memory_space<vmem>> -> memref<640xf32, #tpu.memory_space<vmem>>
      %dma_wait3A_72 = tpu.memref_slice %arg7[%run_scoped3A_46, %mul3A_18] : memref<16x10240xf32, #tpu.memory_space<vmem_shared>> -> memref<1x640xf32, #tpu.memory_space<vmem_shared>>
      %dma_wait3A_73 = tpu.memref_squeeze %dma_wait3A_72 : memref<1x640xf32, #tpu.memory_space<vmem_shared>> -> memref<640xf32, #tpu.memory_space<vmem_shared>>
      tpu.wait_dma2 semaphore(%run_scoped3A_55 : memref<!tpu.dma_semaphore, #tpu.memory_space<semaphore_mem>>) src(%dma_wait3A_73 : memref<640xf32, #tpu.memory_space<vmem_shared>>) dst(%dma_wait3A_71 : memref<640xf32, #tpu.memory_space<vmem>>)
      tpu.yield
    }) : () -> ()
    %run_scoped3A_48 = arith.constant 15 : i32
    %run_scoped3A_49 = arith.constant 15 : i32
    "tpu.region"() ({
      %run_scoped3A_55 = tpu.sem_alloc : memref<!tpu.dma_semaphore, #tpu.memory_space<semaphore_mem>>
      %dma_start3A = arith.constant 0 : i32
      %dma_start3A_56 = tpu.memref_slice %arg8[%run_scoped3A_49, %dma_start3A] : memref<16x640xf32, #tpu.memory_space<vmem>> -> memref<1x640xf32, #tpu.memory_space<vmem>>
      %dma_start3A_57 = tpu.memref_squeeze %dma_start3A_56 : memref<1x640xf32, #tpu.memory_space<vmem>> -> memref<640xf32, #tpu.memory_space<vmem>>
      %dma_start3A_58 = tpu.memref_slice %arg7[%run_scoped3A_48, %mul3A_18] : memref<16x10240xf32, #tpu.memory_space<vmem_shared>> -> memref<1x640xf32, #tpu.memory_space<vmem_shared>>
      %dma_start3A_59 = tpu.memref_squeeze %dma_start3A_58 : memref<1x640xf32, #tpu.memory_space<vmem_shared>> -> memref<640xf32, #tpu.memory_space<vmem_shared>>
      %dma_start3A_60 = arith.constant 0 : i32
      %dma_start3A_61 = tpu.memref_slice %arg8[%run_scoped3A_49, %dma_start3A_60] : memref<16x640xf32, #tpu.memory_space<vmem>> -> memref<1x640xf32, #tpu.memory_space<vmem>>
      %dma_start3A_62 = tpu.memref_squeeze %dma_start3A_61 : memref<1x640xf32, #tpu.memory_space<vmem>> -> memref<640xf32, #tpu.memory_space<vmem>>
      %dma_start3A_63 = tpu.memref_slice %arg7[%run_scoped3A_48, %mul3A_18] : memref<16x10240xf32, #tpu.memory_space<vmem_shared>> -> memref<1x640xf32, #tpu.memory_space<vmem_shared>>
      %dma_start3A_64 = tpu.memref_squeeze %dma_start3A_63 : memref<1x640xf32, #tpu.memory_space<vmem_shared>> -> memref<640xf32, #tpu.memory_space<vmem_shared>>
      tpu.enqueue_dma source(%dma_start3A_64 : memref<640xf32, #tpu.memory_space<vmem_shared>>) target(%dma_start3A_62 : memref<640xf32, #tpu.memory_space<vmem>>) target_semaphore(%run_scoped3A_55 : memref<!tpu.dma_semaphore, #tpu.memory_space<semaphore_mem>>)
      %dma_wait3A = arith.constant 0 : i32
      %dma_wait3A_65 = tpu.memref_slice %arg8[%run_scoped3A_49, %dma_wait3A] : memref<16x640xf32, #tpu.memory_space<vmem>> -> memref<1x640xf32, #tpu.memory_space<vmem>>
      %dma_wait3A_66 = tpu.memref_squeeze %dma_wait3A_65 : memref<1x640xf32, #tpu.memory_space<vmem>> -> memref<640xf32, #tpu.memory_space<vmem>>
      %dma_wait3A_67 = tpu.memref_slice %arg7[%run_scoped3A_48, %mul3A_18] : memref<16x10240xf32, #tpu.memory_space<vmem_shared>> -> memref<1x640xf32, #tpu.memory_space<vmem_shared>>
      %dma_wait3A_68 = tpu.memref_squeeze %dma_wait3A_67 : memref<1x640xf32, #tpu.memory_space<vmem_shared>> -> memref<640xf32, #tpu.memory_space<vmem_shared>>
      %dma_wait3A_69 = arith.constant 0 : i32
      %dma_wait3A_70 = tpu.memref_slice %arg8[%run_scoped3A_49, %dma_wait3A_69] : memref<16x640xf32, #tpu.memory_space<vmem>> -> memref<1x640xf32, #tpu.memory_space<vmem>>
      %dma_wait3A_71 = tpu.memref_squeeze %dma_wait3A_70 : memref<1x640xf32, #tpu.memory_space<vmem>> -> memref<640xf32, #tpu.memory_space<vmem>>
      %dma_wait3A_72 = tpu.memref_slice %arg7[%run_scoped3A_48, %mul3A_18] : memref<16x10240xf32, #tpu.memory_space<vmem_shared>> -> memref<1x640xf32, #tpu.memory_space<vmem_shared>>
      %dma_wait3A_73 = tpu.memref_squeeze %dma_wait3A_72 : memref<1x640xf32, #tpu.memory_space<vmem_shared>> -> memref<640xf32, #tpu.memory_space<vmem_shared>>
      tpu.wait_dma2 semaphore(%run_scoped3A_55 : memref<!tpu.dma_semaphore, #tpu.memory_space<semaphore_mem>>) src(%dma_wait3A_73 : memref<640xf32, #tpu.memory_space<vmem_shared>>) dst(%dma_wait3A_71 : memref<640xf32, #tpu.memory_space<vmem>>)
      tpu.yield
    }) : () -> ()
    %scan3A_50 = arith.constant 0 : i32
    %scan3A_51 = arith.constant 40 : i32
    %scan3A_52 = arith.addi %scan3A_50, %scan3A_51 : i32
    %scan3A_53 = arith.constant 1 : i32
    scf.for %scan3A_55 = %scan3A_50 to %scan3A_52 step %scan3A_53  : i32 {
      %mul3A_56 = arith.constant 1 : i32
      %mul3A_57 = arith.muli %scan3A_55, %mul3A_56 : i32
      %add3A_58 = arith.constant 0 : i32
      %add3A_59 = arith.addi %add3A_58, %mul3A_57 : i32
      %mul3A_60 = arith.constant 16 : i32
      %mul3A_61 = arith.muli %add3A_59, %mul3A_60 : i32
      %get3A = arith.constant 0 : i32
      %get3A_62 = arith.index_cast %get3A : i32 to index
      %get3A_63 = arith.index_cast %mul3A_61 : i32 to index
      %get3A_64 = tpu.vector_load %arg8[%get3A_62, %get3A_63] {strides = array<i32>} : memref<16x640xf32, #tpu.memory_space<vmem>>, vector<16xf32>,
      %mul3A_65 = arith.constant 16 : i32
      %mul3A_66 = arith.muli %add3A_59, %mul3A_65 : i32
      %get3A_67 = arith.constant 1 : i32
      %get3A_68 = arith.index_cast %get3A_67 : i32 to index
      %get3A_69 = arith.index_cast %mul3A_66 : i32 to index
      %get3A_70 = tpu.vector_load %arg8[%get3A_68, %get3A_69] {strides = array<i32>} : memref<16x640xf32, #tpu.memory_space<vmem>>, vector<16xf32>,
      %add3A_71 = arith.addf %get3A_64, %get3A_70 : vector<16xf32>
      %mul3A_72 = arith.constant 16 : i32
      %mul3A_73 = arith.muli %add3A_59, %mul3A_72 : i32
      %get3A_74 = arith.constant 2 : i32
      %get3A_75 = arith.index_cast %get3A_74 : i32 to index
      %get3A_76 = arith.index_cast %mul3A_73 : i32 to index
      %get3A_77 = tpu.vector_load %arg8[%get3A_75, %get3A_76] {strides = array<i32>} : memref<16x640xf32, #tpu.memory_space<vmem>>, vector<16xf32>,
      %add3A_78 = arith.addf %add3A_71, %get3A_77 : vector<16xf32>
      %mul3A_79 = arith.constant 16 : i32
      %mul3A_80 = arith.muli %add3A_59, %mul3A_79 : i32
      %get3A_81 = arith.constant 3 : i32
      %get3A_82 = arith.index_cast %get3A_81 : i32 to index
      %get3A_83 = arith.index_cast %mul3A_80 : i32 to index
      %get3A_84 = tpu.vector_load %arg8[%get3A_82, %get3A_83] {strides = array<i32>} : memref<16x640xf32, #tpu.memory_space<vmem>>, vector<16xf32>,
      %add3A_85 = arith.addf %add3A_78, %get3A_84 : vector<16xf32>
      %mul3A_86 = arith.constant 16 : i32
      %mul3A_87 = arith.muli %add3A_59, %mul3A_86 : i32
      %get3A_88 = arith.constant 4 : i32
      %get3A_89 = arith.index_cast %get3A_88 : i32 to index
      %get3A_90 = arith.index_cast %mul3A_87 : i32 to index
      %get3A_91 = tpu.vector_load %arg8[%get3A_89, %get3A_90] {strides = array<i32>} : memref<16x640xf32, #tpu.memory_space<vmem>>, vector<16xf32>,
      %add3A_92 = arith.addf %add3A_85, %get3A_91 : vector<16xf32>
      %mul3A_93 = arith.constant 16 : i32
      %mul3A_94 = arith.muli %add3A_59, %mul3A_93 : i32
      %get3A_95 = arith.constant 5 : i32
      %get3A_96 = arith.index_cast %get3A_95 : i32 to index
      %get3A_97 = arith.index_cast %mul3A_94 : i32 to index
      %get3A_98 = tpu.vector_load %arg8[%get3A_96, %get3A_97] {strides = array<i32>} : memref<16x640xf32, #tpu.memory_space<vmem>>, vector<16xf32>,
      %add3A_99 = arith.addf %add3A_92, %get3A_98 : vector<16xf32>
      %mul3A_100 = arith.constant 16 : i32
      %mul3A_101 = arith.muli %add3A_59, %mul3A_100 : i32
      %get3A_102 = arith.constant 6 : i32
      %get3A_103 = arith.index_cast %get3A_102 : i32 to index
      %get3A_104 = arith.index_cast %mul3A_101 : i32 to index
      %get3A_105 = tpu.vector_load %arg8[%get3A_103, %get3A_104] {strides = array<i32>} : memref<16x640xf32, #tpu.memory_space<vmem>>, vector<16xf32>,
      %add3A_106 = arith.addf %add3A_99, %get3A_105 : vector<16xf32>
      %mul3A_107 = arith.constant 16 : i32
      %mul3A_108 = arith.muli %add3A_59, %mul3A_107 : i32
      %get3A_109 = arith.constant 7 : i32
      %get3A_110 = arith.index_cast %get3A_109 : i32 to index
      %get3A_111 = arith.index_cast %mul3A_108 : i32 to index
      %get3A_112 = tpu.vector_load %arg8[%get3A_110, %get3A_111] {strides = array<i32>} : memref<16x640xf32, #tpu.memory_space<vmem>>, vector<16xf32>,
      %add3A_113 = arith.addf %add3A_106, %get3A_112 : vector<16xf32>
      %mul3A_114 = arith.constant 16 : i32
      %mul3A_115 = arith.muli %add3A_59, %mul3A_114 : i32
      %get3A_116 = arith.constant 8 : i32
      %get3A_117 = arith.index_cast %get3A_116 : i32 to index
      %get3A_118 = arith.index_cast %mul3A_115 : i32 to index
      %get3A_119 = tpu.vector_load %arg8[%get3A_117, %get3A_118] {strides = array<i32>} : memref<16x640xf32, #tpu.memory_space<vmem>>, vector<16xf32>,
      %add3A_120 = arith.addf %add3A_113, %get3A_119 : vector<16xf32>
      %mul3A_121 = arith.constant 16 : i32
      %mul3A_122 = arith.muli %add3A_59, %mul3A_121 : i32
      %get3A_123 = arith.constant 9 : i32
      %get3A_124 = arith.index_cast %get3A_123 : i32 to index
      %get3A_125 = arith.index_cast %mul3A_122 : i32 to index
      %get3A_126 = tpu.vector_load %arg8[%get3A_124, %get3A_125] {strides = array<i32>} : memref<16x640xf32, #tpu.memory_space<vmem>>, vector<16xf32>,
      %add3A_127 = arith.addf %add3A_120, %get3A_126 : vector<16xf32>
      %mul3A_128 = arith.constant 16 : i32
      %mul3A_129 = arith.muli %add3A_59, %mul3A_128 : i32
      %get3A_130 = arith.constant 10 : i32
      %get3A_131 = arith.index_cast %get3A_130 : i32 to index
      %get3A_132 = arith.index_cast %mul3A_129 : i32 to index
      %get3A_133 = tpu.vector_load %arg8[%get3A_131, %get3A_132] {strides = array<i32>} : memref<16x640xf32, #tpu.memory_space<vmem>>, vector<16xf32>,
      %add3A_134 = arith.addf %add3A_127, %get3A_133 : vector<16xf32>
      %mul3A_135 = arith.constant 16 : i32
      %mul3A_136 = arith.muli %add3A_59, %mul3A_135 : i32
      %get3A_137 = arith.constant 11 : i32
      %get3A_138 = arith.index_cast %get3A_137 : i32 to index
      %get3A_139 = arith.index_cast %mul3A_136 : i32 to index
      %get3A_140 = tpu.vector_load %arg8[%get3A_138, %get3A_139] {strides = array<i32>} : memref<16x640xf32, #tpu.memory_space<vmem>>, vector<16xf32>,
      %add3A_141 = arith.addf %add3A_134, %get3A_140 : vector<16xf32>
      %mul3A_142 = arith.constant 16 : i32
      %mul3A_143 = arith.muli %add3A_59, %mul3A_142 : i32
      %get3A_144 = arith.constant 12 : i32
      %get3A_145 = arith.index_cast %get3A_144 : i32 to index
      %get3A_146 = arith.index_cast %mul3A_143 : i32 to index
      %get3A_147 = tpu.vector_load %arg8[%get3A_145, %get3A_146] {strides = array<i32>} : memref<16x640xf32, #tpu.memory_space<vmem>>, vector<16xf32>,
      %add3A_148 = arith.addf %add3A_141, %get3A_147 : vector<16xf32>
      %mul3A_149 = arith.constant 16 : i32
      %mul3A_150 = arith.muli %add3A_59, %mul3A_149 : i32
      %get3A_151 = arith.constant 13 : i32
      %get3A_152 = arith.index_cast %get3A_151 : i32 to index
      %get3A_153 = arith.index_cast %mul3A_150 : i32 to index
      %get3A_154 = tpu.vector_load %arg8[%get3A_152, %get3A_153] {strides = array<i32>} : memref<16x640xf32, #tpu.memory_space<vmem>>, vector<16xf32>,
      %add3A_155 = arith.addf %add3A_148, %get3A_154 : vector<16xf32>
      %mul3A_156 = arith.constant 16 : i32
      %mul3A_157 = arith.muli %add3A_59, %mul3A_156 : i32
      %get3A_158 = arith.constant 14 : i32
      %get3A_159 = arith.index_cast %get3A_158 : i32 to index
      %get3A_160 = arith.index_cast %mul3A_157 : i32 to index
      %get3A_161 = tpu.vector_load %arg8[%get3A_159, %get3A_160] {strides = array<i32>} : memref<16x640xf32, #tpu.memory_space<vmem>>, vector<16xf32>,
      %add3A_162 = arith.addf %add3A_155, %get3A_161 : vector<16xf32>
      %mul3A_163 = arith.constant 16 : i32
      %mul3A_164 = arith.muli %add3A_59, %mul3A_163 : i32
      %get3A_165 = arith.constant 15 : i32
      %get3A_166 = arith.index_cast %get3A_165 : i32 to index
      %get3A_167 = arith.index_cast %mul3A_164 : i32 to index
      %get3A_168 = tpu.vector_load %arg8[%get3A_166, %get3A_167] {strides = array<i32>} : memref<16x640xf32, #tpu.memory_space<vmem>>, vector<16xf32>,
      %add3A_169 = arith.addf %add3A_162, %get3A_168 : vector<16xf32>
      %mul3A_170 = arith.constant 16 : i32
      %mul3A_171 = arith.muli %add3A_59, %mul3A_170 : i32
      %swap3A = arith.index_cast %mul3A_171 : i32 to index
      %swap3A_172 = tpu.vector_load %arg6[%swap3A] {strides = array<i32>} : memref<640xf32, #tpu.memory_space<vmem>>, vector<16xf32>,
      tpu.vector_store %arg6[%swap3A], %add3A_169 {strides = array<i32>} : memref<640xf32, #tpu.memory_space<vmem>>, vector<16xf32>,
    }
    %scan3A_54 = arith.constant 40 : i32
    "tpu.region"() ({
      %run_scoped3A_55 = tpu.sem_alloc : memref<!tpu.dma_semaphore, #tpu.memory_space<semaphore_mem>>
      %dma_start3A = tpu.memref_slice %arg3[%arg0, %mul3A_18] : memref<2x10240xf32, #tpu.memory_space<hbm>> -> memref<1x640xf32, #tpu.memory_space<hbm>>
      %dma_start3A_56 = tpu.memref_squeeze %dma_start3A : memref<1x640xf32, #tpu.memory_space<hbm>> -> memref<640xf32, #tpu.memory_space<hbm>>
      %dma_start3A_57 = tpu.memref_slice %arg3[%arg0, %mul3A_18] : memref<2x10240xf32, #tpu.memory_space<hbm>> -> memref<1x640xf32, #tpu.memory_space<hbm>>
      %dma_start3A_58 = tpu.memref_squeeze %dma_start3A_57 : memref<1x640xf32, #tpu.memory_space<hbm>> -> memref<640xf32, #tpu.memory_space<hbm>>
      tpu.enqueue_dma source(%arg6 : memref<640xf32, #tpu.memory_space<vmem>>) target(%dma_start3A_58 : memref<640xf32, #tpu.memory_space<hbm>>) target_semaphore(%run_scoped3A_55 : memref<!tpu.dma_semaphore, #tpu.memory_space<semaphore_mem>>)
      %dma_wait3A = tpu.memref_slice %arg3[%arg0, %mul3A_18] : memref<2x10240xf32, #tpu.memory_space<hbm>> -> memref<1x640xf32, #tpu.memory_space<hbm>>
      %dma_wait3A_59 = tpu.memref_squeeze %dma_wait3A : memref<1x640xf32, #tpu.memory_space<hbm>> -> memref<640xf32, #tpu.memory_space<hbm>>
      %dma_wait3A_60 = tpu.memref_slice %arg3[%arg0, %mul3A_18] : memref<2x10240xf32, #tpu.memory_space<hbm>> -> memref<1x640xf32, #tpu.memory_space<hbm>>
      %dma_wait3A_61 = tpu.memref_squeeze %dma_wait3A_60 : memref<1x640xf32, #tpu.memory_space<hbm>> -> memref<640xf32, #tpu.memory_space<hbm>>
      tpu.wait_dma2 semaphore(%run_scoped3A_55 : memref<!tpu.dma_semaphore, #tpu.memory_space<semaphore_mem>>) src(%arg6 : memref<640xf32, #tpu.memory_space<vmem>>) dst(%dma_wait3A_61 : memref<640xf32, #tpu.memory_space<hbm>>)
      tpu.yield
    }) : () -> ()
    return
  }
}

#map = affine_map<(d0, d1) -> (0, 0)>
#map1 = affine_map<(d0, d1) -> (0)>
#map2 = affine_map<(d0, d1) -> (0, 0, 0)>
module attributes {stable_mosaic.version = 14 : i64} {
  func.func @_prop_body(%arg0: i32, %arg1: i32, %arg2: memref<10000x48xf32, #tpu.memory_space<hbm>>, %arg3: memref<640000xi32, #tpu.memory_space<hbm>>, %arg4: memref<625x48xf32, #tpu.memory_space<hbm>>, %arg5: memref<2x10000x48xf32, #tpu.memory_space<hbm>>, %arg6: memref<10000xi32, #tpu.memory_space<vmem>>, %arg7: memref<10000xi32, #tpu.memory_space<vmem>>, %arg8: memref<80x48xf32, #tpu.memory_space<vmem>>, %arg9: memref<625x48xf32, #tpu.memory_space<vmem>>, %arg10: memref<10000x48xf32, #tpu.memory_space<vmem_shared>>, %arg11: memref<10000x48xf32, #tpu.memory_space<vmem_shared>>, %arg12: memref<!tpu.dma_semaphore, #tpu.memory_space<semaphore_mem>>, %arg13: memref<!tpu.dma_semaphore, #tpu.memory_space<semaphore_mem>>) attributes {dimension_semantics = [#tpu.dimension_semantics<core_parallel>, #tpu.dimension_semantics<subcore_parallel>], iteration_bounds = array<i64: 2, 16>, scalar_prefetch = 0 : i64, scratch_operands = 8 : i64, tpu.core_type = #tpu.core_type<sc_vector_subcore>, window_params = [{transform_indices = #map}, {transform_indices = #map1}, {transform_indices = #map}, {transform_indices = #map2}]} {
    %mul3A = arith.constant 16 : i32
    %mul3A_0 = arith.muli %arg0, %mul3A : i32
    %add3A = arith.addi %mul3A_0, %arg1 : i32
    %mul3A_1 = arith.constant 625 : i32
    %mul3A_2 = arith.muli %arg1, %mul3A_1 : i32
    %mul3A_3 = arith.constant 10000 : i32
    %mul3A_4 = arith.muli %add3A, %mul3A_3 : i32
    "tpu.region"() ({
      %run_scoped3A = tpu.sem_alloc : memref<!tpu.dma_semaphore, #tpu.memory_space<semaphore_mem>>
      %dma_start3A = tpu.memref_slice %arg3[%mul3A_4] : memref<640000xi32, #tpu.memory_space<hbm>> -> memref<10000xi32, #tpu.memory_space<hbm>>
      %dma_start3A_16 = tpu.memref_slice %arg3[%mul3A_4] : memref<640000xi32, #tpu.memory_space<hbm>> -> memref<10000xi32, #tpu.memory_space<hbm>>
      tpu.enqueue_dma source(%dma_start3A_16 : memref<10000xi32, #tpu.memory_space<hbm>>) target(%arg6 : memref<10000xi32, #tpu.memory_space<vmem>>) target_semaphore(%run_scoped3A : memref<!tpu.dma_semaphore, #tpu.memory_space<semaphore_mem>>)
      %dma_wait3A = tpu.memref_slice %arg3[%mul3A_4] : memref<640000xi32, #tpu.memory_space<hbm>> -> memref<10000xi32, #tpu.memory_space<hbm>>
      %dma_wait3A_17 = tpu.memref_slice %arg3[%mul3A_4] : memref<640000xi32, #tpu.memory_space<hbm>> -> memref<10000xi32, #tpu.memory_space<hbm>>
      tpu.wait_dma2 semaphore(%run_scoped3A : memref<!tpu.dma_semaphore, #tpu.memory_space<semaphore_mem>>) src(%dma_wait3A_17 : memref<10000xi32, #tpu.memory_space<hbm>>) dst(%arg6 : memref<10000xi32, #tpu.memory_space<vmem>>)
      tpu.yield
    }) : () -> ()
    %mul3A_5 = arith.constant 10000 : i32
    %mul3A_6 = arith.muli %add3A, %mul3A_5 : i32
    %add3A_7 = arith.constant 320000 : i32
    %add3A_8 = arith.addi %add3A_7, %mul3A_6 : i32
    "tpu.region"() ({
      %run_scoped3A = tpu.sem_alloc : memref<!tpu.dma_semaphore, #tpu.memory_space<semaphore_mem>>
      %dma_start3A = tpu.memref_slice %arg3[%add3A_8] : memref<640000xi32, #tpu.memory_space<hbm>> -> memref<10000xi32, #tpu.memory_space<hbm>>
      %dma_start3A_16 = tpu.memref_slice %arg3[%add3A_8] : memref<640000xi32, #tpu.memory_space<hbm>> -> memref<10000xi32, #tpu.memory_space<hbm>>
      tpu.enqueue_dma source(%dma_start3A_16 : memref<10000xi32, #tpu.memory_space<hbm>>) target(%arg7 : memref<10000xi32, #tpu.memory_space<vmem>>) target_semaphore(%run_scoped3A : memref<!tpu.dma_semaphore, #tpu.memory_space<semaphore_mem>>)
      %dma_wait3A = tpu.memref_slice %arg3[%add3A_8] : memref<640000xi32, #tpu.memory_space<hbm>> -> memref<10000xi32, #tpu.memory_space<hbm>>
      %dma_wait3A_17 = tpu.memref_slice %arg3[%add3A_8] : memref<640000xi32, #tpu.memory_space<hbm>> -> memref<10000xi32, #tpu.memory_space<hbm>>
      tpu.wait_dma2 semaphore(%run_scoped3A : memref<!tpu.dma_semaphore, #tpu.memory_space<semaphore_mem>>) src(%dma_wait3A_17 : memref<10000xi32, #tpu.memory_space<hbm>>) dst(%arg7 : memref<10000xi32, #tpu.memory_space<vmem>>)
      tpu.yield
    }) : () -> ()
    "tpu.region"() ({
      %run_scoped3A = tpu.sem_alloc : memref<!tpu.dma_semaphore, #tpu.memory_space<semaphore_mem>>
      %dma_start3A = arith.constant 0 : i32
      %dma_start3A_16 = tpu.memref_slice %arg2[%mul3A_2, %dma_start3A] : memref<10000x48xf32, #tpu.memory_space<hbm>> -> memref<625x48xf32, #tpu.memory_space<hbm>>
      %dma_start3A_17 = arith.constant 0 : i32
      %dma_start3A_18 = tpu.memref_slice %arg2[%mul3A_2, %dma_start3A_17] : memref<10000x48xf32, #tpu.memory_space<hbm>> -> memref<625x48xf32, #tpu.memory_space<hbm>>
      tpu.enqueue_dma source(%dma_start3A_18 : memref<625x48xf32, #tpu.memory_space<hbm>>) target(%arg9 : memref<625x48xf32, #tpu.memory_space<vmem>>) target_semaphore(%run_scoped3A : memref<!tpu.dma_semaphore, #tpu.memory_space<semaphore_mem>>)
      %dma_wait3A = arith.constant 0 : i32
      %dma_wait3A_19 = tpu.memref_slice %arg2[%mul3A_2, %dma_wait3A] : memref<10000x48xf32, #tpu.memory_space<hbm>> -> memref<625x48xf32, #tpu.memory_space<hbm>>
      %dma_wait3A_20 = arith.constant 0 : i32
      %dma_wait3A_21 = tpu.memref_slice %arg2[%mul3A_2, %dma_wait3A_20] : memref<10000x48xf32, #tpu.memory_space<hbm>> -> memref<625x48xf32, #tpu.memory_space<hbm>>
      tpu.wait_dma2 semaphore(%run_scoped3A : memref<!tpu.dma_semaphore, #tpu.memory_space<semaphore_mem>>) src(%dma_wait3A_21 : memref<625x48xf32, #tpu.memory_space<hbm>>) dst(%arg9 : memref<625x48xf32, #tpu.memory_space<vmem>>)
      tpu.yield
    }) : () -> ()
    "tpu.region"() ({
      %run_scoped3A = tpu.sem_alloc : memref<!tpu.dma_semaphore, #tpu.memory_space<semaphore_mem>>
      %dma_start3A = arith.constant 0 : i32
      %dma_start3A_16 = tpu.memref_slice %arg10[%mul3A_2, %dma_start3A] : memref<10000x48xf32, #tpu.memory_space<vmem_shared>> -> memref<625x48xf32, #tpu.memory_space<vmem_shared>>
      %dma_start3A_17 = arith.constant 0 : i32
      %dma_start3A_18 = tpu.memref_slice %arg10[%mul3A_2, %dma_start3A_17] : memref<10000x48xf32, #tpu.memory_space<vmem_shared>> -> memref<625x48xf32, #tpu.memory_space<vmem_shared>>
      tpu.enqueue_dma source(%arg9 : memref<625x48xf32, #tpu.memory_space<vmem>>) target(%dma_start3A_18 : memref<625x48xf32, #tpu.memory_space<vmem_shared>>) target_semaphore(%run_scoped3A : memref<!tpu.dma_semaphore, #tpu.memory_space<semaphore_mem>>)
      %dma_wait3A = arith.constant 0 : i32
      %dma_wait3A_19 = tpu.memref_slice %arg10[%mul3A_2, %dma_wait3A] : memref<10000x48xf32, #tpu.memory_space<vmem_shared>> -> memref<625x48xf32, #tpu.memory_space<vmem_shared>>
      %dma_wait3A_20 = arith.constant 0 : i32
      %dma_wait3A_21 = tpu.memref_slice %arg10[%mul3A_2, %dma_wait3A_20] : memref<10000x48xf32, #tpu.memory_space<vmem_shared>> -> memref<625x48xf32, #tpu.memory_space<vmem_shared>>
      tpu.wait_dma2 semaphore(%run_scoped3A : memref<!tpu.dma_semaphore, #tpu.memory_space<semaphore_mem>>) src(%arg9 : memref<625x48xf32, #tpu.memory_space<vmem>>) dst(%dma_wait3A_21 : memref<625x48xf32, #tpu.memory_space<vmem_shared>>)
      tpu.yield
    }) : () -> ()
    %eq3A = arith.constant 1 : i32
    %eq3A_9 = arith.cmpi eq, %arg0, %eq3A : i32
    %convert_element_type3A = arith.extui %eq3A_9 : i1 to i32
    %cond3A = arith.constant 0 : i32
    %cond3A_10 = arith.cmpi ne, %convert_element_type3A, %cond3A : i32
    scf.if %cond3A_10 {
      "tpu.region"() ({
        %run_scoped3A = tpu.sem_alloc : memref<!tpu.dma_semaphore, #tpu.memory_space<semaphore_mem>>
        tpu.enqueue_dma source(%arg4 : memref<625x48xf32, #tpu.memory_space<hbm>>) target(%arg9 : memref<625x48xf32, #tpu.memory_space<vmem>>) target_semaphore(%run_scoped3A : memref<!tpu.dma_semaphore, #tpu.memory_space<semaphore_mem>>)
        tpu.wait_dma2 semaphore(%run_scoped3A : memref<!tpu.dma_semaphore, #tpu.memory_space<semaphore_mem>>) src(%arg4 : memref<625x48xf32, #tpu.memory_space<hbm>>) dst(%arg9 : memref<625x48xf32, #tpu.memory_space<vmem>>)
        tpu.yield
      }) : () -> ()
    } else {
    }
    "tpu.region"() ({
      %run_scoped3A = tpu.sem_alloc : memref<!tpu.dma_semaphore, #tpu.memory_space<semaphore_mem>>
      %dma_start3A = arith.constant 0 : i32
      %dma_start3A_16 = tpu.memref_slice %arg11[%mul3A_2, %dma_start3A] : memref<10000x48xf32, #tpu.memory_space<vmem_shared>> -> memref<625x48xf32, #tpu.memory_space<vmem_shared>>
      %dma_start3A_17 = arith.constant 0 : i32
      %dma_start3A_18 = tpu.memref_slice %arg11[%mul3A_2, %dma_start3A_17] : memref<10000x48xf32, #tpu.memory_space<vmem_shared>> -> memref<625x48xf32, #tpu.memory_space<vmem_shared>>
      tpu.enqueue_dma source(%arg9 : memref<625x48xf32, #tpu.memory_space<vmem>>) target(%dma_start3A_18 : memref<625x48xf32, #tpu.memory_space<vmem_shared>>) target_semaphore(%run_scoped3A : memref<!tpu.dma_semaphore, #tpu.memory_space<semaphore_mem>>)
      %dma_wait3A = arith.constant 0 : i32
      %dma_wait3A_19 = tpu.memref_slice %arg11[%mul3A_2, %dma_wait3A] : memref<10000x48xf32, #tpu.memory_space<vmem_shared>> -> memref<625x48xf32, #tpu.memory_space<vmem_shared>>
      %dma_wait3A_20 = arith.constant 0 : i32
      %dma_wait3A_21 = tpu.memref_slice %arg11[%mul3A_2, %dma_wait3A_20] : memref<10000x48xf32, #tpu.memory_space<vmem_shared>> -> memref<625x48xf32, #tpu.memory_space<vmem_shared>>
      tpu.wait_dma2 semaphore(%run_scoped3A : memref<!tpu.dma_semaphore, #tpu.memory_space<semaphore_mem>>) src(%arg9 : memref<625x48xf32, #tpu.memory_space<vmem>>) dst(%dma_wait3A_21 : memref<625x48xf32, #tpu.memory_space<vmem_shared>>)
      tpu.yield
    }) : () -> ()
    %barrier3A = arith.constant 0 : index
    tpu.barrier barrier_id(%barrier3A)
    %scan3A = arith.constant 0 : i32
    %scan3A_11 = arith.constant 125 : i32
    %scan3A_12 = arith.addi %scan3A, %scan3A_11 : i32
    %scan3A_13 = arith.constant 1 : i32
    scf.for %scan3A_16 = %scan3A to %scan3A_12 step %scan3A_13  : i32 {
      %mul3A_17 = arith.constant 1 : i32
      %mul3A_18 = arith.muli %scan3A_16, %mul3A_17 : i32
      %add3A_19 = arith.constant 0 : i32
      %add3A_20 = arith.addi %add3A_19, %mul3A_18 : i32
      %mul3A_21 = arith.constant 80 : i32
      %mul3A_22 = arith.muli %add3A_20, %mul3A_21 : i32
      %dma_start3A = tpu.memref_slice %arg6[%mul3A_22] : memref<10000xi32, #tpu.memory_space<vmem>> -> memref<80xi32, #tpu.memory_space<vmem>>
      %dma_start3A_23 = arith.constant 0 : i32
      %dma_start3A_24 = arith.constant 0 : i32
      %dma_start3A_25 = tpu.memref_slice %arg10[%dma_start3A_23, %dma_start3A_24] : memref<10000x48xf32, #tpu.memory_space<vmem_shared>> -> memref<10000x48xf32, #tpu.memory_space<vmem_shared>>
      tpu.enqueue_indirect_dma source(%dma_start3A_25 : memref<10000x48xf32, #tpu.memory_space<vmem_shared>>) target(%arg8 : memref<80x48xf32, #tpu.memory_space<vmem>>) offsets(%dma_start3A : memref<80xi32, #tpu.memory_space<vmem>>) semaphore(%arg12 : memref<!tpu.dma_semaphore, #tpu.memory_space<semaphore_mem>>)
      %dma_wait3A = tpu.memref_slice %arg6[%mul3A_22] : memref<10000xi32, #tpu.memory_space<vmem>> -> memref<80xi32, #tpu.memory_space<vmem>>
      %dma_wait3A_26 = arith.constant 0 : i32
      %dma_wait3A_27 = arith.constant 0 : i32
      %dma_wait3A_28 = tpu.memref_slice %arg10[%dma_wait3A_26, %dma_wait3A_27] : memref<10000x48xf32, #tpu.memory_space<vmem_shared>> -> memref<10000x48xf32, #tpu.memory_space<vmem_shared>>
      tpu.wait_indirect_dma semaphore(%arg12 : memref<!tpu.dma_semaphore, #tpu.memory_space<semaphore_mem>>) src(%dma_wait3A_28 : memref<10000x48xf32, #tpu.memory_space<vmem_shared>>) dst(%arg8 : memref<80x48xf32, #tpu.memory_space<vmem>>)
      %dma_start3A_29 = tpu.memref_slice %arg7[%mul3A_22] : memref<10000xi32, #tpu.memory_space<vmem>> -> memref<80xi32, #tpu.memory_space<vmem>>
      %dma_start3A_30 = arith.constant 0 : i32
      %dma_start3A_31 = arith.constant 0 : i32
      %dma_start3A_32 = tpu.memref_slice %arg11[%dma_start3A_30, %dma_start3A_31] : memref<10000x48xf32, #tpu.memory_space<vmem_shared>> -> memref<10000x48xf32, #tpu.memory_space<vmem_shared>>
      tpu.enqueue_indirect_dma source(%arg8 : memref<80x48xf32, #tpu.memory_space<vmem>>) target(%dma_start3A_32 : memref<10000x48xf32, #tpu.memory_space<vmem_shared>>) offsets(%dma_start3A_29 : memref<80xi32, #tpu.memory_space<vmem>>) semaphore(%arg13 : memref<!tpu.dma_semaphore, #tpu.memory_space<semaphore_mem>>) {add = true}
      %dma_wait3A_33 = tpu.memref_slice %arg7[%mul3A_22] : memref<10000xi32, #tpu.memory_space<vmem>> -> memref<80xi32, #tpu.memory_space<vmem>>
      %dma_wait3A_34 = arith.constant 0 : i32
      %dma_wait3A_35 = arith.constant 0 : i32
      %dma_wait3A_36 = tpu.memref_slice %arg11[%dma_wait3A_34, %dma_wait3A_35] : memref<10000x48xf32, #tpu.memory_space<vmem_shared>> -> memref<10000x48xf32, #tpu.memory_space<vmem_shared>>
      tpu.wait_indirect_dma semaphore(%arg13 : memref<!tpu.dma_semaphore, #tpu.memory_space<semaphore_mem>>) src(%arg8 : memref<80x48xf32, #tpu.memory_space<vmem>>) dst(%dma_wait3A_36 : memref<10000x48xf32, #tpu.memory_space<vmem_shared>>)
    }
    %scan3A_14 = arith.constant 125 : i32
    %barrier3A_15 = arith.constant 0 : index
    tpu.barrier barrier_id(%barrier3A_15)
    "tpu.region"() ({
      %run_scoped3A = tpu.sem_alloc : memref<!tpu.dma_semaphore, #tpu.memory_space<semaphore_mem>>
      %dma_start3A = arith.constant 0 : i32
      %dma_start3A_16 = tpu.memref_slice %arg11[%mul3A_2, %dma_start3A] : memref<10000x48xf32, #tpu.memory_space<vmem_shared>> -> memref<625x48xf32, #tpu.memory_space<vmem_shared>>
      %dma_start3A_17 = arith.constant 0 : i32
      %dma_start3A_18 = tpu.memref_slice %arg11[%mul3A_2, %dma_start3A_17] : memref<10000x48xf32, #tpu.memory_space<vmem_shared>> -> memref<625x48xf32, #tpu.memory_space<vmem_shared>>
      tpu.enqueue_dma source(%dma_start3A_18 : memref<625x48xf32, #tpu.memory_space<vmem_shared>>) target(%arg9 : memref<625x48xf32, #tpu.memory_space<vmem>>) target_semaphore(%run_scoped3A : memref<!tpu.dma_semaphore, #tpu.memory_space<semaphore_mem>>)
      %dma_wait3A = arith.constant 0 : i32
      %dma_wait3A_19 = tpu.memref_slice %arg11[%mul3A_2, %dma_wait3A] : memref<10000x48xf32, #tpu.memory_space<vmem_shared>> -> memref<625x48xf32, #tpu.memory_space<vmem_shared>>
      %dma_wait3A_20 = arith.constant 0 : i32
      %dma_wait3A_21 = tpu.memref_slice %arg11[%mul3A_2, %dma_wait3A_20] : memref<10000x48xf32, #tpu.memory_space<vmem_shared>> -> memref<625x48xf32, #tpu.memory_space<vmem_shared>>
      tpu.wait_dma2 semaphore(%run_scoped3A : memref<!tpu.dma_semaphore, #tpu.memory_space<semaphore_mem>>) src(%dma_wait3A_21 : memref<625x48xf32, #tpu.memory_space<vmem_shared>>) dst(%arg9 : memref<625x48xf32, #tpu.memory_space<vmem>>)
      tpu.yield
    }) : () -> ()
    "tpu.region"() ({
      %run_scoped3A = tpu.sem_alloc : memref<!tpu.dma_semaphore, #tpu.memory_space<semaphore_mem>>
      %dma_start3A = arith.constant 0 : i32
      %dma_start3A_16 = tpu.memref_slice %arg5[%arg0, %mul3A_2, %dma_start3A] : memref<2x10000x48xf32, #tpu.memory_space<hbm>> -> memref<1x625x48xf32, #tpu.memory_space<hbm>>
      %dma_start3A_17 = tpu.memref_squeeze %dma_start3A_16 : memref<1x625x48xf32, #tpu.memory_space<hbm>> -> memref<625x48xf32, #tpu.memory_space<hbm>>
      %dma_start3A_18 = arith.constant 0 : i32
      %dma_start3A_19 = tpu.memref_slice %arg5[%arg0, %mul3A_2, %dma_start3A_18] : memref<2x10000x48xf32, #tpu.memory_space<hbm>> -> memref<1x625x48xf32, #tpu.memory_space<hbm>>
      %dma_start3A_20 = tpu.memref_squeeze %dma_start3A_19 : memref<1x625x48xf32, #tpu.memory_space<hbm>> -> memref<625x48xf32, #tpu.memory_space<hbm>>
      tpu.enqueue_dma source(%arg9 : memref<625x48xf32, #tpu.memory_space<vmem>>) target(%dma_start3A_20 : memref<625x48xf32, #tpu.memory_space<hbm>>) target_semaphore(%run_scoped3A : memref<!tpu.dma_semaphore, #tpu.memory_space<semaphore_mem>>)
      %dma_wait3A = arith.constant 0 : i32
      %dma_wait3A_21 = tpu.memref_slice %arg5[%arg0, %mul3A_2, %dma_wait3A] : memref<2x10000x48xf32, #tpu.memory_space<hbm>> -> memref<1x625x48xf32, #tpu.memory_space<hbm>>
      %dma_wait3A_22 = tpu.memref_squeeze %dma_wait3A_21 : memref<1x625x48xf32, #tpu.memory_space<hbm>> -> memref<625x48xf32, #tpu.memory_space<hbm>>
      %dma_wait3A_23 = arith.constant 0 : i32
      %dma_wait3A_24 = tpu.memref_slice %arg5[%arg0, %mul3A_2, %dma_wait3A_23] : memref<2x10000x48xf32, #tpu.memory_space<hbm>> -> memref<1x625x48xf32, #tpu.memory_space<hbm>>
      %dma_wait3A_25 = tpu.memref_squeeze %dma_wait3A_24 : memref<1x625x48xf32, #tpu.memory_space<hbm>> -> memref<625x48xf32, #tpu.memory_space<hbm>>
      tpu.wait_dma2 semaphore(%run_scoped3A : memref<!tpu.dma_semaphore, #tpu.memory_space<semaphore_mem>>) src(%arg9 : memref<625x48xf32, #tpu.memory_space<vmem>>) dst(%dma_wait3A_25 : memref<625x48xf32, #tpu.memory_space<hbm>>)
      tpu.yield
    }) : () -> ()
    return
  }
}

module attributes {stable_mosaic.version = 14 : i64} {
  func.func @_tc_project_body(%arg0: i32, %arg1: memref<400x128xf32, #tpu.memory_space<vmem>>, %arg2: memref<128x48xf32, #tpu.memory_space<vmem>>, %arg3: memref<400x48xf32, #tpu.memory_space<vmem>>) attributes {dimension_semantics = [#tpu.dimension_semantics<arbitrary>], iteration_bounds = array<i64: 25>, scalar_prefetch = 0 : i64, scratch_operands = 0 : i64, tpu.core_type = #tpu.core_type<tc>, window_params = [{transform_indices = @transform_0, window_bounds = array<i64: 400, 128>}, {pipeline_mode = #tpu.pipeline_mode<synchronous>, transform_indices = @transform_1, window_bounds = array<i64: 128, 48>}, {transform_indices = @transform_2, window_bounds = array<i64: 400, 48>}]} {
    %get3A = arith.constant 0 : index
    %get3A_0 = arith.constant 0 : index
    %get3A_1 = vector.load %arg1[%get3A, %get3A_0] : memref<400x128xf32, #tpu.memory_space<vmem>>, vector<400x128xf32>
    %get3A_2 = arith.constant 0 : index
    %get3A_3 = arith.constant 0 : index
    %get3A_4 = vector.load %arg2[%get3A_2, %get3A_3] : memref<128x48xf32, #tpu.memory_space<vmem>>, vector<128x48xf32>
    %dot_general3A = arith.constant dense<0.000000e+00> : vector<400x48xf32>
    %dot_general3A_5 = tpu.matmul %get3A_1, %get3A_4, %dot_general3A {dimension_numbers = #tpu.dot_dimension_numbers<[1], [0], [0], [1], [0, 0, 1, 1], [], []>, transpose_lhs_hint = false} : vector<400x128xf32>, vector<128x48xf32>, vector<400x48xf32> -> vector<400x48xf32>
    %swap3A = arith.constant 0 : index
    %swap3A_6 = arith.constant 0 : index
    %swap3A_7 = vector.load %arg3[%swap3A, %swap3A_6] : memref<400x48xf32, #tpu.memory_space<vmem>>, vector<400x48xf32>
    tpu.vector_store %arg3[%swap3A, %swap3A_6], %dot_general3A_5 {strides = array<i32>} : memref<400x48xf32, #tpu.memory_space<vmem>>, vector<400x48xf32>,
    return
  }
  func.func @transform_0(%arg0: i32) -> (i32, i32) {
    %c0_i32 = arith.constant 0 : i32
    %c0_i32_0 = arith.constant 0 : i32
    return %arg0, %c0_i32 : i32, i32
  }
  func.func @transform_1(%arg0: i32) -> (i32, i32) {
    %c0_i32 = arith.constant 0 : i32
    %c0_i32_0 = arith.constant 0 : i32
    %c0_i32_1 = arith.constant 0 : i32
    return %c0_i32, %c0_i32_0 : i32, i32
  }
  func.func @transform_2(%arg0: i32) -> (i32, i32) {
    %c0_i32 = arith.constant 0 : i32
    %c0_i32_0 = arith.constant 0 : i32
    return %arg0, %c0_i32 : i32, i32
  }
}

module attributes {stable_mosaic.version = 14 : i64} {
  func.func @_tc_scale0_body(%arg0: i32, %arg1: memref<400x2xf32, #tpu.memory_space<vmem>>, %arg2: memref<400x48xf32, #tpu.memory_space<vmem>>, %arg3: memref<400x48xf32, #tpu.memory_space<vmem>>, %arg4: memref<400x1xf32, #tpu.memory_space<vmem>>) attributes {dimension_semantics = [#tpu.dimension_semantics<arbitrary>], iteration_bounds = array<i64: 25>, scalar_prefetch = 0 : i64, scratch_operands = 0 : i64, tpu.core_type = #tpu.core_type<tc>, window_params = [{transform_indices = @transform_0, window_bounds = array<i64: 400, 2>}, {transform_indices = @transform_1, window_bounds = array<i64: 400, 48>}, {transform_indices = @transform_2, window_bounds = array<i64: 400, 48>}, {transform_indices = @transform_3, window_bounds = array<i64: 400, 1>}]} {
    %get3A = arith.constant 0 : index
    %get3A_0 = arith.constant 0 : index
    %get3A_1 = vector.load %arg1[%get3A, %get3A_0] : memref<400x2xf32, #tpu.memory_space<vmem>>, vector<400x1xf32>
    %get3A_2 = arith.constant 0 : index
    %get3A_3 = arith.constant 1 : index
    %get3A_4 = vector.load %arg1[%get3A_2, %get3A_3] : memref<400x2xf32, #tpu.memory_space<vmem>>, vector<400x1xf32>
    %add3A = arith.addf %get3A_1, %get3A_4 : vector<400x1xf32>
    %add3A_5 = arith.constant 1.000000e+00 : f32
    %add3A_6 = vector.broadcast %add3A_5 : f32 to vector<400x1xf32>
    %add3A_7 = arith.addf %add3A, %add3A_6 : vector<400x1xf32>
    %rsqrt3A = math.rsqrt %add3A_7 : vector<400x1xf32>
    %swap3A = arith.constant 0 : index
    %swap3A_8 = arith.constant 0 : index
    %swap3A_9 = vector.load %arg4[%swap3A, %swap3A_8] : memref<400x1xf32, #tpu.memory_space<vmem>>, vector<400x1xf32>
    tpu.vector_store %arg4[%swap3A, %swap3A_8], %rsqrt3A {strides = array<i32>} : memref<400x1xf32, #tpu.memory_space<vmem>>, vector<400x1xf32>,
    %get3A_10 = arith.constant 0 : index
    %get3A_11 = arith.constant 0 : index
    %get3A_12 = vector.load %arg2[%get3A_10, %get3A_11] : memref<400x48xf32, #tpu.memory_space<vmem>>, vector<400x48xf32>
    %mul3A = vector.broadcast %rsqrt3A : vector<400x1xf32> to vector<400x48xf32>
    %mul3A_13 = arith.mulf %get3A_12, %mul3A : vector<400x48xf32>
    %swap3A_14 = arith.constant 0 : index
    %swap3A_15 = arith.constant 0 : index
    %swap3A_16 = vector.load %arg3[%swap3A_14, %swap3A_15] : memref<400x48xf32, #tpu.memory_space<vmem>>, vector<400x48xf32>
    tpu.vector_store %arg3[%swap3A_14, %swap3A_15], %mul3A_13 {strides = array<i32>} : memref<400x48xf32, #tpu.memory_space<vmem>>, vector<400x48xf32>,
    return
  }
  func.func @transform_0(%arg0: i32) -> (i32, i32) {
    %c0_i32 = arith.constant 0 : i32
    %c0_i32_0 = arith.constant 0 : i32
    return %arg0, %c0_i32 : i32, i32
  }
  func.func @transform_1(%arg0: i32) -> (i32, i32) {
    %c0_i32 = arith.constant 0 : i32
    %c0_i32_0 = arith.constant 0 : i32
    return %arg0, %c0_i32 : i32, i32
  }
  func.func @transform_2(%arg0: i32) -> (i32, i32) {
    %c0_i32 = arith.constant 0 : i32
    %c0_i32_0 = arith.constant 0 : i32
    return %arg0, %c0_i32 : i32, i32
  }
  func.func @transform_3(%arg0: i32) -> (i32, i32) {
    %c0_i32 = arith.constant 0 : i32
    %c0_i32_0 = arith.constant 0 : i32
    return %arg0, %c0_i32 : i32, i32
  }
}

module attributes {stable_mosaic.version = 14 : i64} {
  func.func @_tc_mid_body(%arg0: i32, %arg1: memref<2x400x48xf32, #tpu.memory_space<vmem>>, %arg2: memref<400x1xf32, #tpu.memory_space<vmem>>, %arg3: memref<400x48xf32, #tpu.memory_space<vmem>>) attributes {dimension_semantics = [#tpu.dimension_semantics<arbitrary>], iteration_bounds = array<i64: 25>, scalar_prefetch = 0 : i64, scratch_operands = 0 : i64, tpu.core_type = #tpu.core_type<tc>, window_params = [{transform_indices = @transform_0, window_bounds = array<i64: 2, 400, 48>}, {transform_indices = @transform_1, window_bounds = array<i64: 400, 1>}, {transform_indices = @transform_2, window_bounds = array<i64: 400, 48>}]} {
    %get3A = arith.constant 0 : index
    %get3A_0 = arith.constant 0 : index
    %get3A_1 = vector.load %arg2[%get3A, %get3A_0] : memref<400x1xf32, #tpu.memory_space<vmem>>, vector<400x1xf32>
    %get3A_2 = arith.constant 0 : index
    %get3A_3 = arith.constant 0 : index
    %get3A_4 = arith.constant 0 : index
    %get3A_5 = vector.load %arg1[%get3A_2, %get3A_3, %get3A_4] : memref<2x400x48xf32, #tpu.memory_space<vmem>>, vector<1x400x48xf32>
    %get3A_6 = vector.shape_cast %get3A_5 : vector<1x400x48xf32> to vector<400x48xf32>
    %get3A_7 = arith.constant 1 : index
    %get3A_8 = arith.constant 0 : index
    %get3A_9 = arith.constant 0 : index
    %get3A_10 = vector.load %arg1[%get3A_7, %get3A_8, %get3A_9] : memref<2x400x48xf32, #tpu.memory_space<vmem>>, vector<1x400x48xf32>
    %get3A_11 = vector.shape_cast %get3A_10 : vector<1x400x48xf32> to vector<400x48xf32>
    %add3A = arith.addf %get3A_6, %get3A_11 : vector<400x48xf32>
    %mul3A = arith.mulf %get3A_1, %get3A_1 : vector<400x1xf32>
    %mul3A_12 = vector.broadcast %mul3A : vector<400x1xf32> to vector<400x48xf32>
    %mul3A_13 = arith.mulf %add3A, %mul3A_12 : vector<400x48xf32>
    %swap3A = arith.constant 0 : index
    %swap3A_14 = arith.constant 0 : index
    %swap3A_15 = vector.load %arg3[%swap3A, %swap3A_14] : memref<400x48xf32, #tpu.memory_space<vmem>>, vector<400x48xf32>
    tpu.vector_store %arg3[%swap3A, %swap3A_14], %mul3A_13 {strides = array<i32>} : memref<400x48xf32, #tpu.memory_space<vmem>>, vector<400x48xf32>,
    return
  }
  func.func @transform_0(%arg0: i32) -> (i32, i32, i32) {
    %c0_i32 = arith.constant 0 : i32
    %c0_i32_0 = arith.constant 0 : i32
    %c0_i32_1 = arith.constant 0 : i32
    return %c0_i32, %arg0, %c0_i32_0 : i32, i32, i32
  }
  func.func @transform_1(%arg0: i32) -> (i32, i32) {
    %c0_i32 = arith.constant 0 : i32
    %c0_i32_0 = arith.constant 0 : i32
    return %arg0, %c0_i32 : i32, i32
  }
  func.func @transform_2(%arg0: i32) -> (i32, i32) {
    %c0_i32 = arith.constant 0 : i32
    %c0_i32_0 = arith.constant 0 : i32
    return %arg0, %c0_i32 : i32, i32
  }
}

module attributes {stable_mosaic.version = 14 : i64} {
  func.func @_tc_final_body(%arg0: i32, %arg1: memref<2x400x48xf32, #tpu.memory_space<vmem>>, %arg2: memref<400x1xf32, #tpu.memory_space<vmem>>, %arg3: memref<1x40xf32, #tpu.memory_space<vmem>>, %arg4: memref<400x40xf32, #tpu.memory_space<vmem>>) attributes {dimension_semantics = [#tpu.dimension_semantics<arbitrary>], iteration_bounds = array<i64: 25>, scalar_prefetch = 0 : i64, scratch_operands = 0 : i64, tpu.core_type = #tpu.core_type<tc>, window_params = [{transform_indices = @transform_0, window_bounds = array<i64: 2, 400, 48>}, {transform_indices = @transform_1, window_bounds = array<i64: 400, 1>}, {pipeline_mode = #tpu.pipeline_mode<synchronous>, transform_indices = @transform_2, window_bounds = array<i64: 1, 40>}, {transform_indices = @transform_3, window_bounds = array<i64: 400, 40>}]} {
    %get3A = arith.constant 0 : index
    %get3A_0 = arith.constant 0 : index
    %get3A_1 = arith.constant 0 : index
    %get3A_2 = vector.load %arg1[%get3A, %get3A_0, %get3A_1] : memref<2x400x48xf32, #tpu.memory_space<vmem>>, vector<1x400x48xf32>
    %get3A_3 = vector.shape_cast %get3A_2 : vector<1x400x48xf32> to vector<400x48xf32>
    %get3A_4 = arith.constant 1 : index
    %get3A_5 = arith.constant 0 : index
    %get3A_6 = arith.constant 0 : index
    %get3A_7 = vector.load %arg1[%get3A_4, %get3A_5, %get3A_6] : memref<2x400x48xf32, #tpu.memory_space<vmem>>, vector<1x400x48xf32>
    %get3A_8 = vector.shape_cast %get3A_7 : vector<1x400x48xf32> to vector<400x48xf32>
    %add3A = arith.addf %get3A_3, %get3A_8 : vector<400x48xf32>
    %get3A_9 = arith.constant 0 : index
    %get3A_10 = arith.constant 0 : index
    %get3A_11 = vector.load %arg2[%get3A_9, %get3A_10] : memref<400x1xf32, #tpu.memory_space<vmem>>, vector<400x1xf32>
    %mul3A = vector.broadcast %get3A_11 : vector<400x1xf32> to vector<400x48xf32>
    %mul3A_12 = arith.mulf %add3A, %mul3A : vector<400x48xf32>
    %slice3A = vector.extract_strided_slice %mul3A_12 {offsets = [0, 0], sizes = [400, 40], strides = [1, 1]} : vector<400x48xf32> to vector<400x40xf32>
    %get3A_13 = arith.constant 0 : index
    %get3A_14 = arith.constant 0 : index
    %get3A_15 = vector.load %arg3[%get3A_13, %get3A_14] : memref<1x40xf32, #tpu.memory_space<vmem>>, vector<1x40xf32>
    %add3A_16 = vector.broadcast %get3A_15 : vector<1x40xf32> to vector<400x40xf32>
    %add3A_17 = arith.addf %slice3A, %add3A_16 : vector<400x40xf32>
    %reduce_max3A = arith.constant dense<0xFF800000> : vector<400xf32>
    %reduce_max3A_18 = vector.multi_reduction <maximumf>, %add3A_17, %reduce_max3A [1] : vector<400x40xf32> to vector<400xf32>
    %broadcast_in_dim3A = vector.shape_cast %reduce_max3A_18 : vector<400xf32> to vector<400x1xf32>
    %sub3A = vector.broadcast %broadcast_in_dim3A : vector<400x1xf32> to vector<400x40xf32>
    %sub3A_19 = arith.subf %add3A_17, %sub3A : vector<400x40xf32>
    %exp3A = math.exp %sub3A_19 : vector<400x40xf32>
    %reduce_sum3A = arith.constant dense<0.000000e+00> : vector<400xf32>
    %reduce_sum3A_20 = vector.multi_reduction <add>, %exp3A, %reduce_sum3A [1] : vector<400x40xf32> to vector<400xf32>
    %broadcast_in_dim3A_21 = vector.shape_cast %reduce_sum3A_20 : vector<400xf32> to vector<400x1xf32>
    %log3A = math.log %broadcast_in_dim3A_21 : vector<400x1xf32>
    %add3A_22 = arith.addf %log3A, %broadcast_in_dim3A : vector<400x1xf32>
    %sub3A_23 = vector.broadcast %add3A_22 : vector<400x1xf32> to vector<400x40xf32>
    %sub3A_24 = arith.subf %add3A_17, %sub3A_23 : vector<400x40xf32>
    %swap3A = arith.constant 0 : index
    %swap3A_25 = arith.constant 0 : index
    %swap3A_26 = vector.load %arg4[%swap3A, %swap3A_25] : memref<400x40xf32, #tpu.memory_space<vmem>>, vector<400x40xf32>
    tpu.vector_store %arg4[%swap3A, %swap3A_25], %sub3A_24 {strides = array<i32>} : memref<400x40xf32, #tpu.memory_space<vmem>>, vector<400x40xf32>,
    return
  }
  func.func @transform_0(%arg0: i32) -> (i32, i32, i32) {
    %c0_i32 = arith.constant 0 : i32
    %c0_i32_0 = arith.constant 0 : i32
    %c0_i32_1 = arith.constant 0 : i32
    return %c0_i32, %arg0, %c0_i32_0 : i32, i32, i32
  }
  func.func @transform_1(%arg0: i32) -> (i32, i32) {
    %c0_i32 = arith.constant 0 : i32
    %c0_i32_0 = arith.constant 0 : i32
    return %arg0, %c0_i32 : i32, i32
  }
  func.func @transform_2(%arg0: i32) -> (i32, i32) {
    %c0_i32 = arith.constant 0 : i32
    %c0_i32_0 = arith.constant 0 : i32
    %c0_i32_1 = arith.constant 0 : i32
    return %c0_i32, %c0_i32_0 : i32, i32
  }
  func.func @transform_3(%arg0: i32) -> (i32, i32) {
    %c0_i32 = arith.constant 0 : i32
    %c0_i32_0 = arith.constant 0 : i32
    return %arg0, %c0_i32 : i32, i32
  }
}

</mosaic_0001>

<sc_bundles>
// kernel: kernel.12.cloned.1.call-start
scs
__scs_entry_jumppad:
0x0: {  	(pc) =	sbr.rel $0x88, $3  }
0x1: {  	(tag) =	ssettag $0x0;
	lr =	simm.s32 $0x1  }
0x2: {  	[smem:$0x3F9D] =	sst lr;
	_ =	strace $0xD0000000  }
0x3: {  	_ = 	snop  }
0x4: {  	_ = 	snop  }
0x5: {  	_ = 	snop  }
0x6: {  	_ = 	snop  }
0x7: {  	_ = 	snop  }
__scs_overlays_trampoline_lowered:
0x8: {  	[smem:$0x3FAC] =	sst s0  }
0x9: {  	[smem:$0x3FAD] =	sst s1  }
0xa: {  	[smem:$0x3FAE] =	sst s2  }
0xb: {  	[smem:$0x3FAF] =	sst s3  }
0xc: {  	[smem:$0x3FB0] =	sst s4  }
0xd: {  	[smem:$0x3FB1] =	sst s5  }
0xe: {  	[smem:$0x3FB2] =	sst s6  }
0xf: {  	[smem:$0x3FB3] =	sst s7  }
0x10: {  	[smem:$0x3FB4] =	sst s8  }
0x11: {  	[smem:$0x3FB5] =	sst s9;
	s0 =	simm.s32 @!p0 $0x0  }
0x12: {  	s1 =	sld [smem:$0x3F9B];
	s0 =	simm.s32 @p0 $0x1  }
0x13: {  	[smem:$0x3FB6] =	sst s0;
	s0 =	simm.s32 @!p1 $0x0  }
0x14: {  	s2 =	sld [smem:$0x3F9A];
	s0 =	simm.s32 @p1 $0x1  }
0x15: {  	[smem:$0x3FB7] =	sst s0;
	s0 =	simm.s32 @!p2 $0x0  }
0x16: {  	s3 =	sld [smem:$0x3FDB];
	s0 =	simm.s32 @p2 $0x1  }
0x17: {  	s4 =	simm.s32 $0x1BF5;
	[smem:$0x3FB9] =	sst s0  }
0x18: {  	s0 =	sld [smem:$0x3F9C];
	_ =	swait.ge [sflag:s4], $0x0  }
0x19: {  	s7 =	sld [smem:$0x3F9D]  }
0x1a: {  	s8 =	sadd.s32 $0xFFFFE003, lr  }
0x1b: {  	s9 =	sadd.s32 $0xFFFFFEF7, lr;
	s5 =	simm.s32 $0xFFFFFFFF;
	p2 =	slt.u32 s8, $0xFFFFF086  }
0x1c: {  	p1 =	slt.u32 s9, $0xF7A;
	s5 =	simm.s32 @!p2 $0x0  }
0x1d: {  	s5 =	simm.s32 @p1 $0x1;
	p0 =	seq.s32 s7, s2  }
0x1e: {  	s7 =	smul.u32 @!p0 $0xF7A, s2;
	p2 =	seq.s32 @!p0 s5, $0x0  }
0x1f: {  	s9 =	smul.u32 $0xF7A, s1;
	s8 =	simm.s32 @!p0 $0x1BF5;
	p2 =	por !p2, p0  }
0x20: {  	[sflag:s8] =	ssyncset.s32 @!p0 $0xFFFFF086;
	s6 =	sadd.s32 @!p0 s3, s7;
	s7 =	simm.s32 @!p0 $0x108  }
0x21: {  	s3 =	sadd.s32 s3, s9;
	s6 =	sadd.s32 @!p0 $0x88, s6;
	s7 =	simm.s32 @p2 $0x1082  }
0x22: {  	[simem:s7], [sflag:s8] =	dma.local @!p0 [hbm:s6], $0xF7A  }
0x23: {  	s9 =	sor.u32 $0xD0000000, s2;
	s6 =	simm.s32 $0x108;
	_ =	swait.ge @!p0 [sflag:s8], $0x0  }
0x24: {  	s3 =	sadd.s32 $0x88, s3;
	s6 =	simm.s32 @!p1 $0x1082;
	[sflag:s4] =	ssyncset.s32 $0xFFFFF086  }
0x25: {  	[simem:s6], [sflag:s4] =	dma.local [hbm:s3], $0xF7A  }
0x26: {  	[smem:$0x3F9D] =	sst s1;
	(tag) =	ssettag s2;
	_ =	strace s9  }
0x27: {  	s1 =	sld [smem:$0x3FAD]  }
0x28: {  	s2 =	sld [smem:$0x3FAE]  }
0x29: {  	s4 =	sld [smem:$0x3FB0]  }
0x2a: {  	p0 =	seq.s32 s5, $0x0;
	s5 =	sld [smem:$0x3FB1]  }
0x2b: {  	s6 =	sld [smem:$0x3FB2]  }
0x2c: {  	s7 =	sld [smem:$0x3FB3]  }
0x2d: {  	s3 =	simm.s32 $0x108;
	s8 =	sld [smem:$0x3FB4]  }
0x2e: {  	s3 =	simm.s32 @!p0 $0x1082;
	s9 =	sld [smem:$0x3FB5]  }
0x2f: {  	lr =	sadd.s32 s0, s3;
	s0 =	sld [smem:$0x3FAC]  }
0x30: {  	s3 =	sld [smem:$0x3FAF]  }
0x31: {  	[smem:$0x3FB8] =	sst s10  }
0x32: {  	s10 =	sld [smem:$0x3FB6];
	_ =	sdelay $0x3  }
0x33: {  	p0 =	seq.s32 s10, $0x1;
	s10 =	sld [smem:$0x3FB8];
	_ =	sdelay $0x3  }
0x34: {  	[smem:$0x3FB8] =	sst s10  }
0x35: {  	s10 =	sld [smem:$0x3FB7];
	_ =	sdelay $0x3  }
0x36: {  	p1 =	seq.s32 s10, $0x1;
	s10 =	sld [smem:$0x3FB8];
	_ =	sdelay $0x3  }
0x37: {  	[smem:$0x3FB8] =	sst s10  }
0x38: {  	s10 =	sld [smem:$0x3FB9]  }
0x39: {  	_ = 	snop;
	(pc) =	sbr.ind lr, $3  }
0x3a: {  	_ = 	snop  }
0x3b: {  	_ = 	snop  }
0x3c: {  	p2 =	seq.s32 s10, $0x1;
	s10 =	sld [smem:$0x3FB8]  }
0x3d: {  	_ =	shalt  }
0x3e: {  	_ =	shalt  }
0x3f: {  	_ =	shalt  }
0x40: {  	_ =	shalt  }
0x41: {  	_ =	shalt  }
0x42: {  	_ =	shalt  }
0x43: {  	_ =	shalt  }
0x44: {  	_ =	shalt  }
0x45: {  	_ =	shalt  }
0x46: {  	_ =	shalt  }
0x47: {  	_ =	shalt  }
0x48: {  	_ =	shalt  }
0x49: {  	_ =	shalt  }
0x4a: {  	_ =	shalt  }
0x4b: {  	_ =	shalt  }
0x4c: {  	_ =	shalt  }
0x4d: {  	_ =	shalt  }
0x4e: {  	_ =	shalt  }
0x4f: {  	_ =	shalt  }
0x50: {  	_ =	shalt  }
0x51: {  	_ =	shalt  }
0x52: {  	_ =	shalt  }
0x53: {  	_ =	shalt  }
0x54: {  	_ =	shalt  }
0x55: {  	_ =	shalt  }
0x56: {  	_ =	shalt  }
0x57: {  	_ =	shalt  }
0x58: {  	_ =	shalt  }
0x59: {  	_ =	shalt  }
0x5a: {  	_ =	shalt  }
0x5b: {  	_ =	shalt  }
0x5c: {  	_ =	shalt  }
0x5d: {  	_ =	shalt  }
0x5e: {  	_ =	shalt  }
0x5f: {  	_ =	shalt  }
0x60: {  	_ =	shalt  }
0x61: {  	_ =	shalt  }
0x62: {  	_ =	shalt  }
0x63: {  	_ =	shalt  }
0x64: {  	_ =	shalt  }
0x65: {  	_ =	shalt  }
0x66: {  	_ =	shalt  }
0x67: {  	_ =	shalt  }
0x68: {  	_ =	shalt  }
0x69: {  	_ =	shalt  }
0x6a: {  	_ =	shalt  }
0x6b: {  	_ =	shalt  }
0x6c: {  	_ =	shalt  }
0x6d: {  	_ =	shalt  }
0x6e: {  	_ =	shalt  }
0x6f: {  	_ =	shalt  }
0x70: {  	_ =	shalt  }
0x71: {  	_ =	shalt  }
0x72: {  	_ =	shalt  }
0x73: {  	_ =	shalt  }
0x74: {  	_ =	shalt  }
0x75: {  	_ =	shalt  }
0x76: {  	_ =	shalt  }
0x77: {  	_ =	shalt  }
0x78: {  	_ =	shalt  }
0x79: {  	_ =	shalt  }
0x7a: {  	_ =	shalt  }
0x7b: {  	_ =	shalt  }
0x7c: {  	_ =	shalt  }
0x7d: {  	_ =	shalt  }
0x7e: {  	_ =	shalt  }
0x7f: {  	_ =	shalt  }
0x80: {  	_ =	shalt  }
0x81: {  	_ =	shalt  }
0x82: {  	_ =	shalt  }
0x83: {  	_ =	shalt  }
0x84: {  	_ =	shalt  }
0x85: {  	_ =	shalt  }
0x86: {  	_ =	shalt  }
0x87: {  	_ =	shalt  }
.Lfunc_end0:
.L_simem_size_0:
called_computation.1_lowered:
.L_overlay_start_0:
0x88: {  	s2 =	sld [smem:$0x3FD9]  }
0x89: {  	s3 =	sld [smem:$0x3FFE];
	_ =	sdelay $0x1  }
0x8a: {  	s1 =	srdreg.scid  }
0x8b: {  	s0 =	sand.u32 $0x1, s1  }
0x8c: {  	s17 =	sshll.u32 s0, $0xA;
	s2 =	sadd.s32 s3, s2  }
0x8d: {  	s2 =	sadd.s32 s2, s17  }
0x8e: {  	[smem:$0x3FC4] =	sst s2  }
0x8f: {  	_ = 	snop  }
0x90: {  	s2 =	sld [smem:$0x3FD0];
	(tm) =	ssettm $0x1  }
0x91: {  	s18 =	sld [smem:$0x3FFB];
	_ =	sdelay $0x3  }
0x92: {  	_ =	strace s18  }
0x93: {  	s3 =	sld [smem:$0x3FFC];
	_ =	sdelay $0x3  }
0x94: {  	_ =	strace s3  }
0x95: {  	s3 =	sld [smem:$0x3FFD];
	_ =	sdelay $0x3  }
0x96: {  	_ =	strace s3  }
0x97: {  	_ =	strace $0x8FFFFFFF  }
0x98: {  	s19 =	sld [smem:$0x3FDB];
	_ =	sdelay $0x1  }
0x99: {  	s4 =	simm.s32 $_scs_section_size  }
0x9a: {  	s5 =	simm.s32 $_size__tile_overlayer_lowered;
	s6 =	simm.s32 $_tile_overlayer_lowered  }
0x9b: {  	s22 =	simm.s32 $0x1BFF;
	s21 =	sshll.u32 s6, $0x1;
	s3 =	sadd.s32 s4, s19  }
0x9c: {  	s7 =	simm.s32 $0x0;
	s20 =	sshll.u32 s5, $0x1;
	s5 =	sadd.s32 s21, s3  }
0x9d: {  	[timem:s7], [sflag:s22] =	dma.local [hbm:s5], s20  }
0x9e: {  	_ =	swait.ge [sflag:s22], s20  }
0x9f: {  	s4 =	ssub.s32 $0x0, s20;
	[sflag:s22] =	ssyncset.done $0x0  }
0xa0: {  	[sflag:s22] =	ssyncadd.s32 s4;
	_ =	sdelay $0x1  }
0xa1: {  	s23 =	simm.s32 $0x1B8B  }
0xa2: {  	_ =	swait.ge [sflag:s23], $0x1  }
0xa3: {  	[sflag:s23] =	ssyncset.done $0x0  }
0xa4: {  	s25 =	simm.s32 $0x1B8E;
	s24 =	sld [smem:$0x3FFE];
	[sflag:s23] =	ssyncadd.s32 $0xFFFFFFFF  }
0xa5: {  	s26 =	simm.s32 $execute0_lowered;
	[smem:$0x3FD2] =	sst s25  }
0xa6: {  	s5 =	sshll.u32 s26, $0x1;
	_ =	strace $0x80000049;
	[dreg:$0x1] =	wrdreg $0xFFFFFFFF  }
0xa7: {  	s28 =	simm.s32 $_size_execute0_lowered;
	s3 =	sadd.s32 s3, s5;
	[dreg:$0x0] =	wrdreg $0x0  }
0xa8: {  	s5 =	sshll.u32 s28, $0x1;
	[dreg:$0x2] =	wrdreg s3  }
0xa9: {  	[dreg:$0x3] =	wrdreg s5  }
0xaa: {  	[dreg:$0x4] =	wrdreg $0xC0  }
0xab: {  	_ =	task [dreg:s7], $0x5FFFF  }
0xac: {  	[dreg:$0x1] =	wrdreg $0xFFFFFFFF  }
0xad: {  	[dreg:$0x0] =	wrdreg $0x60  }
0xae: {  	[dreg:$0x2] =	wrdreg s24  }
0xaf: {  	[dreg:$0x3] =	wrdreg s2  }
0xb0: {  	[dreg:$0x4] =	wrdreg $0xD2500  }
0xb1: {  	[dreg:$0x5] =	wrdreg $0x147800  }
0xb2: {  	[dreg:$0x6] =	wrdreg $0x9  }
0xb3: {  	_ =	task.clear_ibuf [dreg:s7], $0x7FFFF;
	_ =	strace $0x90000049  }
0xb4: {  	s29 =	simm.s32 $0x9;
	_ =	strace $0x8000004B  }
0xb5: {  	_ =	swait.ge [sflag:s29], $0x1  }
0xb6: {  	[sflag:s29] =	ssyncadd.s32 $0xFFFFFFFF  }
0xb7: {  	_ =	strace $0x9000004B  }
0xb8: {  	_ =	sfence  }
0xb9: {  	s30 =	sld [smem:$0x0];
	_ =	sdelay $0x2  }
0xba: {  	s31 =	sshll.u32 s1, $0xD;
	s1 =	sshrl.u32 s1, $0x2  }
0xbb: {  	s3 =	sand.u32 $0x4000, s31;
	s1 =	sadd.s32 s1, s30  }
0xbc: {  	s0 =	sor.u32 s3, s0;
	s1 =	sshll.u32 s1, $0x11  }
0xbd: {  	s0 =	sor.u32 s1, s0  }
0xbe: {  	s0 =	sadd.s32 $0x8F2B, s0  }
0xbf: {  	[sflag:s0] =	ssyncadd.remote.s32 $0x1  }
0xc0: {  	_ =	sfence.sel $0xFFFF  }
0xc1: {  	[dreg:$0x0] =	wrdreg $0xFFFFFFFF;
	(pc) =	sbr.abs _section_cstart, $3  }
0xc2: {  	[dreg:$0x1] =	wrdreg $0xFFFFFFFF  }
0xc3: {  	_ =	task.clear_ibuf [dreg:s7], $0x2FFFF;
	_ =	strace $0x9FFFFFFF  }
0xc4: {  	(tm) =	ssettm $0x7FFFFFFF  }
0xc5: {  	_ =	shalt  }
tec
execute0_lowered:
.L_overlay_start_1:
0x0: {  	(tag) =	ssettag $0x1  }
0x1: {  	s6 =	rddreg [dreg:$0x0]  }
0x2: {  	s1 =	rddreg [dreg:$0x1]  }
0x3: {  	s3 =	rddreg [dreg:$0x2]  }
0x4: {  	s0 =	srdreg.scid;
	s4 =	rddreg [dreg:$0x3];
	s5 =	simm.s32 $0x0  }
0x5: {  	s15 =	simm.s32 $0x5D20;
	s16 =	simm.s32 $0x50;
	s17 =	simm.s32 $0x4E20  }
0x6: {  	s18 =	simm.s32 $0x1;
	s13 =	sand.u32 $0x1, s0;
	s0 =	stileid.u32  }
0x7: {  	s19 =	simm.s32 $0x2;
	s20 =	simm.s32 $0x0;
	s10 =	smul.u32 $0x7530, s0  }
0x8: {  	[smem:$0x7FF] =	sst s5;
	s2 =	sshll.u32 s13, $0x4;
	s9 =	smul.u32 $0x75300, s13  }
0x9: {  	s11 =	ssub.s32 $0x2, s13;
	p0 =	seq.s32 s13, $0x0;
	s13 =	simm.s32 $0x3  }
0xa: {  	s7 =	sor.u32 s0, s2;
	s2 =	rddreg [dreg:$0x4];
	_ =	strace $0x8000004A  }
0xb: {  	s12 =	sshrl.u32 s11, $0x1;
	s7 =	smul.u32 $0x2710, s7;
	s8 =	sshrl.u32 s10, $0x3  }
0xc: {  	s9 =	sadd.s32 s10, s9;
	s12 =	ssub.s32 s11, s12;
	s8 =	sadd.s32 s8, s6  }
0xd: {  	s9 =	sshrl.u32 s9, $0x3;
	s12 =	smax.u32 s12, $0x1;
	s7 =	sshrl.u32 s7, $0x3  }
0xe: {  	s14 =	sadd.s32 s9, s6;
	s8 =	sadd.s32 $0x15400, s8;
	s9 =	sadd.s32 s10, s3  }
0xf: {  	s10 =	sadd.s32 s10, s4;
	s7 =	sadd.s32 s7, s6;
	s11 =	sadd.s32 $0x24000, s14  }
0x10: {  	s14 =	simm.s32 $0x2710;
	s6 =	sadd.s32 $0x1A00, s7;
	s7 =	sadd.s32 $0xB640, s7  }
.LBB2_1:
0x11: {  	[tilespmem:s5], [sflag:$0x3] =	stream.linear.gather [hbm4b:s6+s5], $0x2710, $0x38;
	[tilespmem:$0x1BCB0] =	vst v63  }
0x12: {  	_ =	swait.ge [sflag:s13], $0x2710  }
0x13: {  	[sflag:s13] =	ssyncset.done $0x0  }
0x14: {  	[sflag:s13] =	ssyncadd.s32 $0xFFFFD8F0  }
0x15: {  	[tilespmem:s14], [sflag:$0x3] =	stream.linear.gather [hbm4b:s7+s5], $0x2710, $0x38;
	[tilespmem:$0x1BCB0] =	vst v63  }
0x16: {  	_ =	swait.ge [sflag:s13], $0x2710  }
0x17: {  	[sflag:s13] =	ssyncset.done $0x0  }
0x18: {  	[sflag:s13] =	ssyncadd.s32 $0xFFFFD8F0  }
0x19: {  	[tilespmem:s15], [sflag:$0x3] =	stream.linear.gather [hbm4b:s8+s5], $0x7530, $0x38;
	[tilespmem:$0x1BCB0] =	vst v63  }
0x1a: {  	_ =	swait.ge [sflag:s13], $0x7530  }
0x1b: {  	[sflag:s13] =	ssyncset.done $0x0  }
0x1c: {  	[sflag:s13] =	ssyncadd.s32 $0xFFFF8AD0  }
0x1d: {  	[spmem:s9] =	stream.linear.scatter [tilespmem:s15], [sflag:$0x3], $0x7530, $0x38;
	[tilespmem:$0x1BCB0] =	vst v63  }
0x1e: {  	_ =	swait.ge [sflag:s13], $0x7530  }
0x1f: {  	[sflag:s13] =	ssyncset.done $0x0  }
0x20: {  	s21 =	simm.s32 @!p0 $0x0;
	s22 =	simm.s32 @!p0 $0x5D20;
	[sflag:s13] =	ssyncadd.s32 $0xFFFF8AD0  }
0x21: {  	[tilespmem:s22], [sflag:$0x3] =	stream.linear.gather @!p0 [hbm4b:s1+s21], $0x7530, $0x38;
	[tilespmem:$0x1BCB0] =	vst v63  }
0x22: {  	s21 =	simm.s32 @!p0 $0x3  }
0x23: {  	_ =	swait.ge @!p0 [sflag:s21], $0x7530  }
0x24: {  	[sflag:s21] =	ssyncset.done @!p0 $0x0  }
0x25: {  	[sflag:s21] =	ssyncadd.s32 @!p0 $0xFFFF8AD0  }
0x26: {  	[spmem:s10] =	stream.linear.scatter [tilespmem:s15], [sflag:$0x3], $0x7530, $0x38;
	[tilespmem:$0x1BCB0] =	vst v63  }
0x27: {  	_ =	swait.ge [sflag:s13], $0x7530  }
0x28: {  	[sflag:s13] =	ssyncset.done $0x0  }
0x29: {  	[sflag:s13] =	ssyncadd.s32 $0xFFFF8AD0  }
0x2a: {  	s30 =	simm.s32 $0x0;
	[bflag:$0x0] =	sbarrier.arrive $0xFFFF  }
0x2b: {  	[tilespmem:s17], [sflag:$0x1] =	stream.indirect.gather [spmem:s3], $0x30, s30, s16, $0xb8;
	[tilespmem:$0x1BCB0] =	vst v63  }
0x2c: {  	_ =	swait.ge [sflag:s18], $0xF00  }
0x2d: {  	[sflag:s18] =	ssyncset.done $0x0  }
0x2e: {  	s31 =	simm.s32 $0x2710;
	[sflag:s18] =	ssyncadd.s32 $0xFFFFF100  }
0x2f: {  	[spmem:s4] =	stream.indirect.scatter.add.f32 [tilespmem:s17], [sflag:$0x2], $0x30, s31, s16, $0xb8;
	[tilespmem:$0x1BCB0] =	vst v63  }
0x30: {  	_ =	swait.ge [sflag:s19], $0xF00  }
0x31: {  	s22 =	simm.s32 $0x280;
	s21 =	simm.s32 $0x140;
	[sflag:s19] =	ssyncset.done $0x0  }
.LBB2_2:
0x32: {  	s23 =	sshra.s32 s21, $0x2  }
0x33: {  	[sflag:s19] =	ssyncadd.s32 $0xFFFFF100;
	s21 =	smov.u32 s22;
	s24 =	sadd.s32 $0x140, s22  }
0x34: {  	[tilespmem:s17], [sflag:$0x1] =	stream.indirect.gather [spmem:s3], $0x30, s23, s16, $0xb8;
	[tilespmem:$0x1BCB0] =	vst v63  }
0x35: {  	p1 =	sne.s32 s22, $0x9B00;
	_ =	swait.ge [sflag:s18], $0xF00  }
.Ltmp0:
0x36: {  	[sflag:s18] =	ssyncset.done $0x0;
	(pc) =	sbr.rel @p1 .LBB2_2-.Ltmp0, $4  }
0x37: {  	s22 =	sadd.s32 $0x2710, s23;
	[sflag:s18] =	ssyncadd.s32 $0xFFFFF100  }
0x38: {  	[spmem:s4] =	stream.indirect.scatter.add.f32 [tilespmem:s17], [sflag:$0x2], $0x30, s22, s16, $0xb8;
	[tilespmem:$0x1BCB0] =	vst v63  }
0x39: {  	_ =	swait.ge [sflag:s19], $0xF00  }
0x3a: {  	s22 =	smov.u32 s24;
	[sflag:s19] =	ssyncset.done $0x0  }
0x3b: {  	s21 =	sshra.s32 s21, $0x2;
	[sflag:s19] =	ssyncadd.s32 $0xFFFFF100  }
0x3c: {  	[tilespmem:s17], [sflag:$0x1] =	stream.indirect.gather [spmem:s3], $0x30, s21, s16, $0xb8;
	[tilespmem:$0x1BCB0] =	vst v63  }
0x3d: {  	_ =	swait.ge [sflag:s18], $0xF00  }
0x3e: {  	[sflag:s18] =	ssyncset.done $0x0  }
0x3f: {  	s21 =	sadd.s32 $0x2710, s21;
	[sflag:s18] =	ssyncadd.s32 $0xFFFFF100  }
0x40: {  	[spmem:s4] =	stream.indirect.scatter.add.f32 [tilespmem:s17], [sflag:$0x2], $0x30, s21, s16, $0xb8;
	[tilespmem:$0x1BCB0] =	vst v63  }
0x41: {  	_ =	swait.ge [sflag:s19], $0xF00  }
0x42: {  	[sflag:s19] =	ssyncset.done $0x0  }
0x43: {  	[sflag:s19] =	ssyncadd.s32 $0xFFFFF100  }
0x44: {  	[bflag:$0x0] =	sbarrier.arrive $0xFFFF  }
0x45: {  	[tilespmem:s15], [sflag:$0x3] =	stream.linear.gather [spmem:s10], $0x7530, $0x38;
	[tilespmem:$0x1BCB0] =	vst v63  }
0x46: {  	s20 =	sadd.s32 $0x1, s20;
	_ =	swait.ge [sflag:s13], $0x7530  }
0x47: {  	p1 =	sne.s32 s20, s12;
	[sflag:s13] =	ssyncset.done $0x0  }
.Ltmp1:
0x48: {  	[sflag:s13] =	ssyncadd.s32 $0xFFFF8AD0;
	(pc) =	sbr.rel @p1 .LBB2_1-.Ltmp1, $4  }
0x49: {  	[hbm4b:s11+s5] =	stream.linear.scatter [tilespmem:s15], [sflag:$0x3], $0x7530, $0x38;
	[tilespmem:$0x1BCB0] =	vst v63  }
0x4a: {  	_ =	swait.ge [sflag:s13], $0x7530  }
0x4b: {  	[sflag:s13] =	ssyncset.done $0x0  }
0x4c: {  	[sflag:s13] =	ssyncadd.s32 $0xFFFF8AD0  }
0x4d: {  	_ =	sfence.sel $0x180000  }
0x4e: {  	[bflag:$0x0] =	sbarrier.arrive $0xFFFF  }
0x4f: {  	p0 =	sne.s32 s0, $0x0;
	_ =	strace $0x9000004A  }
0x50: {  	s0 =	sadd.s32 @!p0 $0x100000, s2;
	[bflag:$0x2] =	sbarrier.arrive $0xFFFF  }
0x51: {  	[sflag:s0] =	ssyncadd.tile.s32 @!p0 $0x1;
	_ =	shalt  }
.Lfunc_end2:
_tile_overlayer_lowered:
.L_overlay_start_2:
0x52: {  	(tag) =	ssettag $0x2  }
0x53: {  	s0 =	rddreg [dreg:$0x0];
	s2 =	stileid.u32  }
0x54: {  	s1 =	rddreg [dreg:$0x1];
	p0 =	sne.s32 s2, $0x0  }
0x55: {  	s3 =	rddreg [dreg:$0x2];
	[bflag:$0x3] =	sbarrier.arrive $0xFFFF;
	s2 =	simm.s32 @!p0 $0x1C03  }
0x56: {  	[timem:s3], [sflag:s2] =	dma.local @!p0 [hbm:s0], s1  }
0x57: {  	s0 =	simm.s32 @!p0 $0x3  }
0x58: {  	_ =	swait.ge @!p0 [sflag:s0], s1  }
0x59: {  	s1 =	ssub.s32 @!p0 $0x0, s1;
	[sflag:s0] =	ssyncset.done @!p0 $0x0  }
0x5a: {  	[sflag:s0] =	ssyncadd.s32 @!p0 s1  }
0x5b: {  	[bflag:$0x3] =	sbarrier.arrive $0xFFFF  }
0x5c: {  	_ =	shalt  }

// kernel: kernel.15.cloned.1.call-start
scs
__scs_entry_jumppad:
0x0: {  	(pc) =	sbr.rel $0x88, $3  }
0x1: {  	(tag) =	ssettag $0x0;
	lr =	simm.s32 $0x1  }
0x2: {  	[smem:$0x3F9D] =	sst lr;
	_ =	strace $0xD0000000  }
0x3: {  	_ = 	snop  }
0x4: {  	_ = 	snop  }
0x5: {  	_ = 	snop  }
0x6: {  	_ = 	snop  }
0x7: {  	_ = 	snop  }
__scs_overlays_trampoline_lowered:
0x8: {  	[smem:$0x3FAC] =	sst s0  }
0x9: {  	[smem:$0x3FAD] =	sst s1  }
0xa: {  	[smem:$0x3FAE] =	sst s2  }
0xb: {  	[smem:$0x3FAF] =	sst s3  }
0xc: {  	[smem:$0x3FB0] =	sst s4  }
0xd: {  	[smem:$0x3FB1] =	sst s5  }
0xe: {  	[smem:$0x3FB2] =	sst s6  }
0xf: {  	[smem:$0x3FB3] =	sst s7  }
0x10: {  	[smem:$0x3FB4] =	sst s8  }
0x11: {  	[smem:$0x3FB5] =	sst s9;
	s0 =	simm.s32 @!p0 $0x0  }
0x12: {  	s1 =	sld [smem:$0x3F9B];
	s0 =	simm.s32 @p0 $0x1  }
0x13: {  	[smem:$0x3FB6] =	sst s0;
	s0 =	simm.s32 @!p1 $0x0  }
0x14: {  	s2 =	sld [smem:$0x3F9A];
	s0 =	simm.s32 @p1 $0x1  }
0x15: {  	[smem:$0x3FB7] =	sst s0;
	s0 =	simm.s32 @!p2 $0x0  }
0x16: {  	s3 =	sld [smem:$0x3FDB];
	s0 =	simm.s32 @p2 $0x1  }
0x17: {  	s4 =	simm.s32 $0x1BF5;
	[smem:$0x3FB9] =	sst s0  }
0x18: {  	s0 =	sld [smem:$0x3F9C];
	_ =	swait.ge [sflag:s4], $0x0  }
0x19: {  	s7 =	sld [smem:$0x3F9D]  }
0x1a: {  	s8 =	sadd.s32 $0xFFFFE003, lr  }
0x1b: {  	s9 =	sadd.s32 $0xFFFFFEF7, lr;
	s5 =	simm.s32 $0xFFFFFFFF;
	p2 =	slt.u32 s8, $0xFFFFF086  }
0x1c: {  	p1 =	slt.u32 s9, $0xF7A;
	s5 =	simm.s32 @!p2 $0x0  }
0x1d: {  	s5 =	simm.s32 @p1 $0x1;
	p0 =	seq.s32 s7, s2  }
0x1e: {  	s7 =	smul.u32 @!p0 $0xF7A, s2;
	p2 =	seq.s32 @!p0 s5, $0x0  }
0x1f: {  	s9 =	smul.u32 $0xF7A, s1;
	s8 =	simm.s32 @!p0 $0x1BF5;
	p2 =	por !p2, p0  }
0x20: {  	[sflag:s8] =	ssyncset.s32 @!p0 $0xFFFFF086;
	s6 =	sadd.s32 @!p0 s3, s7;
	s7 =	simm.s32 @!p0 $0x108  }
0x21: {  	s3 =	sadd.s32 s3, s9;
	s6 =	sadd.s32 @!p0 $0x88, s6;
	s7 =	simm.s32 @p2 $0x1082  }
0x22: {  	[simem:s7], [sflag:s8] =	dma.local @!p0 [hbm:s6], $0xF7A  }
0x23: {  	s9 =	sor.u32 $0xD0000000, s2;
	s6 =	simm.s32 $0x108;
	_ =	swait.ge @!p0 [sflag:s8], $0x0  }
0x24: {  	s3 =	sadd.s32 $0x88, s3;
	s6 =	simm.s32 @!p1 $0x1082;
	[sflag:s4] =	ssyncset.s32 $0xFFFFF086  }
0x25: {  	[simem:s6], [sflag:s4] =	dma.local [hbm:s3], $0xF7A  }
0x26: {  	[smem:$0x3F9D] =	sst s1;
	(tag) =	ssettag s2;
	_ =	strace s9  }
0x27: {  	s1 =	sld [smem:$0x3FAD]  }
0x28: {  	s2 =	sld [smem:$0x3FAE]  }
0x29: {  	s4 =	sld [smem:$0x3FB0]  }
0x2a: {  	p0 =	seq.s32 s5, $0x0;
	s5 =	sld [smem:$0x3FB1]  }
0x2b: {  	s6 =	sld [smem:$0x3FB2]  }
0x2c: {  	s7 =	sld [smem:$0x3FB3]  }
0x2d: {  	s3 =	simm.s32 $0x108;
	s8 =	sld [smem:$0x3FB4]  }
0x2e: {  	s3 =	simm.s32 @!p0 $0x1082;
	s9 =	sld [smem:$0x3FB5]  }
0x2f: {  	lr =	sadd.s32 s0, s3;
	s0 =	sld [smem:$0x3FAC]  }
0x30: {  	s3 =	sld [smem:$0x3FAF]  }
0x31: {  	[smem:$0x3FB8] =	sst s10  }
0x32: {  	s10 =	sld [smem:$0x3FB6];
	_ =	sdelay $0x3  }
0x33: {  	p0 =	seq.s32 s10, $0x1;
	s10 =	sld [smem:$0x3FB8];
	_ =	sdelay $0x3  }
0x34: {  	[smem:$0x3FB8] =	sst s10  }
0x35: {  	s10 =	sld [smem:$0x3FB7];
	_ =	sdelay $0x3  }
0x36: {  	p1 =	seq.s32 s10, $0x1;
	s10 =	sld [smem:$0x3FB8];
	_ =	sdelay $0x3  }
0x37: {  	[smem:$0x3FB8] =	sst s10  }
0x38: {  	s10 =	sld [smem:$0x3FB9]  }
0x39: {  	_ = 	snop;
	(pc) =	sbr.ind lr, $3  }
0x3a: {  	_ = 	snop  }
0x3b: {  	_ = 	snop  }
0x3c: {  	p2 =	seq.s32 s10, $0x1;
	s10 =	sld [smem:$0x3FB8]  }
0x3d: {  	_ =	shalt  }
0x3e: {  	_ =	shalt  }
0x3f: {  	_ =	shalt  }
0x40: {  	_ =	shalt  }
0x41: {  	_ =	shalt  }
0x42: {  	_ =	shalt  }
0x43: {  	_ =	shalt  }
0x44: {  	_ =	shalt  }
0x45: {  	_ =	shalt  }
0x46: {  	_ =	shalt  }
0x47: {  	_ =	shalt  }
0x48: {  	_ =	shalt  }
0x49: {  	_ =	shalt  }
0x4a: {  	_ =	shalt  }
0x4b: {  	_ =	shalt  }
0x4c: {  	_ =	shalt  }
0x4d: {  	_ =	shalt  }
0x4e: {  	_ =	shalt  }
0x4f: {  	_ =	shalt  }
0x50: {  	_ =	shalt  }
0x51: {  	_ =	shalt  }
0x52: {  	_ =	shalt  }
0x53: {  	_ =	shalt  }
0x54: {  	_ =	shalt  }
0x55: {  	_ =	shalt  }
0x56: {  	_ =	shalt  }
0x57: {  	_ =	shalt  }
0x58: {  	_ =	shalt  }
0x59: {  	_ =	shalt  }
0x5a: {  	_ =	shalt  }
0x5b: {  	_ =	shalt  }
0x5c: {  	_ =	shalt  }
0x5d: {  	_ =	shalt  }
0x5e: {  	_ =	shalt  }
0x5f: {  	_ =	shalt  }
0x60: {  	_ =	shalt  }
0x61: {  	_ =	shalt  }
0x62: {  	_ =	shalt  }
0x63: {  	_ =	shalt  }
0x64: {  	_ =	shalt  }
0x65: {  	_ =	shalt  }
0x66: {  	_ =	shalt  }
0x67: {  	_ =	shalt  }
0x68: {  	_ =	shalt  }
0x69: {  	_ =	shalt  }
0x6a: {  	_ =	shalt  }
0x6b: {  	_ =	shalt  }
0x6c: {  	_ =	shalt  }
0x6d: {  	_ =	shalt  }
0x6e: {  	_ =	shalt  }
0x6f: {  	_ =	shalt  }
0x70: {  	_ =	shalt  }
0x71: {  	_ =	shalt  }
0x72: {  	_ =	shalt  }
0x73: {  	_ =	shalt  }
0x74: {  	_ =	shalt  }
0x75: {  	_ =	shalt  }
0x76: {  	_ =	shalt  }
0x77: {  	_ =	shalt  }
0x78: {  	_ =	shalt  }
0x79: {  	_ =	shalt  }
0x7a: {  	_ =	shalt  }
0x7b: {  	_ =	shalt  }
0x7c: {  	_ =	shalt  }
0x7d: {  	_ =	shalt  }
0x7e: {  	_ =	shalt  }
0x7f: {  	_ =	shalt  }
0x80: {  	_ =	shalt  }
0x81: {  	_ =	shalt  }
0x82: {  	_ =	shalt  }
0x83: {  	_ =	shalt  }
0x84: {  	_ =	shalt  }
0x85: {  	_ =	shalt  }
0x86: {  	_ =	shalt  }
0x87: {  	_ =	shalt  }
.Lfunc_end0:
.L_simem_size_0:
called_computation.2_lowered:
.L_overlay_start_0:
0x88: {  	s2 =	sld [smem:$0x3FD9]  }
0x89: {  	s3 =	sld [smem:$0x3FFE];
	_ =	sdelay $0x1  }
0x8a: {  	s1 =	srdreg.scid  }
0x8b: {  	s0 =	sand.u32 $0x1, s1  }
0x8c: {  	s17 =	sshll.u32 s0, $0xA;
	s2 =	sadd.s32 s3, s2  }
0x8d: {  	s2 =	sadd.s32 s2, s17  }
0x8e: {  	[smem:$0x3FC4] =	sst s2  }
0x8f: {  	_ = 	snop  }
0x90: {  	s2 =	sld [smem:$0x3FD0];
	(tm) =	ssettm $0x1  }
0x91: {  	s18 =	sld [smem:$0x3FFB];
	_ =	sdelay $0x3  }
0x92: {  	_ =	strace s18  }
0x93: {  	s3 =	sld [smem:$0x3FFC];
	_ =	sdelay $0x3  }
0x94: {  	_ =	strace s3  }
0x95: {  	s3 =	sld [smem:$0x3FFD];
	_ =	sdelay $0x3  }
0x96: {  	_ =	strace s3  }
0x97: {  	_ =	strace $0x8FFFFFFF  }
0x98: {  	s19 =	sld [smem:$0x3FDB];
	_ =	sdelay $0x1  }
0x99: {  	s4 =	simm.s32 $_scs_section_size  }
0x9a: {  	s5 =	simm.s32 $_size__tile_overlayer_lowered;
	s6 =	simm.s32 $_tile_overlayer_lowered  }
0x9b: {  	s22 =	simm.s32 $0x1BFF;
	s21 =	sshll.u32 s6, $0x1;
	s3 =	sadd.s32 s4, s19  }
0x9c: {  	s7 =	simm.s32 $0x0;
	s20 =	sshll.u32 s5, $0x1;
	s5 =	sadd.s32 s21, s3  }
0x9d: {  	[timem:s7], [sflag:s22] =	dma.local [hbm:s5], s20  }
0x9e: {  	_ =	swait.ge [sflag:s22], s20  }
0x9f: {  	s4 =	ssub.s32 $0x0, s20;
	[sflag:s22] =	ssyncset.done $0x0  }
0xa0: {  	[sflag:s22] =	ssyncadd.s32 s4;
	_ =	sdelay $0x1  }
0xa1: {  	s23 =	simm.s32 $0x1B8B  }
0xa2: {  	_ =	swait.ge [sflag:s23], $0x1  }
0xa3: {  	[sflag:s23] =	ssyncset.done $0x0  }
0xa4: {  	s25 =	simm.s32 $0x1B8E;
	s24 =	sld [smem:$0x3FFE];
	[sflag:s23] =	ssyncadd.s32 $0xFFFFFFFF  }
0xa5: {  	s26 =	simm.s32 $execute0_lowered;
	[smem:$0x3FD2] =	sst s25  }
0xa6: {  	s5 =	sshll.u32 s26, $0x1;
	_ =	strace $0x8000004C;
	[dreg:$0x1] =	wrdreg $0xFFFFFFFF  }
0xa7: {  	s28 =	simm.s32 $_size_execute0_lowered;
	s3 =	sadd.s32 s3, s5;
	[dreg:$0x0] =	wrdreg $0x0  }
0xa8: {  	s5 =	sshll.u32 s28, $0x1;
	[dreg:$0x2] =	wrdreg s3  }
0xa9: {  	[dreg:$0x3] =	wrdreg s5  }
0xaa: {  	[dreg:$0x4] =	wrdreg $0xC0  }
0xab: {  	_ =	task [dreg:s7], $0x5FFFF  }
0xac: {  	[dreg:$0x1] =	wrdreg $0xFFFFFFFF  }
0xad: {  	[dreg:$0x0] =	wrdreg $0x60  }
0xae: {  	[dreg:$0x2] =	wrdreg s24  }
0xaf: {  	[dreg:$0x3] =	wrdreg s2  }
0xb0: {  	[dreg:$0x4] =	wrdreg $0xD2500  }
0xb1: {  	[dreg:$0x5] =	wrdreg $0x147800  }
0xb2: {  	[dreg:$0x6] =	wrdreg $0x9  }
0xb3: {  	_ =	task.clear_ibuf [dreg:s7], $0x7FFFF;
	_ =	strace $0x9000004C  }
0xb4: {  	s29 =	simm.s32 $0x9;
	_ =	strace $0x8000004E  }
0xb5: {  	_ =	swait.ge [sflag:s29], $0x1  }
0xb6: {  	[sflag:s29] =	ssyncadd.s32 $0xFFFFFFFF  }
0xb7: {  	_ =	strace $0x9000004E  }
0xb8: {  	_ =	sfence  }
0xb9: {  	s30 =	sld [smem:$0x0];
	_ =	sdelay $0x2  }
0xba: {  	s31 =	sshll.u32 s1, $0xD;
	s1 =	sshrl.u32 s1, $0x2  }
0xbb: {  	s3 =	sand.u32 $0x4000, s31;
	s1 =	sadd.s32 s1, s30  }
0xbc: {  	s0 =	sor.u32 s3, s0;
	s1 =	sshll.u32 s1, $0x11  }
0xbd: {  	s0 =	sor.u32 s1, s0  }
0xbe: {  	s0 =	sadd.s32 $0x8F2B, s0  }
0xbf: {  	[sflag:s0] =	ssyncadd.remote.s32 $0x1  }
0xc0: {  	_ =	sfence.sel $0xFFFF  }
0xc1: {  	[dreg:$0x0] =	wrdreg $0xFFFFFFFF;
	(pc) =	sbr.abs _section_cstart, $3  }
0xc2: {  	[dreg:$0x1] =	wrdreg $0xFFFFFFFF  }
0xc3: {  	_ =	task.clear_ibuf [dreg:s7], $0x2FFFF;
	_ =	strace $0x9FFFFFFF  }
0xc4: {  	(tm) =	ssettm $0x7FFFFFFF  }
0xc5: {  	_ =	shalt  }
tec
execute0_lowered:
.L_overlay_start_1:
0x0: {  	(tag) =	ssettag $0x1  }
0x1: {  	s6 =	rddreg [dreg:$0x0]  }
0x2: {  	s1 =	rddreg [dreg:$0x1]  }
0x3: {  	s3 =	rddreg [dreg:$0x2]  }
0x4: {  	s0 =	srdreg.scid;
	s4 =	rddreg [dreg:$0x3];
	s5 =	simm.s32 $0x0  }
0x5: {  	s15 =	simm.s32 $0x5D20;
	s16 =	simm.s32 $0x50;
	s17 =	simm.s32 $0x4E20  }
0x6: {  	s18 =	simm.s32 $0x1;
	s13 =	sand.u32 $0x1, s0;
	s0 =	stileid.u32  }
0x7: {  	s19 =	simm.s32 $0x2;
	s20 =	simm.s32 $0x0;
	s10 =	smul.u32 $0x7530, s0  }
0x8: {  	[smem:$0x7FF] =	sst s5;
	s2 =	sshll.u32 s13, $0x4;
	s9 =	smul.u32 $0x75300, s13  }
0x9: {  	s11 =	ssub.s32 $0x2, s13;
	p0 =	seq.s32 s13, $0x0;
	s13 =	simm.s32 $0x3  }
0xa: {  	s7 =	sor.u32 s0, s2;
	s2 =	rddreg [dreg:$0x4];
	_ =	strace $0x8000004D  }
0xb: {  	s12 =	sshrl.u32 s11, $0x1;
	s7 =	smul.u32 $0x2710, s7;
	s8 =	sshrl.u32 s10, $0x3  }
0xc: {  	s9 =	sadd.s32 s10, s9;
	s12 =	ssub.s32 s11, s12;
	s8 =	sadd.s32 s8, s6  }
0xd: {  	s9 =	sshrl.u32 s9, $0x3;
	s12 =	smax.u32 s12, $0x1;
	s7 =	sshrl.u32 s7, $0x3  }
0xe: {  	s14 =	sadd.s32 s9, s6;
	s8 =	sadd.s32 $0x15400, s8;
	s9 =	sadd.s32 s10, s3  }
0xf: {  	s10 =	sadd.s32 s10, s4;
	s7 =	sadd.s32 s7, s6;
	s11 =	sadd.s32 $0x24000, s14  }
0x10: {  	s14 =	simm.s32 $0x2710;
	s6 =	sadd.s32 $0x1A00, s7;
	s7 =	sadd.s32 $0xB640, s7  }
.LBB2_1:
0x11: {  	[tilespmem:s5], [sflag:$0x3] =	stream.linear.gather [hbm4b:s6+s5], $0x2710, $0x38;
	[tilespmem:$0x1BCB0] =	vst v63  }
0x12: {  	_ =	swait.ge [sflag:s13], $0x2710  }
0x13: {  	[sflag:s13] =	ssyncset.done $0x0  }
0x14: {  	[sflag:s13] =	ssyncadd.s32 $0xFFFFD8F0  }
0x15: {  	[tilespmem:s14], [sflag:$0x3] =	stream.linear.gather [hbm4b:s7+s5], $0x2710, $0x38;
	[tilespmem:$0x1BCB0] =	vst v63  }
0x16: {  	_ =	swait.ge [sflag:s13], $0x2710  }
0x17: {  	[sflag:s13] =	ssyncset.done $0x0  }
0x18: {  	[sflag:s13] =	ssyncadd.s32 $0xFFFFD8F0  }
0x19: {  	[tilespmem:s15], [sflag:$0x3] =	stream.linear.gather [hbm4b:s8+s5], $0x7530, $0x38;
	[tilespmem:$0x1BCB0] =	vst v63  }
0x1a: {  	_ =	swait.ge [sflag:s13], $0x7530  }
0x1b: {  	[sflag:s13] =	ssyncset.done $0x0  }
0x1c: {  	[sflag:s13] =	ssyncadd.s32 $0xFFFF8AD0  }
0x1d: {  	[spmem:s9] =	stream.linear.scatter [tilespmem:s15], [sflag:$0x3], $0x7530, $0x38;
	[tilespmem:$0x1BCB0] =	vst v63  }
0x1e: {  	_ =	swait.ge [sflag:s13], $0x7530  }
0x1f: {  	[sflag:s13] =	ssyncset.done $0x0  }
0x20: {  	s21 =	simm.s32 @!p0 $0x0;
	s22 =	simm.s32 @!p0 $0x5D20;
	[sflag:s13] =	ssyncadd.s32 $0xFFFF8AD0  }
0x21: {  	[tilespmem:s22], [sflag:$0x3] =	stream.linear.gather @!p0 [hbm4b:s1+s21], $0x7530, $0x38;
	[tilespmem:$0x1BCB0] =	vst v63  }
0x22: {  	s21 =	simm.s32 @!p0 $0x3  }
0x23: {  	_ =	swait.ge @!p0 [sflag:s21], $0x7530  }
0x24: {  	[sflag:s21] =	ssyncset.done @!p0 $0x0  }
0x25: {  	[sflag:s21] =	ssyncadd.s32 @!p0 $0xFFFF8AD0  }
0x26: {  	[spmem:s10] =	stream.linear.scatter [tilespmem:s15], [sflag:$0x3], $0x7530, $0x38;
	[tilespmem:$0x1BCB0] =	vst v63  }
0x27: {  	_ =	swait.ge [sflag:s13], $0x7530  }
0x28: {  	[sflag:s13] =	ssyncset.done $0x0  }
0x29: {  	[sflag:s13] =	ssyncadd.s32 $0xFFFF8AD0  }
0x2a: {  	s30 =	simm.s32 $0x0;
	[bflag:$0x0] =	sbarrier.arrive $0xFFFF  }
0x2b: {  	[tilespmem:s17], [sflag:$0x1] =	stream.indirect.gather [spmem:s3], $0x30, s30, s16, $0xb8;
	[tilespmem:$0x1BCB0] =	vst v63  }
0x2c: {  	_ =	swait.ge [sflag:s18], $0xF00  }
0x2d: {  	[sflag:s18] =	ssyncset.done $0x0  }
0x2e: {  	s31 =	simm.s32 $0x2710;
	[sflag:s18] =	ssyncadd.s32 $0xFFFFF100  }
0x2f: {  	[spmem:s4] =	stream.indirect.scatter.add.f32 [tilespmem:s17], [sflag:$0x2], $0x30, s31, s16, $0xb8;
	[tilespmem:$0x1BCB0] =	vst v63  }
0x30: {  	_ =	swait.ge [sflag:s19], $0xF00  }
0x31: {  	s22 =	simm.s32 $0x280;
	s21 =	simm.s32 $0x140;
	[sflag:s19] =	ssyncset.done $0x0  }
.LBB2_2:
0x32: {  	s23 =	sshra.s32 s21, $0x2  }
0x33: {  	[sflag:s19] =	ssyncadd.s32 $0xFFFFF100;
	s21 =	smov.u32 s22;
	s24 =	sadd.s32 $0x140, s22  }
0x34: {  	[tilespmem:s17], [sflag:$0x1] =	stream.indirect.gather [spmem:s3], $0x30, s23, s16, $0xb8;
	[tilespmem:$0x1BCB0] =	vst v63  }
0x35: {  	p1 =	sne.s32 s22, $0x9B00;
	_ =	swait.ge [sflag:s18], $0xF00  }
.Ltmp0:
0x36: {  	[sflag:s18] =	ssyncset.done $0x0;
	(pc) =	sbr.rel @p1 .LBB2_2-.Ltmp0, $4  }
0x37: {  	s22 =	sadd.s32 $0x2710, s23;
	[sflag:s18] =	ssyncadd.s32 $0xFFFFF100  }
0x38: {  	[spmem:s4] =	stream.indirect.scatter.add.f32 [tilespmem:s17], [sflag:$0x2], $0x30, s22, s16, $0xb8;
	[tilespmem:$0x1BCB0] =	vst v63  }
0x39: {  	_ =	swait.ge [sflag:s19], $0xF00  }
0x3a: {  	s22 =	smov.u32 s24;
	[sflag:s19] =	ssyncset.done $0x0  }
0x3b: {  	s21 =	sshra.s32 s21, $0x2;
	[sflag:s19] =	ssyncadd.s32 $0xFFFFF100  }
0x3c: {  	[tilespmem:s17], [sflag:$0x1] =	stream.indirect.gather [spmem:s3], $0x30, s21, s16, $0xb8;
	[tilespmem:$0x1BCB0] =	vst v63  }
0x3d: {  	_ =	swait.ge [sflag:s18], $0xF00  }
0x3e: {  	[sflag:s18] =	ssyncset.done $0x0  }
0x3f: {  	s21 =	sadd.s32 $0x2710, s21;
	[sflag:s18] =	ssyncadd.s32 $0xFFFFF100  }
0x40: {  	[spmem:s4] =	stream.indirect.scatter.add.f32 [tilespmem:s17], [sflag:$0x2], $0x30, s21, s16, $0xb8;
	[tilespmem:$0x1BCB0] =	vst v63  }
0x41: {  	_ =	swait.ge [sflag:s19], $0xF00  }
0x42: {  	[sflag:s19] =	ssyncset.done $0x0  }
0x43: {  	[sflag:s19] =	ssyncadd.s32 $0xFFFFF100  }
0x44: {  	[bflag:$0x0] =	sbarrier.arrive $0xFFFF  }
0x45: {  	[tilespmem:s15], [sflag:$0x3] =	stream.linear.gather [spmem:s10], $0x7530, $0x38;
	[tilespmem:$0x1BCB0] =	vst v63  }
0x46: {  	s20 =	sadd.s32 $0x1, s20;
	_ =	swait.ge [sflag:s13], $0x7530  }
0x47: {  	p1 =	sne.s32 s20, s12;
	[sflag:s13] =	ssyncset.done $0x0  }
.Ltmp1:
0x48: {  	[sflag:s13] =	ssyncadd.s32 $0xFFFF8AD0;
	(pc) =	sbr.rel @p1 .LBB2_1-.Ltmp1, $4  }
0x49: {  	[hbm4b:s11+s5] =	stream.linear.scatter [tilespmem:s15], [sflag:$0x3], $0x7530, $0x38;
	[tilespmem:$0x1BCB0] =	vst v63  }
0x4a: {  	_ =	swait.ge [sflag:s13], $0x7530  }
0x4b: {  	[sflag:s13] =	ssyncset.done $0x0  }
0x4c: {  	[sflag:s13] =	ssyncadd.s32 $0xFFFF8AD0  }
0x4d: {  	_ =	sfence.sel $0x180000  }
0x4e: {  	[bflag:$0x0] =	sbarrier.arrive $0xFFFF  }
0x4f: {  	p0 =	sne.s32 s0, $0x0;
	_ =	strace $0x9000004D  }
0x50: {  	s0 =	sadd.s32 @!p0 $0x100000, s2;
	[bflag:$0x2] =	sbarrier.arrive $0xFFFF  }
0x51: {  	[sflag:s0] =	ssyncadd.tile.s32 @!p0 $0x1;
	_ =	shalt  }
.Lfunc_end2:
_tile_overlayer_lowered:
.L_overlay_start_2:
0x52: {  	(tag) =	ssettag $0x2  }
0x53: {  	s0 =	rddreg [dreg:$0x0];
	s2 =	stileid.u32  }
0x54: {  	s1 =	rddreg [dreg:$0x1];
	p0 =	sne.s32 s2, $0x0  }
0x55: {  	s3 =	rddreg [dreg:$0x2];
	[bflag:$0x3] =	sbarrier.arrive $0xFFFF;
	s2 =	simm.s32 @!p0 $0x1C03  }
0x56: {  	[timem:s3], [sflag:s2] =	dma.local @!p0 [hbm:s0], s1  }
0x57: {  	s0 =	simm.s32 @!p0 $0x3  }
0x58: {  	_ =	swait.ge @!p0 [sflag:s0], s1  }
0x59: {  	s1 =	ssub.s32 @!p0 $0x0, s1;
	[sflag:s0] =	ssyncset.done @!p0 $0x0  }
0x5a: {  	[sflag:s0] =	ssyncadd.s32 @!p0 s1  }
0x5b: {  	[bflag:$0x3] =	sbarrier.arrive $0xFFFF  }
0x5c: {  	_ =	shalt  }

// kernel: kernel.9.cloned.1.call-start
scs
__scs_entry_jumppad:
0x0: {  	(pc) =	sbr.rel $0x88, $3  }
0x1: {  	(tag) =	ssettag $0x0;
	lr =	simm.s32 $0x1  }
0x2: {  	[smem:$0x3F9D] =	sst lr;
	_ =	strace $0xD0000000  }
0x3: {  	_ = 	snop  }
0x4: {  	_ = 	snop  }
0x5: {  	_ = 	snop  }
0x6: {  	_ = 	snop  }
0x7: {  	_ = 	snop  }
__scs_overlays_trampoline_lowered:
0x8: {  	[smem:$0x3FAC] =	sst s0  }
0x9: {  	[smem:$0x3FAD] =	sst s1  }
0xa: {  	[smem:$0x3FAE] =	sst s2  }
0xb: {  	[smem:$0x3FAF] =	sst s3  }
0xc: {  	[smem:$0x3FB0] =	sst s4  }
0xd: {  	[smem:$0x3FB1] =	sst s5  }
0xe: {  	[smem:$0x3FB2] =	sst s6  }
0xf: {  	[smem:$0x3FB3] =	sst s7  }
0x10: {  	[smem:$0x3FB4] =	sst s8  }
0x11: {  	[smem:$0x3FB5] =	sst s9;
	s0 =	simm.s32 @!p0 $0x0  }
0x12: {  	s1 =	sld [smem:$0x3F9B];
	s0 =	simm.s32 @p0 $0x1  }
0x13: {  	[smem:$0x3FB6] =	sst s0;
	s0 =	simm.s32 @!p1 $0x0  }
0x14: {  	s2 =	sld [smem:$0x3F9A];
	s0 =	simm.s32 @p1 $0x1  }
0x15: {  	[smem:$0x3FB7] =	sst s0;
	s0 =	simm.s32 @!p2 $0x0  }
0x16: {  	s3 =	sld [smem:$0x3FDB];
	s0 =	simm.s32 @p2 $0x1  }
0x17: {  	s4 =	simm.s32 $0x1BF5;
	[smem:$0x3FB9] =	sst s0  }
0x18: {  	s0 =	sld [smem:$0x3F9C];
	_ =	swait.ge [sflag:s4], $0x0  }
0x19: {  	s7 =	sld [smem:$0x3F9D]  }
0x1a: {  	s8 =	sadd.s32 $0xFFFFE003, lr  }
0x1b: {  	s9 =	sadd.s32 $0xFFFFFEF7, lr;
	s5 =	simm.s32 $0xFFFFFFFF;
	p2 =	slt.u32 s8, $0xFFFFF086  }
0x1c: {  	p1 =	slt.u32 s9, $0xF7A;
	s5 =	simm.s32 @!p2 $0x0  }
0x1d: {  	s5 =	simm.s32 @p1 $0x1;
	p0 =	seq.s32 s7, s2  }
0x1e: {  	s7 =	smul.u32 @!p0 $0xF7A, s2;
	p2 =	seq.s32 @!p0 s5, $0x0  }
0x1f: {  	s9 =	smul.u32 $0xF7A, s1;
	s8 =	simm.s32 @!p0 $0x1BF5;
	p2 =	por !p2, p0  }
0x20: {  	[sflag:s8] =	ssyncset.s32 @!p0 $0xFFFFF086;
	s6 =	sadd.s32 @!p0 s3, s7;
	s7 =	simm.s32 @!p0 $0x108  }
0x21: {  	s3 =	sadd.s32 s3, s9;
	s6 =	sadd.s32 @!p0 $0x88, s6;
	s7 =	simm.s32 @p2 $0x1082  }
0x22: {  	[simem:s7], [sflag:s8] =	dma.local @!p0 [hbm:s6], $0xF7A  }
0x23: {  	s9 =	sor.u32 $0xD0000000, s2;
	s6 =	simm.s32 $0x108;
	_ =	swait.ge @!p0 [sflag:s8], $0x0  }
0x24: {  	s3 =	sadd.s32 $0x88, s3;
	s6 =	simm.s32 @!p1 $0x1082;
	[sflag:s4] =	ssyncset.s32 $0xFFFFF086  }
0x25: {  	[simem:s6], [sflag:s4] =	dma.local [hbm:s3], $0xF7A  }
0x26: {  	[smem:$0x3F9D] =	sst s1;
	(tag) =	ssettag s2;
	_ =	strace s9  }
0x27: {  	s1 =	sld [smem:$0x3FAD]  }
0x28: {  	s2 =	sld [smem:$0x3FAE]  }
0x29: {  	s4 =	sld [smem:$0x3FB0]  }
0x2a: {  	p0 =	seq.s32 s5, $0x0;
	s5 =	sld [smem:$0x3FB1]  }
0x2b: {  	s6 =	sld [smem:$0x3FB2]  }
0x2c: {  	s7 =	sld [smem:$0x3FB3]  }
0x2d: {  	s3 =	simm.s32 $0x108;
	s8 =	sld [smem:$0x3FB4]  }
0x2e: {  	s3 =	simm.s32 @!p0 $0x1082;
	s9 =	sld [smem:$0x3FB5]  }
0x2f: {  	lr =	sadd.s32 s0, s3;
	s0 =	sld [smem:$0x3FAC]  }
0x30: {  	s3 =	sld [smem:$0x3FAF]  }
0x31: {  	[smem:$0x3FB8] =	sst s10  }
0x32: {  	s10 =	sld [smem:$0x3FB6];
	_ =	sdelay $0x3  }
0x33: {  	p0 =	seq.s32 s10, $0x1;
	s10 =	sld [smem:$0x3FB8];
	_ =	sdelay $0x3  }
0x34: {  	[smem:$0x3FB8] =	sst s10  }
0x35: {  	s10 =	sld [smem:$0x3FB7];
	_ =	sdelay $0x3  }
0x36: {  	p1 =	seq.s32 s10, $0x1;
	s10 =	sld [smem:$0x3FB8];
	_ =	sdelay $0x3  }
0x37: {  	[smem:$0x3FB8] =	sst s10  }
0x38: {  	s10 =	sld [smem:$0x3FB9]  }
0x39: {  	_ = 	snop;
	(pc) =	sbr.ind lr, $3  }
0x3a: {  	_ = 	snop  }
0x3b: {  	_ = 	snop  }
0x3c: {  	p2 =	seq.s32 s10, $0x1;
	s10 =	sld [smem:$0x3FB8]  }
0x3d: {  	_ =	shalt  }
0x3e: {  	_ =	shalt  }
0x3f: {  	_ =	shalt  }
0x40: {  	_ =	shalt  }
0x41: {  	_ =	shalt  }
0x42: {  	_ =	shalt  }
0x43: {  	_ =	shalt  }
0x44: {  	_ =	shalt  }
0x45: {  	_ =	shalt  }
0x46: {  	_ =	shalt  }
0x47: {  	_ =	shalt  }
0x48: {  	_ =	shalt  }
0x49: {  	_ =	shalt  }
0x4a: {  	_ =	shalt  }
0x4b: {  	_ =	shalt  }
0x4c: {  	_ =	shalt  }
0x4d: {  	_ =	shalt  }
0x4e: {  	_ =	shalt  }
0x4f: {  	_ =	shalt  }
0x50: {  	_ =	shalt  }
0x51: {  	_ =	shalt  }
0x52: {  	_ =	shalt  }
0x53: {  	_ =	shalt  }
0x54: {  	_ =	shalt  }
0x55: {  	_ =	shalt  }
0x56: {  	_ =	shalt  }
0x57: {  	_ =	shalt  }
0x58: {  	_ =	shalt  }
0x59: {  	_ =	shalt  }
0x5a: {  	_ =	shalt  }
0x5b: {  	_ =	shalt  }
0x5c: {  	_ =	shalt  }
0x5d: {  	_ =	shalt  }
0x5e: {  	_ =	shalt  }
0x5f: {  	_ =	shalt  }
0x60: {  	_ =	shalt  }
0x61: {  	_ =	shalt  }
0x62: {  	_ =	shalt  }
0x63: {  	_ =	shalt  }
0x64: {  	_ =	shalt  }
0x65: {  	_ =	shalt  }
0x66: {  	_ =	shalt  }
0x67: {  	_ =	shalt  }
0x68: {  	_ =	shalt  }
0x69: {  	_ =	shalt  }
0x6a: {  	_ =	shalt  }
0x6b: {  	_ =	shalt  }
0x6c: {  	_ =	shalt  }
0x6d: {  	_ =	shalt  }
0x6e: {  	_ =	shalt  }
0x6f: {  	_ =	shalt  }
0x70: {  	_ =	shalt  }
0x71: {  	_ =	shalt  }
0x72: {  	_ =	shalt  }
0x73: {  	_ =	shalt  }
0x74: {  	_ =	shalt  }
0x75: {  	_ =	shalt  }
0x76: {  	_ =	shalt  }
0x77: {  	_ =	shalt  }
0x78: {  	_ =	shalt  }
0x79: {  	_ =	shalt  }
0x7a: {  	_ =	shalt  }
0x7b: {  	_ =	shalt  }
0x7c: {  	_ =	shalt  }
0x7d: {  	_ =	shalt  }
0x7e: {  	_ =	shalt  }
0x7f: {  	_ =	shalt  }
0x80: {  	_ =	shalt  }
0x81: {  	_ =	shalt  }
0x82: {  	_ =	shalt  }
0x83: {  	_ =	shalt  }
0x84: {  	_ =	shalt  }
0x85: {  	_ =	shalt  }
0x86: {  	_ =	shalt  }
0x87: {  	_ =	shalt  }
.Lfunc_end0:
.L_simem_size_0:
called_computation_lowered:
.L_overlay_start_0:
0x88: {  	s2 =	sld [smem:$0x3FD9]  }
0x89: {  	s3 =	sld [smem:$0x3FFE];
	_ =	sdelay $0x1  }
0x8a: {  	s1 =	srdreg.scid  }
0x8b: {  	s0 =	sand.u32 $0x1, s1  }
0x8c: {  	s17 =	sshll.u32 s0, $0xA;
	s2 =	sadd.s32 s3, s2  }
0x8d: {  	s2 =	sadd.s32 s2, s17  }
0x8e: {  	[smem:$0x3FC4] =	sst s2  }
0x8f: {  	_ = 	snop  }
0x90: {  	s2 =	sld [smem:$0x3FD0];
	(tm) =	ssettm $0x1  }
0x91: {  	s18 =	sld [smem:$0x3FFB];
	_ =	sdelay $0x3  }
0x92: {  	_ =	strace s18  }
0x93: {  	s3 =	sld [smem:$0x3FFC];
	_ =	sdelay $0x3  }
0x94: {  	_ =	strace s3  }
0x95: {  	s3 =	sld [smem:$0x3FFD];
	_ =	sdelay $0x3  }
0x96: {  	_ =	strace s3  }
0x97: {  	_ =	strace $0x8FFFFFFF  }
0x98: {  	s19 =	sld [smem:$0x3FDB];
	_ =	sdelay $0x1  }
0x99: {  	s4 =	simm.s32 $_scs_section_size  }
0x9a: {  	s5 =	simm.s32 $_size__tile_overlayer_lowered;
	s6 =	simm.s32 $_tile_overlayer_lowered  }
0x9b: {  	s22 =	simm.s32 $0x1BFF;
	s21 =	sshll.u32 s6, $0x1;
	s3 =	sadd.s32 s4, s19  }
0x9c: {  	s7 =	simm.s32 $0x0;
	s20 =	sshll.u32 s5, $0x1;
	s5 =	sadd.s32 s21, s3  }
0x9d: {  	[timem:s7], [sflag:s22] =	dma.local [hbm:s5], s20  }
0x9e: {  	_ =	swait.ge [sflag:s22], s20  }
0x9f: {  	s4 =	ssub.s32 $0x0, s20;
	[sflag:s22] =	ssyncset.done $0x0  }
0xa0: {  	[sflag:s22] =	ssyncadd.s32 s4;
	_ =	sdelay $0x1  }
0xa1: {  	s23 =	simm.s32 $0x1B8B  }
0xa2: {  	_ =	swait.ge [sflag:s23], $0x1  }
0xa3: {  	[sflag:s23] =	ssyncset.done $0x0  }
0xa4: {  	s25 =	simm.s32 $0x1B8E;
	s24 =	sld [smem:$0x3FFE];
	[sflag:s23] =	ssyncadd.s32 $0xFFFFFFFF  }
0xa5: {  	s26 =	simm.s32 $execute0_lowered;
	[smem:$0x3FD2] =	sst s25  }
0xa6: {  	s5 =	sshll.u32 s26, $0x1;
	_ =	strace $0x80000046;
	[dreg:$0x1] =	wrdreg $0xFFFFFFFF  }
0xa7: {  	s28 =	simm.s32 $_size_execute0_lowered;
	s3 =	sadd.s32 s3, s5;
	[dreg:$0x0] =	wrdreg $0x0  }
0xa8: {  	s5 =	sshll.u32 s28, $0x1;
	[dreg:$0x2] =	wrdreg s3  }
0xa9: {  	[dreg:$0x3] =	wrdreg s5  }
0xaa: {  	[dreg:$0x4] =	wrdreg $0xC0  }
0xab: {  	_ =	task [dreg:s7], $0x5FFFF  }
0xac: {  	[dreg:$0x1] =	wrdreg $0xFFFFFFFF  }
0xad: {  	[dreg:$0x0] =	wrdreg $0x60  }
0xae: {  	[dreg:$0x2] =	wrdreg s24  }
0xaf: {  	[dreg:$0x3] =	wrdreg s2  }
0xb0: {  	[dreg:$0x4] =	wrdreg $0x52000  }
0xb1: {  	[dreg:$0x5] =	wrdreg $0x9  }
0xb2: {  	_ =	task.clear_ibuf [dreg:s7], $0x6FFFF;
	_ =	strace $0x90000046  }
0xb3: {  	s29 =	simm.s32 $0x9;
	_ =	strace $0x80000048  }
0xb4: {  	_ =	swait.ge [sflag:s29], $0x1  }
0xb5: {  	[sflag:s29] =	ssyncadd.s32 $0xFFFFFFFF  }
0xb6: {  	_ =	strace $0x90000048  }
0xb7: {  	_ =	sfence  }
0xb8: {  	s30 =	sld [smem:$0x0];
	_ =	sdelay $0x2  }
0xb9: {  	s31 =	sshll.u32 s1, $0xD;
	s1 =	sshrl.u32 s1, $0x2  }
0xba: {  	s3 =	sand.u32 $0x4000, s31;
	s1 =	sadd.s32 s1, s30  }
0xbb: {  	s0 =	sor.u32 s3, s0;
	s1 =	sshll.u32 s1, $0x11  }
0xbc: {  	s0 =	sor.u32 s1, s0  }
0xbd: {  	s0 =	sadd.s32 $0x8F2B, s0  }
0xbe: {  	[sflag:s0] =	ssyncadd.remote.s32 $0x1  }
0xbf: {  	_ =	sfence.sel $0xFFFF  }
0xc0: {  	[dreg:$0x0] =	wrdreg $0xFFFFFFFF;
	(pc) =	sbr.abs _section_cstart, $3  }
0xc1: {  	[dreg:$0x1] =	wrdreg $0xFFFFFFFF  }
0xc2: {  	_ =	task.clear_ibuf [dreg:s7], $0x2FFFF;
	_ =	strace $0x9FFFFFFF  }
0xc3: {  	(tm) =	ssettm $0x7FFFFFFF  }
tec
execute0_lowered:
.L_overlay_start_1:
0x0: {  	(tag) =	ssettag $0x1  }
0x1: {  	s0 =	rddreg [dreg:$0x0];
	s2 =	srdreg.scid  }
0x2: {  	s1 =	rddreg [dreg:$0x1];
	s4 =	sand.u32 $0x1, s2  }
0x3: {  	s3 =	rddreg [dreg:$0x2];
	s9 =	stileid.u32;
	s5 =	sshll.u32 s4, $0x4  }
0x4: {  	s2 =	simm.s32 $0x0;
	s26 =	smul.u32 $0x5000, s9;
	s5 =	sor.u32 s9, s5  }
0x5: {  	s7 =	sshrl.u32 s9, $0x3;
	s10 =	sshll.u32 s9, $0x7;
	s5 =	smul.u32 $0x2710, s5  }
0x6: {  	[smem:$0x7FF] =	sst s2;
	s6 =	ssub.s32 $0x2, s4;
	s7 =	smul.u32 $0x50000, s7  }
0x7: {  	_ =	strace $0x80000047;
	s8 =	sshrl.u32 s6, $0x1;
	s5 =	sshrl.u32 s5, $0x3  }
0x8: {  	s6 =	ssub.s32 s6, s8;
	s7 =	sshrl.u32 s7, $0x2;
	s0 =	sadd.s32 s0, s5  }
0x9: {  	s7 =	sadd.s32 s7, s3;
	s5 =	sand.u32 $0x380, s10;
	s0 =	sadd.s32 $0xB640, s0  }
0xa: {  	s8 =	sshrl.u32 s26, $0x2;
	s11 =	sadd.s32 s5, s7;
	[dreg:$0x4] =	wrdreg s0  }
0xb: {  	s5 =	sadd.s32 s8, s3;
	s7 =	smax.u32 s6, $0x1;
	[dreg:$0x5] =	wrdreg s11  }
0xc: {  	s12 =	sadd.s32 $0x80, s5;
	[dreg:$0x16] =	wrdreg s7  }
0xd: {  	s13 =	sadd.s32 $0x100, s5;
	[dreg:$0x6] =	wrdreg s12  }
0xe: {  	s14 =	sadd.s32 $0x180, s5;
	[dreg:$0x7] =	wrdreg s13  }
0xf: {  	s15 =	sadd.s32 $0x200, s5;
	[dreg:$0x8] =	wrdreg s14  }
0x10: {  	s16 =	sadd.s32 $0x280, s5;
	[dreg:$0x9] =	wrdreg s15  }
0x11: {  	s17 =	sadd.s32 $0x300, s5;
	[dreg:$0xa] =	wrdreg s16  }
0x12: {  	s18 =	sadd.s32 $0x380, s5;
	[dreg:$0xb] =	wrdreg s17  }
0x13: {  	s19 =	sadd.s32 $0x14000, s5;
	[dreg:$0xc] =	wrdreg s18  }
0x14: {  	s3 =	sadd.s32 $0x14080, s5;
	[dreg:$0xd] =	wrdreg s19  }
0x15: {  	s21 =	sadd.s32 $0x14100, s5;
	[dreg:$0xe] =	wrdreg s3  }
0x16: {  	s23 =	sadd.s32 $0x14180, s5;
	[dreg:$0xf] =	wrdreg s21  }
0x17: {  	s24 =	sadd.s32 $0x14200, s5;
	[dreg:$0x10] =	wrdreg s23  }
0x18: {  	s25 =	sadd.s32 $0x14280, s5;
	[dreg:$0x11] =	wrdreg s24  }
0x19: {  	s26 =	sadd.s32 $0x14300, s5;
	[dreg:$0x12] =	wrdreg s25  }
0x1a: {  	s22 =	sshll.u32 s4, $0x7;
	s4 =	sadd.s32 $0x14380, s5;
	[dreg:$0x13] =	wrdreg s26  }
0x1b: {  	s8 =	sadd.s32 $0x400, s5;
	[dreg:$0x14] =	wrdreg s4  }
0x1c: {  	s20 =	smul.u32 $0x500, s9;
	s9 =	sadd.s32 $0x800, s5;
	[dreg:$0x17] =	wrdreg s8  }
0x1d: {  	s10 =	sadd.s32 $0xC00, s5;
	[dreg:$0x18] =	wrdreg s9  }
0x1e: {  	s11 =	sadd.s32 $0x1000, s5;
	[dreg:$0x19] =	wrdreg s10  }
0x1f: {  	s0 =	sor.u32 s22, s20;
	s20 =	sadd.s32 $0x580, s5;
	[dreg:$0x1a] =	wrdreg s11  }
0x20: {  	s22 =	sadd.s32 $0xD80, s5;
	[smem:$0x7DF] =	sst s20  }
0x21: {  	s6 =	sadd.s32 $0xE80, s5;
	[smem:$0x7E1] =	sst s22  }
0x22: {  	s7 =	sadd.s32 $0x1280, s5;
	[smem:$0x7E9] =	sst s6  }
0x23: {  	s12 =	sadd.s32 $0x480, s5;
	[smem:$0x7EA] =	sst s7  }
0x24: {  	s13 =	sadd.s32 $0x880, s5;
	[dreg:$0x1b] =	wrdreg s12  }
0x25: {  	s14 =	sadd.s32 $0xC80, s5;
	[dreg:$0x1c] =	wrdreg s13  }
0x26: {  	s15 =	sadd.s32 $0x1080, s5;
	[dreg:$0x1d] =	wrdreg s14  }
0x27: {  	s16 =	sadd.s32 $0x500, s5;
	[dreg:$0x1e] =	wrdreg s15  }
0x28: {  	s17 =	sadd.s32 $0x900, s5;
	[dreg:$0x1f] =	wrdreg s16  }
0x29: {  	s18 =	sadd.s32 $0xD00, s5;
	[smem:$0x7DC] =	sst s17  }
0x2a: {  	s19 =	sadd.s32 $0x1100, s5;
	[smem:$0x7DD] =	sst s18  }
0x2b: {  	s21 =	sadd.s32 $0x980, s5;
	[smem:$0x7DE] =	sst s19  }
0x2c: {  	s23 =	sadd.s32 $0x1180, s5;
	[smem:$0x7E0] =	sst s21  }
0x2d: {  	s24 =	sadd.s32 $0x600, s5;
	[smem:$0x7E2] =	sst s23  }
0x2e: {  	s25 =	sadd.s32 $0xA00, s5;
	[smem:$0x7E3] =	sst s24  }
0x2f: {  	s26 =	sadd.s32 $0xE00, s5;
	[smem:$0x7E4] =	sst s25  }
0x30: {  	s3 =	sadd.s32 $0x680, s5;
	[smem:$0x7E5] =	sst s26  }
0x31: {  	s4 =	sadd.s32 $0xA80, s5;
	[smem:$0x7E7] =	sst s3  }
0x32: {  	s8 =	sadd.s32 $0x700, s5;
	[smem:$0x7E8] =	sst s4  }
0x33: {  	s9 =	sadd.s32 $0xB00, s5;
	[smem:$0x7EB] =	sst s8  }
0x34: {  	s10 =	sadd.s32 $0xF00, s5;
	[smem:$0x7EC] =	sst s9  }
0x35: {  	s11 =	sadd.s32 $0x1300, s5;
	[smem:$0x7ED] =	sst s10  }
0x36: {  	s20 =	sadd.s32 $0x14480, s5;
	[smem:$0x7EE] =	sst s11  }
0x37: {  	s0 =	sshrl.u32 s0, $0x3;
	s22 =	sadd.s32 $0x14C80, s5;
	[smem:$0x7F7] =	sst s20  }
0x38: {  	s0 =	sadd.s32 s1, s0;
	[smem:$0x7F9] =	sst s22  }
0x39: {  	s1 =	sadd.s32 $0x1200, s5;
	[dreg:$0x15] =	wrdreg s0  }
0x3a: {  	s12 =	sadd.s32 $0x780, s5;
	[smem:$0x7E6] =	sst s1  }
0x3b: {  	s13 =	sadd.s32 $0xB80, s5;
	[smem:$0x7EF] =	sst s12  }
0x3c: {  	s14 =	sadd.s32 $0xF80, s5;
	[smem:$0x7F0] =	sst s13  }
0x3d: {  	s30 =	simm.s32 $0x1;
	s15 =	sadd.s32 $0x1380, s5;
	[smem:$0x7F1] =	sst s14  }
0x3e: {  	s31 =	simm.s32 $0x2780;
	s16 =	sadd.s32 $0x14400, s5;
	[smem:$0x7F2] =	sst s15  }
0x3f: {  	s28 =	sadd.s32 $0x14F80, s5;
	s17 =	sadd.s32 $0x14800, s5;
	[smem:$0x7F3] =	sst s16  }
0x40: {  	s29 =	sadd.s32 $0x15380, s5;
	s18 =	sadd.s32 $0x14C00, s5;
	[smem:$0x7F4] =	sst s17  }
0x41: {  	s19 =	sadd.s32 $0x15000, s5;
	s21 =	sadd.s32 $0x14880, s5;
	[smem:$0x7F5] =	sst s18  }
0x42: {  	s23 =	sadd.s32 $0x15080, s5;
	s24 =	sadd.s32 $0x14500, s5;
	[smem:$0x7F6] =	sst s19  }
0x43: {  	s25 =	sadd.s32 $0x14900, s5;
	s26 =	sadd.s32 $0x14D00, s5;
	[smem:$0x7F8] =	sst s21  }
0x44: {  	s8 =	sadd.s32 $0x15100, s5;
	s9 =	sadd.s32 $0x14580, s5;
	[smem:$0x7FA] =	sst s23  }
0x45: {  	s10 =	sadd.s32 $0x14980, s5;
	s11 =	sadd.s32 $0x14D80, s5;
	[smem:$0x7FB] =	sst s24  }
0x46: {  	s20 =	sadd.s32 $0x15280, s5;
	s22 =	sadd.s32 $0x14B00, s5;
	[smem:$0x7FC] =	sst s25  }
0x47: {  	[smem:$0x7FD] =	sst s26;
	s12 =	sadd.s32 $0x15180, s5;
	s13 =	sadd.s32 $0x14600, s5  }
0x48: {  	s14 =	sadd.s32 $0x14A00, s5;
	s15 =	sadd.s32 $0x14E00, s5;
	s16 =	sadd.s32 $0x15200, s5  }
0x49: {  	s17 =	sadd.s32 $0x14680, s5;
	s18 =	sadd.s32 $0x14A80, s5;
	s19 =	sadd.s32 $0x14E80, s5  }
0x4a: {  	s21 =	sadd.s32 $0x14700, s5;
	s23 =	sadd.s32 $0x14F00, s5;
	s24 =	sadd.s32 $0x15300, s5  }
0x4b: {  	v0 =	vimm.f32 $0.0e+00;
	v1 =	vimm.f32 $1.000000000e+00;
	s25 =	sadd.s32 $0x14780, s5;
	s26 =	sadd.s32 $0x14B80, s5;
	s0 =	simm.s32 $0x80  }
.LBB2_1:
0x4c: {  	s1 =	simm.s32 $0x40;
	s3 =	simm.s32 $0x0  }
.LBB2_2:
0x4d: {  	p0 =	sne.s32 s1, $0x9FC0;
	[tilespmem:s3+$0x2780] =	vst v0;
	s3 =	smov.u32 s1;
	s1 =	sadd.s32 $0x40, s1  }
.Ltmp0:
0x4e: {  	(pc) =	sbr.rel @p0 .LBB2_2-.Ltmp0, $2  }
0x4f: {  	_ =	sdelay $0x2  }
0x50: {  	s3 =	sshra.s32 s3, $0x2  }
0x51: {  	[tilespmem:s3+$0x2780] =	vst v0;
	s1 =	simm.s32 $0x0;
	s7 =	rddreg [dreg:$0x4]  }
0x52: {  	[tilespmem:s1], [sflag:$0x1] =	stream.linear.gather [hbm4b:s7+s1], $0x2710, $0x38;
	[tilespmem:$0xA200] =	vst v63  }
0x53: {  	_ =	swait.ge [sflag:s30], $0x2710  }
0x54: {  	[sflag:s30] =	ssyncset.done $0x0  }
0x55: {  	s3 =	simm.s32 $0x0;
	s1 =	simm.s32 $0x40;
	[sflag:s30] =	ssyncadd.s32 $0xFFFFD8F0  }
.LBB2_4:
0x56: {  	p0 =	sne.s32 s1, $0x9C00;
	v2 =	vld [tilespmem:s3+$0x0];
	_ =	sdelay $0x3  }
.Ltmp1:
0x57: {  	(pc) =	sbr.rel @p0 .LBB2_4-.Ltmp1, $2  }
0x58: {  	_ =	sdelay $0x2  }
0x59: {  	s3 =	sshra.s32 s1, $0x2;
	s1 =	sadd.s32 $0x40, s1;
	[tilespmem:v2+s31+$0x0] =	vst.idx.add.f32.msk $0xffff, v1  }
0x5a: {  	v2 =	vld [tilespmem:s3+$0x0];
	_ =	sdelay $0x7  }
0x5b: {  	s1 =	rddreg [dreg:$0x5];
	s7 =	simm.s32 $0x400;
	[tilespmem:v2+s31+$0x0] =	vst.idx.add.f32.msk $0xffff, v1  }
0x5c: {  	[spmem:s1] =	stream.strided.scatter [tilespmem:s31], [sflag:$0x1], $0x2800, s7, s0, $0x38;
	[tilespmem:$0xA200] =	vst v63  }
0x5d: {  	_ =	swait.ge [sflag:s30], $0x2800  }
0x5e: {  	[sflag:s30] =	ssyncset.done $0x0  }
0x5f: {  	[sflag:s30] =	ssyncadd.s32 $0xFFFFD800  }
0x60: {  	s4 =	simm.s32 $0x7A00;
	[bflag:$0x0] =	sbarrier.arrive $0xFFFF  }
0x61: {  	[tilespmem:s4], [sflag:$0x1] =	stream.linear.gather [spmem:s5], $0x80, $0x38;
	[tilespmem:$0xA200] =	vst v63  }
0x62: {  	s7 =	simm.s32 $0x7E00;
	s6 =	rddreg [dreg:$0x17]  }
0x63: {  	[tilespmem:s7], [sflag:$0x1] =	stream.linear.gather [spmem:s6], $0x80, $0x38;
	[tilespmem:$0xA200] =	vst v63  }
0x64: {  	s3 =	rddreg [dreg:$0x18];
	s4 =	simm.s32 $0x8200  }
0x65: {  	[tilespmem:s4], [sflag:$0x1] =	stream.linear.gather [spmem:s3], $0x80, $0x38;
	[tilespmem:$0xA200] =	vst v63  }
0x66: {  	s6 =	rddreg [dreg:$0x19];
	s7 =	simm.s32 $0x8600  }
0x67: {  	[tilespmem:s7], [sflag:$0x1] =	stream.linear.gather [spmem:s6], $0x80, $0x38;
	[tilespmem:$0xA200] =	vst v63  }
0x68: {  	s3 =	rddreg [dreg:$0x1a];
	s4 =	simm.s32 $0x8A00  }
0x69: {  	[tilespmem:s4], [sflag:$0x1] =	stream.linear.gather [spmem:s3], $0x80, $0x38;
	[tilespmem:$0xA200] =	vst v63  }
0x6a: {  	_ =	swait.ge [sflag:s30], $0x280  }
0x6b: {  	[sflag:s30] =	ssyncset.done $0x0  }
0x6c: {  	s7 =	simm.s32 $0x7A80;
	s6 =	rddreg [dreg:$0x6];
	[sflag:s30] =	ssyncadd.s32 $0xFFFFFD80  }
0x6d: {  	[tilespmem:s7], [sflag:$0x1] =	stream.linear.gather [spmem:s6], $0x80, $0x38;
	[tilespmem:$0xA200] =	vst v63  }
0x6e: {  	s4 =	simm.s32 $0x7E80;
	s3 =	rddreg [dreg:$0x1b]  }
0x6f: {  	[tilespmem:s4], [sflag:$0x1] =	stream.linear.gather [spmem:s3], $0x80, $0x38;
	[tilespmem:$0xA200] =	vst v63  }
0x70: {  	s6 =	rddreg [dreg:$0x1c];
	s7 =	simm.s32 $0x8280  }
0x71: {  	[tilespmem:s7], [sflag:$0x1] =	stream.linear.gather [spmem:s6], $0x80, $0x38;
	[tilespmem:$0xA200] =	vst v63  }
0x72: {  	s3 =	rddreg [dreg:$0x1d];
	s4 =	simm.s32 $0x8680  }
0x73: {  	[tilespmem:s4], [sflag:$0x1] =	stream.linear.gather [spmem:s3], $0x80, $0x38;
	[tilespmem:$0xA200] =	vst v63  }
0x74: {  	s6 =	rddreg [dreg:$0x1e];
	s7 =	simm.s32 $0x8A80  }
0x75: {  	[tilespmem:s7], [sflag:$0x1] =	stream.linear.gather [spmem:s6], $0x80, $0x38;
	[tilespmem:$0xA200] =	vst v63  }
0x76: {  	_ =	swait.ge [sflag:s30], $0x280  }
0x77: {  	[sflag:s30] =	ssyncset.done $0x0;
	s3 =	rddreg [dreg:$0x7]  }
0x78: {  	s4 =	simm.s32 $0x7B00;
	s6 =	rddreg [dreg:$0x1f];
	[sflag:s30] =	ssyncadd.s32 $0xFFFFFD80  }
0x79: {  	[tilespmem:s4], [sflag:$0x1] =	stream.linear.gather [spmem:s3], $0x80, $0x38;
	[tilespmem:$0xA200] =	vst v63  }
0x7a: {  	s7 =	simm.s32 $0x7F00;
	s3 =	sld [smem:$0x7DC]  }
0x7b: {  	[tilespmem:s7], [sflag:$0x1] =	stream.linear.gather [spmem:s6], $0x80, $0x38;
	[tilespmem:$0xA200] =	vst v63  }
0x7c: {  	s4 =	simm.s32 $0x8300;
	s6 =	sld [smem:$0x7DD]  }
0x7d: {  	[tilespmem:s4], [sflag:$0x1] =	stream.linear.gather [spmem:s3], $0x80, $0x38;
	[tilespmem:$0xA200] =	vst v63  }
0x7e: {  	s7 =	simm.s32 $0x8700;
	s3 =	sld [smem:$0x7DE]  }
0x7f: {  	[tilespmem:s7], [sflag:$0x1] =	stream.linear.gather [spmem:s6], $0x80, $0x38;
	[tilespmem:$0xA200] =	vst v63  }
0x80: {  	s4 =	simm.s32 $0x8B00  }
0x81: {  	[tilespmem:s4], [sflag:$0x1] =	stream.linear.gather [spmem:s3], $0x80, $0x38;
	[tilespmem:$0xA200] =	vst v63  }
0x82: {  	_ =	swait.ge [sflag:s30], $0x280  }
0x83: {  	[sflag:s30] =	ssyncset.done $0x0;
	s6 =	rddreg [dreg:$0x8]  }
0x84: {  	s7 =	simm.s32 $0x7B80;
	s3 =	sld [smem:$0x7DF];
	[sflag:s30] =	ssyncadd.s32 $0xFFFFFD80  }
0x85: {  	[tilespmem:s7], [sflag:$0x1] =	stream.linear.gather [spmem:s6], $0x80, $0x38;
	[tilespmem:$0xA200] =	vst v63  }
0x86: {  	s4 =	simm.s32 $0x7F80;
	s6 =	sld [smem:$0x7E0]  }
0x87: {  	[tilespmem:s4], [sflag:$0x1] =	stream.linear.gather [spmem:s3], $0x80, $0x38;
	[tilespmem:$0xA200] =	vst v63  }
0x88: {  	s7 =	simm.s32 $0x8380;
	s3 =	sld [smem:$0x7E1]  }
0x89: {  	[tilespmem:s7], [sflag:$0x1] =	stream.linear.gather [spmem:s6], $0x80, $0x38;
	[tilespmem:$0xA200] =	vst v63  }
0x8a: {  	s4 =	simm.s32 $0x8780;
	s6 =	sld [smem:$0x7E2]  }
0x8b: {  	[tilespmem:s4], [sflag:$0x1] =	stream.linear.gather [spmem:s3], $0x80, $0x38;
	[tilespmem:$0xA200] =	vst v63  }
0x8c: {  	s7 =	simm.s32 $0x8B80  }
0x8d: {  	[tilespmem:s7], [sflag:$0x1] =	stream.linear.gather [spmem:s6], $0x80, $0x38;
	[tilespmem:$0xA200] =	vst v63  }
0x8e: {  	_ =	swait.ge [sflag:s30], $0x280  }
0x8f: {  	[sflag:s30] =	ssyncset.done $0x0;
	s3 =	rddreg [dreg:$0x9]  }
0x90: {  	s4 =	simm.s32 $0x7C00;
	s6 =	sld [smem:$0x7E3];
	[sflag:s30] =	ssyncadd.s32 $0xFFFFFD80  }
0x91: {  	[tilespmem:s4], [sflag:$0x1] =	stream.linear.gather [spmem:s3], $0x80, $0x38;
	[tilespmem:$0xA200] =	vst v63  }
0x92: {  	s7 =	simm.s32 $0x8000;
	s3 =	sld [smem:$0x7E4]  }
0x93: {  	[tilespmem:s7], [sflag:$0x1] =	stream.linear.gather [spmem:s6], $0x80, $0x38;
	[tilespmem:$0xA200] =	vst v63  }
0x94: {  	s4 =	simm.s32 $0x8400;
	s6 =	sld [smem:$0x7E5]  }
0x95: {  	[tilespmem:s4], [sflag:$0x1] =	stream.linear.gather [spmem:s3], $0x80, $0x38;
	[tilespmem:$0xA200] =	vst v63  }
0x96: {  	s7 =	simm.s32 $0x8800;
	s3 =	sld [smem:$0x7E6]  }
0x97: {  	[tilespmem:s7], [sflag:$0x1] =	stream.linear.gather [spmem:s6], $0x80, $0x38;
	[tilespmem:$0xA200] =	vst v63  }
0x98: {  	s4 =	simm.s32 $0x8C00  }
0x99: {  	[tilespmem:s4], [sflag:$0x1] =	stream.linear.gather [spmem:s3], $0x80, $0x38;
	[tilespmem:$0xA200] =	vst v63  }
0x9a: {  	_ =	swait.ge [sflag:s30], $0x280  }
0x9b: {  	[sflag:s30] =	ssyncset.done $0x0;
	s6 =	rddreg [dreg:$0xa]  }
0x9c: {  	s7 =	simm.s32 $0x7C80;
	s3 =	sld [smem:$0x7E7];
	[sflag:s30] =	ssyncadd.s32 $0xFFFFFD80  }
0x9d: {  	[tilespmem:s7], [sflag:$0x1] =	stream.linear.gather [spmem:s6], $0x80, $0x38;
	[tilespmem:$0xA200] =	vst v63  }
0x9e: {  	s4 =	simm.s32 $0x8080;
	s6 =	sld [smem:$0x7E8]  }
0x9f: {  	[tilespmem:s4], [sflag:$0x1] =	stream.linear.gather [spmem:s3], $0x80, $0x38;
	[tilespmem:$0xA200] =	vst v63  }
0xa0: {  	s7 =	simm.s32 $0x8480;
	s3 =	sld [smem:$0x7E9]  }
0xa1: {  	[tilespmem:s7], [sflag:$0x1] =	stream.linear.gather [spmem:s6], $0x80, $0x38;
	[tilespmem:$0xA200] =	vst v63  }
0xa2: {  	s4 =	simm.s32 $0x8880;
	s6 =	sld [smem:$0x7EA]  }
0xa3: {  	[tilespmem:s4], [sflag:$0x1] =	stream.linear.gather [spmem:s3], $0x80, $0x38;
	[tilespmem:$0xA200] =	vst v63  }
0xa4: {  	s7 =	simm.s32 $0x8C80  }
0xa5: {  	[tilespmem:s7], [sflag:$0x1] =	stream.linear.gather [spmem:s6], $0x80, $0x38;
	[tilespmem:$0xA200] =	vst v63  }
0xa6: {  	_ =	swait.ge [sflag:s30], $0x280  }
0xa7: {  	[sflag:s30] =	ssyncset.done $0x0;
	s3 =	rddreg [dreg:$0xb]  }
0xa8: {  	s4 =	simm.s32 $0x7D00;
	s6 =	sld [smem:$0x7EB];
	[sflag:s30] =	ssyncadd.s32 $0xFFFFFD80  }
0xa9: {  	[tilespmem:s4], [sflag:$0x1] =	stream.linear.gather [spmem:s3], $0x80, $0x38;
	[tilespmem:$0xA200] =	vst v63  }
0xaa: {  	s7 =	simm.s32 $0x8100;
	s3 =	sld [smem:$0x7EC]  }
0xab: {  	[tilespmem:s7], [sflag:$0x1] =	stream.linear.gather [spmem:s6], $0x80, $0x38;
	[tilespmem:$0xA200] =	vst v63  }
0xac: {  	s4 =	simm.s32 $0x8500;
	s6 =	sld [smem:$0x7ED]  }
0xad: {  	[tilespmem:s4], [sflag:$0x1] =	stream.linear.gather [spmem:s3], $0x80, $0x38;
	[tilespmem:$0xA200] =	vst v63  }
0xae: {  	s7 =	simm.s32 $0x8900;
	s3 =	sld [smem:$0x7EE]  }
0xaf: {  	[tilespmem:s7], [sflag:$0x1] =	stream.linear.gather [spmem:s6], $0x80, $0x38;
	[tilespmem:$0xA200] =	vst v63  }
0xb0: {  	s4 =	simm.s32 $0x8D00  }
0xb1: {  	[tilespmem:s4], [sflag:$0x1] =	stream.linear.gather [spmem:s3], $0x80, $0x38;
	[tilespmem:$0xA200] =	vst v63  }
0xb2: {  	_ =	swait.ge [sflag:s30], $0x280  }
0xb3: {  	[sflag:s30] =	ssyncset.done $0x0;
	s6 =	rddreg [dreg:$0xc]  }
0xb4: {  	s7 =	simm.s32 $0x7D80;
	s3 =	sld [smem:$0x7EF];
	[sflag:s30] =	ssyncadd.s32 $0xFFFFFD80  }
0xb5: {  	[tilespmem:s7], [sflag:$0x1] =	stream.linear.gather [spmem:s6], $0x80, $0x38;
	[tilespmem:$0xA200] =	vst v63  }
0xb6: {  	s4 =	simm.s32 $0x8180;
	s6 =	sld [smem:$0x7F0]  }
0xb7: {  	[tilespmem:s4], [sflag:$0x1] =	stream.linear.gather [spmem:s3], $0x80, $0x38;
	[tilespmem:$0xA200] =	vst v63  }
0xb8: {  	s7 =	simm.s32 $0x8580;
	s3 =	sld [smem:$0x7F1]  }
0xb9: {  	[tilespmem:s7], [sflag:$0x1] =	stream.linear.gather [spmem:s6], $0x80, $0x38;
	[tilespmem:$0xA200] =	vst v63  }
0xba: {  	s4 =	simm.s32 $0x8980;
	s6 =	sld [smem:$0x7F2]  }
0xbb: {  	[tilespmem:s4], [sflag:$0x1] =	stream.linear.gather [spmem:s3], $0x80, $0x38;
	[tilespmem:$0xA200] =	vst v63  }
0xbc: {  	s7 =	simm.s32 $0x8D80  }
0xbd: {  	[tilespmem:s7], [sflag:$0x1] =	stream.linear.gather [spmem:s6], $0x80, $0x38;
	[tilespmem:$0xA200] =	vst v63  }
0xbe: {  	_ =	swait.ge [sflag:s30], $0x280  }
0xbf: {  	[sflag:s30] =	ssyncset.done $0x0;
	s3 =	rddreg [dreg:$0xd]  }
0xc0: {  	s4 =	simm.s32 $0x8E00;
	s6 =	sld [smem:$0x7F3];
	[sflag:s30] =	ssyncadd.s32 $0xFFFFFD80  }
0xc1: {  	[tilespmem:s4], [sflag:$0x1] =	stream.linear.gather [spmem:s3], $0x80, $0x38;
	[tilespmem:$0xA200] =	vst v63  }
0xc2: {  	s7 =	simm.s32 $0x9200;
	s3 =	sld [smem:$0x7F4]  }
0xc3: {  	[tilespmem:s7], [sflag:$0x1] =	stream.linear.gather [spmem:s6], $0x80, $0x38;
	[tilespmem:$0xA200] =	vst v63  }
0xc4: {  	s4 =	simm.s32 $0x9600;
	s6 =	sld [smem:$0x7F5]  }
0xc5: {  	[tilespmem:s4], [sflag:$0x1] =	stream.linear.gather [spmem:s3], $0x80, $0x38;
	[tilespmem:$0xA200] =	vst v63  }
0xc6: {  	s7 =	simm.s32 $0x9A00;
	s3 =	sld [smem:$0x7F6]  }
0xc7: {  	[tilespmem:s7], [sflag:$0x1] =	stream.linear.gather [spmem:s6], $0x80, $0x38;
	[tilespmem:$0xA200] =	vst v63  }
0xc8: {  	s4 =	simm.s32 $0x9E00  }
0xc9: {  	[tilespmem:s4], [sflag:$0x1] =	stream.linear.gather [spmem:s3], $0x80, $0x38;
	[tilespmem:$0xA200] =	vst v63  }
0xca: {  	_ =	swait.ge [sflag:s30], $0x280  }
0xcb: {  	[sflag:s30] =	ssyncset.done $0x0;
	s6 =	rddreg [dreg:$0xe]  }
0xcc: {  	s7 =	simm.s32 $0x8E80;
	s3 =	sld [smem:$0x7F7];
	[sflag:s30] =	ssyncadd.s32 $0xFFFFFD80  }
0xcd: {  	[tilespmem:s7], [sflag:$0x1] =	stream.linear.gather [spmem:s6], $0x80, $0x38;
	[tilespmem:$0xA200] =	vst v63  }
0xce: {  	s4 =	simm.s32 $0x9280;
	s6 =	sld [smem:$0x7F8]  }
0xcf: {  	[tilespmem:s4], [sflag:$0x1] =	stream.linear.gather [spmem:s3], $0x80, $0x38;
	[tilespmem:$0xA200] =	vst v63  }
0xd0: {  	s7 =	simm.s32 $0x9680;
	s3 =	sld [smem:$0x7F9]  }
0xd1: {  	[tilespmem:s7], [sflag:$0x1] =	stream.linear.gather [spmem:s6], $0x80, $0x38;
	[tilespmem:$0xA200] =	vst v63  }
0xd2: {  	s4 =	simm.s32 $0x9A80;
	s6 =	sld [smem:$0x7FA]  }
0xd3: {  	[tilespmem:s4], [sflag:$0x1] =	stream.linear.gather [spmem:s3], $0x80, $0x38;
	[tilespmem:$0xA200] =	vst v63  }
0xd4: {  	s7 =	simm.s32 $0x9E80  }
0xd5: {  	[tilespmem:s7], [sflag:$0x1] =	stream.linear.gather [spmem:s6], $0x80, $0x38;
	[tilespmem:$0xA200] =	vst v63  }
0xd6: {  	_ =	swait.ge [sflag:s30], $0x280  }
0xd7: {  	[sflag:s30] =	ssyncset.done $0x0;
	s3 =	rddreg [dreg:$0xf]  }
0xd8: {  	s4 =	simm.s32 $0x8F00;
	s6 =	sld [smem:$0x7FB];
	[sflag:s30] =	ssyncadd.s32 $0xFFFFFD80  }
0xd9: {  	[tilespmem:s4], [sflag:$0x1] =	stream.linear.gather [spmem:s3], $0x80, $0x38;
	[tilespmem:$0xA200] =	vst v63  }
0xda: {  	s7 =	simm.s32 $0x9300;
	s3 =	sld [smem:$0x7FC]  }
0xdb: {  	[tilespmem:s7], [sflag:$0x1] =	stream.linear.gather [spmem:s6], $0x80, $0x38;
	[tilespmem:$0xA200] =	vst v63  }
0xdc: {  	s4 =	simm.s32 $0x9700;
	s6 =	sld [smem:$0x7FD]  }
0xdd: {  	[tilespmem:s4], [sflag:$0x1] =	stream.linear.gather [spmem:s3], $0x80, $0x38;
	[tilespmem:$0xA200] =	vst v63  }
0xde: {  	s7 =	simm.s32 $0x9B00  }
0xdf: {  	[tilespmem:s7], [sflag:$0x1] =	stream.linear.gather [spmem:s6], $0x80, $0x38;
	[tilespmem:$0xA200] =	vst v63  }
0xe0: {  	s4 =	simm.s32 $0x9F00  }
0xe1: {  	[tilespmem:s4], [sflag:$0x1] =	stream.linear.gather [spmem:s8], $0x80, $0x38;
	[tilespmem:$0xA200] =	vst v63  }
0xe2: {  	_ =	swait.ge [sflag:s30], $0x280  }
0xe3: {  	[sflag:s30] =	ssyncset.done $0x0  }
0xe4: {  	s7 =	simm.s32 $0x8F80;
	s6 =	rddreg [dreg:$0x10];
	[sflag:s30] =	ssyncadd.s32 $0xFFFFFD80  }
0xe5: {  	[tilespmem:s7], [sflag:$0x1] =	stream.linear.gather [spmem:s6], $0x80, $0x38;
	[tilespmem:$0xA200] =	vst v63  }
0xe6: {  	s3 =	simm.s32 $0x9380  }
0xe7: {  	[tilespmem:s3], [sflag:$0x1] =	stream.linear.gather [spmem:s9], $0x80, $0x38;
	[tilespmem:$0xA200] =	vst v63  }
0xe8: {  	s4 =	simm.s32 $0x9780  }
0xe9: {  	[tilespmem:s4], [sflag:$0x1] =	stream.linear.gather [spmem:s10], $0x80, $0x38;
	[tilespmem:$0xA200] =	vst v63  }
0xea: {  	s6 =	simm.s32 $0x9B80  }
0xeb: {  	[tilespmem:s6], [sflag:$0x1] =	stream.linear.gather [spmem:s11], $0x80, $0x38;
	[tilespmem:$0xA200] =	vst v63  }
0xec: {  	s7 =	simm.s32 $0x9F80  }
0xed: {  	[tilespmem:s7], [sflag:$0x1] =	stream.linear.gather [spmem:s12], $0x80, $0x38;
	[tilespmem:$0xA200] =	vst v63  }
0xee: {  	_ =	swait.ge [sflag:s30], $0x280  }
0xef: {  	[sflag:s30] =	ssyncset.done $0x0  }
0xf0: {  	s4 =	simm.s32 $0x9000;
	s3 =	rddreg [dreg:$0x11];
	[sflag:s30] =	ssyncadd.s32 $0xFFFFFD80  }
0xf1: {  	[tilespmem:s4], [sflag:$0x1] =	stream.linear.gather [spmem:s3], $0x80, $0x38;
	[tilespmem:$0xA200] =	vst v63  }
0xf2: {  	s6 =	simm.s32 $0x9400  }
0xf3: {  	[tilespmem:s6], [sflag:$0x1] =	stream.linear.gather [spmem:s13], $0x80, $0x38;
	[tilespmem:$0xA200] =	vst v63  }
0xf4: {  	s7 =	simm.s32 $0x9800  }
0xf5: {  	[tilespmem:s7], [sflag:$0x1] =	stream.linear.gather [spmem:s14], $0x80, $0x38;
	[tilespmem:$0xA200] =	vst v63  }
0xf6: {  	s3 =	simm.s32 $0x9C00  }
0xf7: {  	[tilespmem:s3], [sflag:$0x1] =	stream.linear.gather [spmem:s15], $0x80, $0x38;
	[tilespmem:$0xA200] =	vst v63  }
0xf8: {  	s4 =	simm.s32 $0xA000  }
0xf9: {  	[tilespmem:s4], [sflag:$0x1] =	stream.linear.gather [spmem:s16], $0x80, $0x38;
	[tilespmem:$0xA200] =	vst v63  }
0xfa: {  	_ =	swait.ge [sflag:s30], $0x280  }
0xfb: {  	[sflag:s30] =	ssyncset.done $0x0  }
0xfc: {  	s7 =	simm.s32 $0x9080;
	s6 =	rddreg [dreg:$0x12];
	[sflag:s30] =	ssyncadd.s32 $0xFFFFFD80  }
0xfd: {  	[tilespmem:s7], [sflag:$0x1] =	stream.linear.gather [spmem:s6], $0x80, $0x38;
	[tilespmem:$0xA200] =	vst v63  }
0xfe: {  	s3 =	simm.s32 $0x9480  }
0xff: {  	[tilespmem:s3], [sflag:$0x1] =	stream.linear.gather [spmem:s17], $0x80, $0x38;
	[tilespmem:$0xA200] =	vst v63  }
0x100: {  	s4 =	simm.s32 $0x9880  }
0x101: {  	[tilespmem:s4], [sflag:$0x1] =	stream.linear.gather [spmem:s18], $0x80, $0x38;
	[tilespmem:$0xA200] =	vst v63  }
0x102: {  	s6 =	simm.s32 $0x9C80  }
0x103: {  	[tilespmem:s6], [sflag:$0x1] =	stream.linear.gather [spmem:s19], $0x80, $0x38;
	[tilespmem:$0xA200] =	vst v63  }
0x104: {  	s7 =	simm.s32 $0xA080  }
0x105: {  	[tilespmem:s7], [sflag:$0x1] =	stream.linear.gather [spmem:s20], $0x80, $0x38;
	[tilespmem:$0xA200] =	vst v63  }
0x106: {  	_ =	swait.ge [sflag:s30], $0x280  }
0x107: {  	[sflag:s30] =	ssyncset.done $0x0  }
0x108: {  	s4 =	simm.s32 $0x9100;
	s3 =	rddreg [dreg:$0x13];
	[sflag:s30] =	ssyncadd.s32 $0xFFFFFD80  }
0x109: {  	[tilespmem:s4], [sflag:$0x1] =	stream.linear.gather [spmem:s3], $0x80, $0x38;
	[tilespmem:$0xA200] =	vst v63  }
0x10a: {  	s6 =	simm.s32 $0x9500  }
0x10b: {  	[tilespmem:s6], [sflag:$0x1] =	stream.linear.gather [spmem:s21], $0x80, $0x38;
	[tilespmem:$0xA200] =	vst v63  }
0x10c: {  	s7 =	simm.s32 $0x9900  }
0x10d: {  	[tilespmem:s7], [sflag:$0x1] =	stream.linear.gather [spmem:s22], $0x80, $0x38;
	[tilespmem:$0xA200] =	vst v63  }
0x10e: {  	s3 =	simm.s32 $0x9D00  }
0x10f: {  	[tilespmem:s3], [sflag:$0x1] =	stream.linear.gather [spmem:s23], $0x80, $0x38;
	[tilespmem:$0xA200] =	vst v63  }
0x110: {  	s4 =	simm.s32 $0xA100  }
0x111: {  	[tilespmem:s4], [sflag:$0x1] =	stream.linear.gather [spmem:s24], $0x80, $0x38;
	[tilespmem:$0xA200] =	vst v63  }
0x112: {  	_ =	swait.ge [sflag:s30], $0x280  }
0x113: {  	[sflag:s30] =	ssyncset.done $0x0  }
0x114: {  	s7 =	simm.s32 $0x9180;
	s6 =	rddreg [dreg:$0x14];
	[sflag:s30] =	ssyncadd.s32 $0xFFFFFD80  }
0x115: {  	[tilespmem:s7], [sflag:$0x1] =	stream.linear.gather [spmem:s6], $0x80, $0x38;
	[tilespmem:$0xA200] =	vst v63  }
0x116: {  	s4 =	simm.s32 $0x9580  }
0x117: {  	[tilespmem:s4], [sflag:$0x1] =	stream.linear.gather [spmem:s25], $0x80, $0x38;
	[tilespmem:$0xA200] =	vst v63  }
0x118: {  	s6 =	simm.s32 $0x9980  }
0x119: {  	[tilespmem:s6], [sflag:$0x1] =	stream.linear.gather [spmem:s26], $0x80, $0x38;
	[tilespmem:$0xA200] =	vst v63  }
0x11a: {  	s7 =	simm.s32 $0x9D80  }
0x11b: {  	[tilespmem:s7], [sflag:$0x1] =	stream.linear.gather [spmem:s28], $0x80, $0x38;
	[tilespmem:$0xA200] =	vst v63  }
0x11c: {  	s3 =	simm.s32 $0xA180  }
0x11d: {  	[tilespmem:s3], [sflag:$0x1] =	stream.linear.gather [spmem:s29], $0x80, $0x38;
	[tilespmem:$0xA200] =	vst v63  }
0x11e: {  	s4 =	simm.s32 $0x0;
	_ =	swait.ge [sflag:s30], $0x280  }
0x11f: {  	s1 =	sand.u32 $0x1C00, s4;
	s6 =	sand.u32 $0x70, s4;
	[sflag:s30] =	ssyncset.done $0x0  }
0x120: {  	s1 =	sor.u32 s6, s1;
	[sflag:s30] =	ssyncadd.s32 $0xFFFFFD80  }
0x121: {  	v2 =	vld [tilespmem:s1+$0x7A80]  }
0x122: {  	v3 =	vld [tilespmem:s1+$0x7A00];
	_ =	sdelay $0x1  }
0x123: {  	v4 =	vld [tilespmem:s1+$0x7B00];
	_ =	sdelay $0x1  }
0x124: {  	v5 =	vld [tilespmem:s1+$0x7B80]  }
0x125: {  	v2 =	vadd.f32 v2, v3  }
0x126: {  	v3 =	vld [tilespmem:s1+$0x7C00]  }
0x127: {  	v2 =	vadd.f32 v4, v2  }
0x128: {  	v56 =	vld [tilespmem:s1+$0x7C80]  }
0x129: {  	v2 =	vadd.f32 v5, v2  }
0x12a: {  	v57 =	vld [tilespmem:s1+$0x7D00]  }
0x12b: {  	v2 =	vadd.f32 v3, v2  }
0x12c: {  	v3 =	vld [tilespmem:s1+$0x7D80]  }
0x12d: {  	v2 =	vadd.f32 v56, v2  }
0x12e: {  	v58 =	vld [tilespmem:s1+$0x8E00]  }
0x12f: {  	v2 =	vadd.f32 v57, v2  }
0x130: {  	v59 =	vld [tilespmem:s1+$0x8E80]  }
0x131: {  	v2 =	vadd.f32 v3, v2  }
0x132: {  	v3 =	vld [tilespmem:s1+$0x8F00]  }
0x133: {  	v2 =	vadd.f32 v58, v2  }
0x134: {  	v60 =	vld [tilespmem:s1+$0x8F80]  }
0x135: {  	v2 =	vadd.f32 v59, v2  }
0x136: {  	v61 =	vld [tilespmem:s1+$0x9000]  }
0x137: {  	v2 =	vadd.f32 v3, v2  }
0x138: {  	v3 =	vld [tilespmem:s1+$0x9080]  }
0x139: {  	v2 =	vadd.f32 v60, v2  }
0x13a: {  	v62 =	vld [tilespmem:s1+$0x9100]  }
0x13b: {  	v2 =	vadd.f32 v61, v2  }
0x13c: {  	v63 =	vld [tilespmem:s1+$0x9180]  }
0x13d: {  	v2 =	vadd.f32 v3, v2;
	_ =	sdelay $0x1  }
0x13e: {  	v2 =	vadd.f32 v62, v2;
	_ =	sdelay $0x1  }
0x13f: {  	s4 =	simm.s32 $0x80;
	s7 =	simm.s32 $0x10;
	v2 =	vadd.f32 v63, v2  }
0x140: {  	s6 =	sand.u32 $0x1C00, s4;
	s3 =	sand.u32 $0x70, s7;
	s1 =	simm.s32 $0x4F80  }
0x141: {  	s3 =	sor.u32 s3, s6;
	s6 =	simm.s32 $0x20;
	[tilespmem:s1+$0x0] =	vst v2  }
.LBB2_6:
0x142: {  	p0 =	sne.s32 s6, $0x270;
	v2 =	vld [tilespmem:s3+$0x7A80]  }
0x143: {  	v3 =	vld [tilespmem:s3+$0x7A00];
	_ =	sdelay $0x1  }
0x144: {  	v4 =	vld [tilespmem:s3+$0x7B00];
	_ =	sdelay $0x1  }
0x145: {  	v5 =	vld [tilespmem:s3+$0x7B80]  }
0x146: {  	v2 =	vadd.f32 v2, v3  }
0x147: {  	v3 =	vld [tilespmem:s3+$0x7C00]  }
0x148: {  	v2 =	vadd.f32 v4, v2  }
0x149: {  	v4 =	vld [tilespmem:s3+$0x7C80]  }
0x14a: {  	v2 =	vadd.f32 v5, v2  }
0x14b: {  	v5 =	vld [tilespmem:s3+$0x7D00]  }
0x14c: {  	v2 =	vadd.f32 v3, v2  }
0x14d: {  	v3 =	vld [tilespmem:s3+$0x7D80]  }
0x14e: {  	v2 =	vadd.f32 v4, v2  }
0x14f: {  	v4 =	vld [tilespmem:s3+$0x8E00]  }
0x150: {  	v2 =	vadd.f32 v5, v2  }
0x151: {  	v5 =	vld [tilespmem:s3+$0x8E80]  }
0x152: {  	v2 =	vadd.f32 v3, v2  }
0x153: {  	v3 =	vld [tilespmem:s3+$0x8F00]  }
0x154: {  	v2 =	vadd.f32 v4, v2  }
0x155: {  	v4 =	vld [tilespmem:s3+$0x8F80]  }
0x156: {  	v2 =	vadd.f32 v5, v2  }
0x157: {  	v5 =	vld [tilespmem:s3+$0x9000]  }
0x158: {  	v2 =	vadd.f32 v3, v2  }
0x159: {  	v3 =	vld [tilespmem:s3+$0x9080]  }
0x15a: {  	v2 =	vadd.f32 v4, v2  }
0x15b: {  	v4 =	vld [tilespmem:s3+$0x9100]  }
0x15c: {  	v2 =	vadd.f32 v5, v2  }
0x15d: {  	v5 =	vld [tilespmem:s3+$0x9180]  }
0x15e: {  	v2 =	vadd.f32 v3, v2;
	_ =	sdelay $0x1  }
.Ltmp2:
0x15f: {  	v2 =	vadd.f32 v4, v2;
	(pc) =	sbr.rel @p0 .LBB2_6-.Ltmp2, $4  }
0x160: {  	_ = 	snop  }
0x161: {  	s4 =	sadd.s32 $0x80, s4;
	v2 =	vadd.f32 v5, v2  }
0x162: {  	s1 =	sadd.s32 $0x10, s1;
	s7 =	sand.u32 $0x1C00, s4;
	s3 =	sand.u32 $0x70, s6  }
0x163: {  	s6 =	sadd.s32 $0x10, s6;
	s3 =	sor.u32 s3, s7;
	[tilespmem:s1+$0x0] =	vst v2  }
0x164: {  	v2 =	vld [tilespmem:s3+$0x7A80]  }
0x165: {  	v3 =	vld [tilespmem:s3+$0x7A00];
	_ =	sdelay $0x1  }
0x166: {  	v4 =	vld [tilespmem:s3+$0x7B00];
	_ =	sdelay $0x1  }
0x167: {  	v5 =	vld [tilespmem:s3+$0x7B80]  }
0x168: {  	v2 =	vadd.f32 v2, v3  }
0x169: {  	v3 =	vld [tilespmem:s3+$0x7C00]  }
0x16a: {  	v2 =	vadd.f32 v4, v2  }
0x16b: {  	v56 =	vld [tilespmem:s3+$0x7C80]  }
0x16c: {  	v2 =	vadd.f32 v5, v2  }
0x16d: {  	v57 =	vld [tilespmem:s3+$0x7D00]  }
0x16e: {  	v2 =	vadd.f32 v3, v2  }
0x16f: {  	v3 =	vld [tilespmem:s3+$0x7D80]  }
0x170: {  	v2 =	vadd.f32 v56, v2  }
0x171: {  	v58 =	vld [tilespmem:s3+$0x8E00]  }
0x172: {  	v2 =	vadd.f32 v57, v2  }
0x173: {  	v59 =	vld [tilespmem:s3+$0x8E80]  }
0x174: {  	v2 =	vadd.f32 v3, v2  }
0x175: {  	v3 =	vld [tilespmem:s3+$0x8F00]  }
0x176: {  	v2 =	vadd.f32 v58, v2  }
0x177: {  	v60 =	vld [tilespmem:s3+$0x8F80]  }
0x178: {  	v2 =	vadd.f32 v59, v2  }
0x179: {  	v61 =	vld [tilespmem:s3+$0x9000]  }
0x17a: {  	v2 =	vadd.f32 v3, v2  }
0x17b: {  	v3 =	vld [tilespmem:s3+$0x9080]  }
0x17c: {  	v2 =	vadd.f32 v60, v2  }
0x17d: {  	v62 =	vld [tilespmem:s3+$0x9100]  }
0x17e: {  	v2 =	vadd.f32 v61, v2  }
0x17f: {  	v63 =	vld [tilespmem:s3+$0x9180]  }
0x180: {  	v2 =	vadd.f32 v3, v2;
	_ =	sdelay $0x1  }
0x181: {  	v2 =	vadd.f32 v62, v2;
	_ =	sdelay $0x1  }
0x182: {  	v2 =	vadd.f32 v63, v2  }
0x183: {  	s1 =	sadd.s32 $0x10, s1  }
0x184: {  	s6 =	simm.s32 $0x100;
	s4 =	simm.s32 $0x4F80;
	s3 =	rddreg [dreg:$0x15];
	[tilespmem:s1+$0x0] =	vst v2  }
0x185: {  	[hbm4b:s3+s0] =	stream.strided.scatter [tilespmem:s4], [sflag:$0x1], $0x280, s6, s0, $0x38;
	[tilespmem:$0xA200] =	vst v63  }
0x186: {  	_ =	swait.ge [sflag:s30], $0x280  }
0x187: {  	s2 =	sadd.s32 $0x1, s2;
	s7 =	rddreg [dreg:$0x16]  }
0x188: {  	p0 =	sne.s32 s2, s7  }
.Ltmp3:
0x189: {  	_ = 	snop;
	(pc) =	sbr.rel @p0 .LBB2_1-.Ltmp3, $3  }
0x18a: {  	_ =	sdelay $0x1  }
0x18b: {  	[sflag:s30] =	ssyncset.done $0x0  }
0x18c: {  	[sflag:s30] =	ssyncadd.s32 $0xFFFFFD80  }
0x18d: {  	_ =	sfence.sel $0x180000  }
0x18e: {  	[bflag:$0x0] =	sbarrier.arrive $0xFFFF  }
0x18f: {  	_ =	strace $0x90000047  }
0x190: {  	s0 =	stileid.u32;
	[bflag:$0x2] =	sbarrier.arrive $0xFFFF  }
0x191: {  	p0 =	sne.s32 s0, $0x0;
	s0 =	rddreg [dreg:$0x3]  }
0x192: {  	s0 =	sadd.s32 @!p0 $0x100000, s0  }
0x193: {  	[sflag:s0] =	ssyncadd.tile.s32 @!p0 $0x1;
	_ =	shalt  }
.Lfunc_end2:
_tile_overlayer_lowered:
.L_overlay_start_2:
0x194: {  	(tag) =	ssettag $0x2  }
0x195: {  	s0 =	rddreg [dreg:$0x0];
	s2 =	stileid.u32  }
0x196: {  	s1 =	rddreg [dreg:$0x1];
	p0 =	sne.s32 s2, $0x0  }
0x197: {  	s3 =	rddreg [dreg:$0x2];
	[bflag:$0x3] =	sbarrier.arrive $0xFFFF;
	s2 =	simm.s32 @!p0 $0x1C01  }
0x198: {  	[timem:s3], [sflag:s2] =	dma.local @!p0 [hbm:s0], s1  }
0x199: {  	s0 =	simm.s32 @!p0 $0x1  }
0x19a: {  	_ =	swait.ge @!p0 [sflag:s0], s1  }
0x19b: {  	s1 =	ssub.s32 @!p0 $0x0, s1;
	[sflag:s0] =	ssyncset.done @!p0 $0x0  }
0x19c: {  	[sflag:s0] =	ssyncadd.s32 @!p0 s1  }
0x19d: {  	[bflag:$0x3] =	sbarrier.arrive $0xFFFF  }
0x19e: {  	_ =	shalt  }

</sc_bundles>
